<compile_context>
chip_gen: v7x
topology: tpu7x:2x2x1
jax: 0.10.2.dev20260603
libtpu: 0.0.44.dev20260713+nightly
codegen_flags: <defaults>
</compile_context>

<pallas_src>
import jax
import jax.numpy as jnp
from jax import lax
from jax.experimental import pallas as pl
from jax.experimental.pallas import tpu as pltpu
from jax.experimental.pallas import tpu_sc as plsc

_N_NODES = 10000
_N_EDGES = 320000
_NF = 128
_NH = 64
_NHH = 32
_NT = 128

_NC = 2
_NS = 16
_NW = _NC * _NS
_NE_H = _N_EDGES // 2
_CHUNK = 80
_NCHT = _NE_H // _CHUNK
_JG = (_NCHT + _NW - 1) // _NW
_CNTW = 16

_SPAN = 624
_TAIL = _N_NODES - _NS * _SPAN
_TAIL_BASE = _NS * _SPAN


def _sc_mesh():
    return plsc.VectorSubcoreMesh(core_axis_name="c", subcore_axis_name="s")


def _sc_gather(xa, col3d, row3d):

    def body(xa_hbm, col_hbm, row_hbm, g_hbm, pc_hbm,
             cidx_v, ridx_v, rows_v, ones_v, cwb_v, cnt_s, sem):
        sid = lax.axis_index("s")
        cid = lax.axis_index("c")
        wid = sid * _NC + cid
        nbase = sid * _SPAN

        def zfill(i, carry):
            cwb_v[i, :] = jnp.zeros((_CNTW,), jnp.float32)
            return carry

        lax.fori_loop(0, _SPAN, zfill, 0)

        def ofill(i, carry):
            ones_v[i, :] = jnp.ones((_CNTW,), jnp.float32)
            return carry

        lax.fori_loop(0, _CHUNK, ofill, 0)

        pltpu.sync_copy(cwb_v, cnt_s.at[pl.ds(nbase, _SPAN)])

        @pl.when(sid == _NS - 1)
        def _tail_zero():
            pltpu.sync_copy(cwb_v.at[pl.ds(0, _TAIL)],
                            cnt_s.at[pl.ds(_TAIL_BASE, _TAIL)])

        pltpu.sync_copy(col_hbm.at[wid], cidx_v)
        pltpu.sync_copy(row_hbm.at[wid], ridx_v)
        plsc.subcore_barrier()

        def step(j, carry):
            c = j * _NW + wid

            @pl.when(c < _NCHT)
            def _do():
                pltpu.async_copy(xa_hbm.at[cidx_v.at[j]], rows_v, sem).wait()
                pltpu.sync_copy(rows_v, g_hbm.at[pl.ds(c * _CHUNK, _CHUNK)])
                pltpu.sync_copy(ones_v, cnt_s.at[ridx_v.at[j]], add=True)

            return carry

        lax.fori_loop(0, _JG, step, 0)
        plsc.subcore_barrier()

        obase = cid * _N_NODES + nbase
        pltpu.sync_copy(cnt_s.at[pl.ds(nbase, _SPAN)], cwb_v)
        pltpu.sync_copy(cwb_v, pc_hbm.at[pl.ds(obase, _SPAN)])

        @pl.when(sid == _NS - 1)
        def _tail_wb():
            pltpu.sync_copy(cnt_s.at[pl.ds(_TAIL_BASE, _TAIL)],
                            cwb_v.at[pl.ds(0, _TAIL)])
            pltpu.sync_copy(cwb_v.at[pl.ds(0, _TAIL)],
                            pc_hbm.at[pl.ds(cid * _N_NODES + _TAIL_BASE,
                                            _TAIL)])

    f = pl.kernel(
        body,
        out_type=(
            jax.ShapeDtypeStruct((_NE_H, _NF), jnp.float32),
            jax.ShapeDtypeStruct((_NC * _N_NODES, _CNTW), jnp.float32),
        ),
        mesh=_sc_mesh(),
        compiler_params=pltpu.CompilerParams(use_tc_tiling_on_sc=False),
        scratch_types=[
            pltpu.VMEM((_JG, _CHUNK), jnp.int32),
            pltpu.VMEM((_JG, _CHUNK), jnp.int32),
            pltpu.VMEM((_CHUNK, _NF), jnp.float32),
            pltpu.VMEM((_CHUNK, _CNTW), jnp.float32),
            pltpu.VMEM((_SPAN, _CNTW), jnp.float32),
            pltpu.VMEM_SHARED((_N_NODES, _CNTW), jnp.float32),
            pltpu.SemaphoreType.DMA,
        ],
    )
    return f(xa, col3d, row3d)


_RCH = 40
_SP = 208
_NSP = _SPAN // _SP


def _sc_scatter(hp, bidx):

    def body(hp_hbm, bidx_hbm, ps_hbm, idx_v, ha_v, hb_v, zbuf, obuf, acc):
        sid = lax.axis_index("s")
        cid = lax.axis_index("c")
        wid = sid * _NC + cid
        nbase = sid * _SPAN

        def zfill(t, carry):
            zbuf[t // 4, pl.ds((t % 4) * 16, 16)] = jnp.zeros((16,),
                                                              jnp.float32)
            return carry

        lax.fori_loop(0, _SP * 4, zfill, 0)
        pltpu.sync_copy(bidx_hbm.at[wid], idx_v)

        for s in range(_NSP):
            pltpu.sync_copy(zbuf, acc.at[pl.ds(nbase + s * _SP, _SP)])

        @pl.when(sid == _NS - 1)
        def _tail_zero():
            pltpu.sync_copy(zbuf.at[pl.ds(0, _TAIL)],
                            acc.at[pl.ds(_TAIL_BASE, _TAIL)])

        plsc.subcore_barrier()

        def step(j, carry):
            c = j * _NW + wid

            @pl.when(c < _NCHT)
            def _do():
                pltpu.sync_copy(
                    hp_hbm.at[pl.ds(c * _RCH, _RCH), pl.ds(0, _NH)],
                    ha_v)
                pltpu.sync_copy(
                    hp_hbm.at[pl.ds(c * _RCH, _RCH), pl.ds(_NH, _NH)],
                    hb_v)
                pltpu.sync_copy(ha_v, acc.at[idx_v.at[2 * j]], add=True)
                pltpu.sync_copy(hb_v, acc.at[idx_v.at[2 * j + 1]], add=True)

            return carry

        lax.fori_loop(0, _JG, step, 0)
        plsc.subcore_barrier()

        obase = cid * _N_NODES + nbase
        for s in range(_NSP):
            pltpu.sync_copy(acc.at[pl.ds(nbase + s * _SP, _SP)], obuf)
            pltpu.sync_copy(obuf, ps_hbm.at[pl.ds(obase + s * _SP, _SP)])

        @pl.when(sid == _NS - 1)
        def _tail_wb():
            pltpu.sync_copy(acc.at[pl.ds(_TAIL_BASE, _TAIL)],
                            obuf.at[pl.ds(0, _TAIL)])
            pltpu.sync_copy(
                obuf.at[pl.ds(0, _TAIL)],
                ps_hbm.at[pl.ds(cid * _N_NODES + _TAIL_BASE, _TAIL)])

    f = pl.kernel(
        body,
        out_type=jax.ShapeDtypeStruct((2 * _N_NODES, _NH), jnp.float32),
        mesh=_sc_mesh(),
        compiler_params=pltpu.CompilerParams(use_tc_tiling_on_sc=False),
        scratch_types=[
            pltpu.VMEM((2 * _JG, _RCH), jnp.int32),
            pltpu.VMEM((_RCH, _NH), jnp.float32),
            pltpu.VMEM((_RCH, _NH), jnp.float32),
            pltpu.VMEM((_SP, _NH), jnp.float32),
            pltpu.VMEM((_SP, _NH), jnp.float32),
            pltpu.VMEM_SHARED((_N_NODES, _NH), jnp.float32),
        ],
    )
    return f(hp, bidx)


def _tc_xa(x, w_top_pad):

    def body(x_ref, w_ref, o_ref):
        o_ref[...] = jnp.dot(x_ref[...], w_ref[...],
                             preferred_element_type=jnp.float32)

    return pl.pallas_call(
        body,
        grid=(10,),
        in_specs=[
            pl.BlockSpec((_N_NODES // 10, _NF), lambda i: (i, 0)),
            pl.BlockSpec((_NF, _NF), lambda i: (0, 0)),
        ],
        out_specs=pl.BlockSpec((_N_NODES // 10, _NF), lambda i: (i, 0)),
        out_shape=jax.ShapeDtypeStruct((_N_NODES, _NF), jnp.float32),
    )(x, w_top_pad)


_EB = 2000


def _tc_edge(g, ea, w_bot, b1a, g1, be1, w2, b2, hoff):

    def body(g_ref, ea_ref, wa_ref, ba_ref, g1_ref, be_ref, wb_ref, bb_ref,
             o_ref):
        t = jnp.dot(ea_ref[...], wa_ref[...],
                    preferred_element_type=jnp.float32)
        t = t + g_ref[...][:, :_NH] + ba_ref[...]
        t = jnp.maximum(t, 0.0)
        m = jnp.mean(t, axis=-1, keepdims=True)
        v = jnp.mean((t - m) * (t - m), axis=-1, keepdims=True)
        t = (t - m) * lax.rsqrt(v + 1e-5) * g1_ref[...] + be_ref[...]
        h = jnp.dot(t, wb_ref[...],
                    preferred_element_type=jnp.float32) + bb_ref[...]
        o_ref[...] = jnp.concatenate([h[:_EB // 2], h[_EB // 2:]], axis=1)

    n_blocks = _NE_H // _EB
    vec = lambda: pl.BlockSpec((1, _NH), lambda i: (0, 0))
    mat = lambda: pl.BlockSpec((_NH, _NH), lambda i: (0, 0))
    return pl.pallas_call(
        body,
        grid=(n_blocks,),
        in_specs=[
            pl.BlockSpec((_EB, _NF), lambda i: (i, 0)),
            pl.BlockSpec((_EB, _NH), lambda i: (i + hoff, 0)),
            mat(), vec(), vec(), vec(), mat(), vec(),
        ],
        out_specs=pl.BlockSpec((_EB // 2, _NF), lambda i: (i, 0)),
        out_shape=jax.ShapeDtypeStruct((_NE_H // 2, _NF), jnp.float32),
    )(g, ea, w_bot, b1a, g1, be1, w2, b2)


def _tc_node(x, pa0, pa1, pb0, pb1, c0, c1, d0, d1, w_top, w_bot, b2a, g2,
             be2, w2b, b2b):

    def body(x_ref, pa0_ref, pa1_ref, pb0_ref, pb1_ref, c0_ref, c1_ref,
             d0_ref, d1_ref, wt_ref, wb_ref, ba_ref, g2_ref, be_ref, wo_ref,
             bo_ref, o_ref):
        cnt = (c0_ref[...][:, 0:1] + c1_ref[...][:, 0:1]
               + d0_ref[...][:, 0:1] + d1_ref[...][:, 0:1])
        s = pa0_ref[...] + pa1_ref[...] + pb0_ref[...] + pb1_ref[...]
        mean = s / jnp.maximum(cnt, 1.0)
        t = (jnp.dot(x_ref[...], wt_ref[...],
                     preferred_element_type=jnp.float32)
             + jnp.dot(mean, wb_ref[...], preferred_element_type=jnp.float32)
             + ba_ref[...])
        t = jnp.maximum(t, 0.0)
        m = jnp.mean(t, axis=-1, keepdims=True)
        v = jnp.mean((t - m) * (t - m), axis=-1, keepdims=True)
        t = (t - m) * lax.rsqrt(v + 1e-5) * g2_ref[...] + be_ref[...]
        o_ref[...] = jnp.dot(t, wo_ref[...],
                             preferred_element_type=jnp.float32) + bo_ref[...]

    nb = _N_NODES // 10
    vecH = lambda: pl.BlockSpec((1, _NH), lambda i: (0, 0))
    vecT = lambda: pl.BlockSpec((1, _NT), lambda i: (0, 0))
    return pl.pallas_call(
        body,
        grid=(10,),
        in_specs=[
            pl.BlockSpec((nb, _NF), lambda i: (i, 0)),
            pl.BlockSpec((nb, _NH), lambda i: (i, 0)),
            pl.BlockSpec((nb, _NH), lambda i: (i, 0)),
            pl.BlockSpec((nb, _NH), lambda i: (i, 0)),
            pl.BlockSpec((nb, _NH), lambda i: (i, 0)),
            pl.BlockSpec((nb, _CNTW), lambda i: (i, 0)),
            pl.BlockSpec((nb, _CNTW), lambda i: (i, 0)),
            pl.BlockSpec((nb, _CNTW), lambda i: (i, 0)),
            pl.BlockSpec((nb, _CNTW), lambda i: (i, 0)),
            pl.BlockSpec((_NF, _NH), lambda i: (0, 0)),
            pl.BlockSpec((_NH, _NH), lambda i: (0, 0)),
            vecH(), vecH(), vecH(),
            pl.BlockSpec((_NH, _NT), lambda i: (0, 0)),
            vecT(),
        ],
        out_specs=pl.BlockSpec((nb, _NT), lambda i: (i, 0)),
        out_shape=jax.ShapeDtypeStruct((_N_NODES, _NT), jnp.float32),
    )(x, pa0, pa1, pb0, pb1, c0, c1, d0, d1, w_top, w_bot, b2a, g2, be2,
      w2b, b2b)


def _half_arrays(colh, rowh):
    npad = _JG * _NW - _NCHT
    c2 = jnp.pad(colh.reshape(_NCHT, _CHUNK), ((0, npad), (0, 0)))
    col3d = c2.reshape(_JG, _NW, _CHUNK).transpose(1, 0, 2)
    r2 = jnp.pad(rowh.reshape(_NCHT, _CHUNK), ((0, npad), (0, 0)))
    row3d = r2.reshape(_JG, _NW, _CHUNK).transpose(1, 0, 2)

    flat = rowh.reshape(_NE_H // _EB, 2, _EB // 2).transpose(0, 2, 1)
    b = jnp.pad(flat.reshape(_NCHT, _RCH, 2), ((0, npad), (0, 0), (0, 0)))
    bidx = (b.reshape(_JG, _NW, _RCH, 2)
            .transpose(1, 0, 3, 2)
            .reshape(_NW, 2 * _JG, _RCH))
    return col3d, row3d, bidx


def kernel(x, edge_idx, edge_attr, W1a, b1a, g1, be1, W1b, b1b,
           W2a, b2a, g2, be2, W2b, b2b):
    row = edge_idx[0].astype(jnp.int32)
    col = edge_idx[1].astype(jnp.int32)

    c3a, r3a, bia = _half_arrays(col[:_NE_H], row[:_NE_H])
    c3b, r3b, bib = _half_arrays(col[_NE_H:], row[_NE_H:])

    w_top_pad = jnp.pad(W1a[:_NF], ((0, 0), (0, _NF - _NH)))
    xa = _tc_xa(x, w_top_pad)

    gA, pcA = _sc_gather(xa, c3a, r3a)
    gB, pcB = _sc_gather(xa, c3b, r3b)

    eargs = (W1a[_NF:], b1a.reshape(1, _NH), g1.reshape(1, _NH),
             be1.reshape(1, _NH), W1b, b1b.reshape(1, _NH))
    hpA = _tc_edge(gA, edge_attr, *eargs, 0)
    hpB = _tc_edge(gB, edge_attr, *eargs, _NE_H // _EB)

    psA = _sc_scatter(hpA, bia)
    psB = _sc_scatter(hpB, bib)

    n = _N_NODES
    return _tc_node(x, psA[:n], psA[n:], psB[:n], psB[n:],
                    pcA[:n], pcA[n:], pcB[:n], pcB[n:],
                    W2a[:_NF], W2a[_NF:],
                    b2a.reshape(1, _NH), g2.reshape(1, _NH),
                    be2.reshape(1, _NH), W2b, b2b.reshape(1, _NT))

# --- scband reference (transcript-rebuilt; emitter-appended) ---
"""Pipeline reference for scband-node-model-90735479095444 (READ-ONLY COPY).

The authoritative reference and input builder live on the scoring server;
editing this copy changes nothing except your own understanding.
"""

import jax, jax.numpy as jnp
import numpy as np

N_NODES = 10000
N_EDGES = 320000
N_FEAT = 128
N_HID = 64
N_TGT = 128


def _layernorm(x, g, b, eps=1e-5):
    m = jnp.mean(x, axis=-1, keepdims=True)
    v = jnp.var(x, axis=-1, keepdims=True)
    return (x - m) / jnp.sqrt(v + eps) * g + b


def _linear_init(k, fin, fout):
    lim = 1.0 / np.sqrt(fin)
    kw, kb = jax.random.split(k)
    W = jax.random.uniform(kw, (fin, fout), minval=-lim, maxval=lim, dtype=jnp.float32)
    b = jax.random.uniform(kb, (fout,), minval=-lim, maxval=lim, dtype=jnp.float32)
    return W, b


def setup_inputs(seed: int = 0):
    key = jax.random.key(seed)
    ks = jax.random.split(key, 8)
    x = jax.random.normal(ks[0], (N_NODES, N_FEAT), dtype=jnp.float32)
    edge_idx = jax.random.randint(ks[1], (2, N_EDGES), 0, N_NODES, dtype=jnp.int64 if jax.config.read('jax_enable_x64') else jnp.int32)
    edge_attr = jax.random.normal(ks[2], (N_EDGES, N_HID), dtype=jnp.float32)
    W1a, b1a = _linear_init(ks[3], N_FEAT + N_HID, N_HID)
    g1 = jnp.ones((N_HID,), jnp.float32)
    be1 = jnp.zeros((N_HID,), jnp.float32)
    W1b, b1b = _linear_init(ks[4], N_HID, N_HID)
    W2a, b2a = _linear_init(ks[5], N_FEAT + N_HID, N_HID)
    g2 = jnp.ones((N_HID,), jnp.float32)
    be2 = jnp.zeros((N_HID,), jnp.float32)
    W2b, b2b = _linear_init(ks[6], N_HID, N_TGT)
    return {
        'x': x, 'edge_idx': edge_idx, 'edge_attr': edge_attr,
        'W1a': W1a, 'b1a': b1a, 'g1': g1, 'be1': be1, 'W1b': W1b, 'b1b': b1b,
        'W2a': W2a, 'b2a': b2a, 'g2': g2, 'be2': be2, 'W2b': W2b, 'b2b': b2b,
    }


def reference(x, edge_idx, edge_attr, W1a, b1a, g1, be1, W1b, b1b, W2a, b2a, g2, be2, W2b, b2b):
    row = edge_idx[0]
    col = edge_idx[1]
    # node_mlp_1 over gathered src features + edge attrs
    out = jnp.concatenate([x[col], edge_attr], axis=1)
    h = jnp.dot(out, W1a) + b1a
    h = jax.nn.relu(h)
    h = _layernorm(h, g1, be1)
    h = jnp.dot(h, W1b) + b1b
    # scatter_mean over destination nodes
    summed = jax.ops.segment_sum(h, row, num_segments=N_NODES)
    cnt = jax.ops.segment_sum(jnp.ones((N_EDGES,), jnp.float32), row, num_segments=N_NODES)
    mean = summed / jnp.maximum(cnt, 1.0)[:, None]
    # node_mlp_2
    out2 = jnp.concatenate([x, mean], axis=1)
    h2 = jnp.dot(out2, W2a) + b2a
    h2 = jax.nn.relu(h2)
    h2 = _layernorm(h2, g2, be2)
    return jnp.dot(h2, W2b) + b2b

if __name__ == "__main__":
    import jax
    _d = setup_inputs()
    print(jax.jit(kernel)(*tuple(_d.values())))

</pallas_src>

<mosaic_0001>
#map = affine_map<(d0, d1) -> (0, 0)>
#map1 = affine_map<(d0, d1) -> (0, 0, 0)>
module attributes {stable_mosaic.version = 14 : i64} {
  func.func @body(%arg0: i32, %arg1: i32, %arg2: memref<80000x128xf32, #tpu.memory_space<hbm>>, %arg3: memref<32x126x40xi32, #tpu.memory_space<hbm>>, %arg4: memref<20000x64xf32, #tpu.memory_space<hbm>>, %arg5: memref<126x40xi32, #tpu.memory_space<vmem>>, %arg6: memref<40x64xf32, #tpu.memory_space<vmem>>, %arg7: memref<40x64xf32, #tpu.memory_space<vmem>>, %arg8: memref<208x64xf32, #tpu.memory_space<vmem>>, %arg9: memref<208x64xf32, #tpu.memory_space<vmem>>, %arg10: memref<10000x64xf32, #tpu.memory_space<vmem_shared>>) attributes {dimension_semantics = [#tpu.dimension_semantics<core_parallel>, #tpu.dimension_semantics<subcore_parallel>], iteration_bounds = array<i64: 2, 16>, scalar_prefetch = 0 : i64, scratch_operands = 6 : i64, tpu.core_type = #tpu.core_type<sc_vector_subcore>, window_params = [{transform_indices = #map}, {transform_indices = #map1}, {transform_indices = #map}]} {
    %mul3A = arith.constant 2 : i32
    %mul3A_0 = arith.muli %arg1, %mul3A : i32
    %add3A = arith.addi %mul3A_0, %arg0 : i32
    %mul3A_1 = arith.constant 624 : i32
    %mul3A_2 = arith.muli %arg1, %mul3A_1 : i32
    %scan3A = arith.constant 0 : i32
    %scan3A_3 = arith.constant 0 : i32
    %scan3A_4 = arith.constant 832 : i32
    %scan3A_5 = arith.addi %scan3A_3, %scan3A_4 : i32
    %scan3A_6 = arith.constant 1 : i32
    scf.for %scan3A_43 = %scan3A_3 to %scan3A_5 step %scan3A_6  : i32 {
      %broadcast_in_dim3A = arith.constant 0.000000e+00 : f32
      %broadcast_in_dim3A_44 = vector.broadcast %broadcast_in_dim3A : f32 to vector<16xf32>
      %jit3A = arith.constant 4 : i32
      %div3A = arith.divsi %scan3A_43, %jit3A : i32
      %sign3A = arith.constant 0 : i32
      %sign3A_45 = arith.cmpi sgt, %scan3A_43, %sign3A : i32
      %sign3A_46 = arith.extui %sign3A_45 : i1 to i32
      %sign3A_47 = arith.constant 0 : i32
      %sign3A_48 = arith.cmpi slt, %scan3A_43, %sign3A_47 : i32
      %sign3A_49 = arith.extui %sign3A_48 : i1 to i32
      %sign3A_50 = arith.subi %sign3A_46, %sign3A_49 : i32
      %sign3A_51 = arith.constant 0 : i32
      %sign3A_52 = arith.cmpi sgt, %jit3A, %sign3A_51 : i32
      %sign3A_53 = arith.extui %sign3A_52 : i1 to i32
      %sign3A_54 = arith.constant 0 : i32
      %sign3A_55 = arith.cmpi slt, %jit3A, %sign3A_54 : i32
      %sign3A_56 = arith.extui %sign3A_55 : i1 to i32
      %sign3A_57 = arith.subi %sign3A_53, %sign3A_56 : i32
      %ne3A = arith.cmpi ne, %sign3A_50, %sign3A_57 : i32
      %rem3A = arith.remsi %scan3A_43, %jit3A : i32
      %ne3A_58 = arith.constant 0 : i32
      %ne3A_59 = arith.cmpi ne, %rem3A, %ne3A_58 : i32
      %and3A = arith.andi %ne3A, %ne3A_59 : i1
      %sub3A = arith.constant 1 : i32
      %sub3A_60 = arith.subi %div3A, %sub3A : i32
      %select_n3A = arith.select %and3A, %sub3A_60, %div3A : i32
      %jit3A_61 = arith.constant 4 : i32
      %eq3A_62 = arith.constant 0 : i32
      %eq3A_63 = arith.cmpi eq, %jit3A_61, %eq3A_62 : i32
      %jit3A_64 = arith.constant 1 : i32
      %select_n3A_65 = arith.select %eq3A_63, %jit3A_64, %jit3A_61 : i32
      %rem3A_66 = arith.remsi %scan3A_43, %select_n3A_65 : i32
      %ne3A_67 = arith.constant 0 : i32
      %ne3A_68 = arith.cmpi ne, %rem3A_66, %ne3A_67 : i32
      %lt3A = arith.constant 0 : i32
      %lt3A_69 = arith.cmpi slt, %rem3A_66, %lt3A : i32
      %lt3A_70 = arith.constant 0 : i32
      %lt3A_71 = arith.cmpi slt, %select_n3A_65, %lt3A_70 : i32
      %ne3A_72 = arith.xori %lt3A_69, %lt3A_71 : i1
      %and3A_73 = arith.andi %ne3A_72, %ne3A_68 : i1
      %add3A_74 = arith.addi %rem3A_66, %select_n3A_65 : i32
      %select_n3A_75 = arith.select %and3A_73, %add3A_74, %rem3A_66 : i32
      %mul3A_76 = arith.constant 16 : i32
      %mul3A_77 = arith.muli %select_n3A_75, %mul3A_76 : i32
      %swap3A = arith.index_cast %select_n3A : i32 to index
      %swap3A_78 = arith.index_cast %mul3A_77 : i32 to index
      %swap3A_79 = tpu.vector_load %arg8[%swap3A, %swap3A_78] {strides = array<i32>} : memref<208x64xf32, #tpu.memory_space<vmem>>, vector<1x16xf32>,
      %swap3A_80 = vector.shape_cast %swap3A_79 : vector<1x16xf32> to vector<16xf32>
      %swap3A_81 = vector.shape_cast %broadcast_in_dim3A_44 : vector<16xf32> to vector<1x16xf32>
      tpu.vector_store %arg8[%swap3A, %swap3A_78], %swap3A_81 {strides = array<i32>} : memref<208x64xf32, #tpu.memory_space<vmem>>, vector<1x16xf32>,
    }
    %scan3A_7 = arith.constant 832 : i32
    "tpu.region"() ({
      %run_scoped3A = tpu.sem_alloc : memref<!tpu.dma_semaphore, #tpu.memory_space<semaphore_mem>>
      %dma_start3A = arith.constant 0 : i32
      %dma_start3A_43 = arith.constant 0 : i32
      %dma_start3A_44 = tpu.memref_slice %arg3[%add3A, %dma_start3A, %dma_start3A_43] : memref<32x126x40xi32, #tpu.memory_space<hbm>> -> memref<1x126x40xi32, #tpu.memory_space<hbm>>
      %dma_start3A_45 = tpu.memref_squeeze %dma_start3A_44 : memref<1x126x40xi32, #tpu.memory_space<hbm>> -> memref<126x40xi32, #tpu.memory_space<hbm>>
      %dma_start3A_46 = arith.constant 0 : i32
      %dma_start3A_47 = arith.constant 0 : i32
      %dma_start3A_48 = tpu.memref_slice %arg3[%add3A, %dma_start3A_46, %dma_start3A_47] : memref<32x126x40xi32, #tpu.memory_space<hbm>> -> memref<1x126x40xi32, #tpu.memory_space<hbm>>
      %dma_start3A_49 = tpu.memref_squeeze %dma_start3A_48 : memref<1x126x40xi32, #tpu.memory_space<hbm>> -> memref<126x40xi32, #tpu.memory_space<hbm>>
      tpu.enqueue_dma source(%dma_start3A_49 : memref<126x40xi32, #tpu.memory_space<hbm>>) target(%arg5 : memref<126x40xi32, #tpu.memory_space<vmem>>) target_semaphore(%run_scoped3A : memref<!tpu.dma_semaphore, #tpu.memory_space<semaphore_mem>>)
      %dma_wait3A = arith.constant 0 : i32
      %dma_wait3A_50 = arith.constant 0 : i32
      %dma_wait3A_51 = tpu.memref_slice %arg3[%add3A, %dma_wait3A, %dma_wait3A_50] : memref<32x126x40xi32, #tpu.memory_space<hbm>> -> memref<1x126x40xi32, #tpu.memory_space<hbm>>
      %dma_wait3A_52 = tpu.memref_squeeze %dma_wait3A_51 : memref<1x126x40xi32, #tpu.memory_space<hbm>> -> memref<126x40xi32, #tpu.memory_space<hbm>>
      %dma_wait3A_53 = arith.constant 0 : i32
      %dma_wait3A_54 = arith.constant 0 : i32
      %dma_wait3A_55 = tpu.memref_slice %arg3[%add3A, %dma_wait3A_53, %dma_wait3A_54] : memref<32x126x40xi32, #tpu.memory_space<hbm>> -> memref<1x126x40xi32, #tpu.memory_space<hbm>>
      %dma_wait3A_56 = tpu.memref_squeeze %dma_wait3A_55 : memref<1x126x40xi32, #tpu.memory_space<hbm>> -> memref<126x40xi32, #tpu.memory_space<hbm>>
      tpu.wait_dma2 semaphore(%run_scoped3A : memref<!tpu.dma_semaphore, #tpu.memory_space<semaphore_mem>>) src(%dma_wait3A_56 : memref<126x40xi32, #tpu.memory_space<hbm>>) dst(%arg5 : memref<126x40xi32, #tpu.memory_space<vmem>>)
      tpu.yield
    }) : () -> ()
    %add3A_8 = arith.constant 0 : i32
    %add3A_9 = arith.addi %mul3A_2, %add3A_8 : i32
    "tpu.region"() ({
      %run_scoped3A = tpu.sem_alloc : memref<!tpu.dma_semaphore, #tpu.memory_space<semaphore_mem>>
      %dma_start3A = arith.constant 0 : i32
      %dma_start3A_43 = tpu.memref_slice %arg10[%add3A_9, %dma_start3A] : memref<10000x64xf32, #tpu.memory_space<vmem_shared>> -> memref<208x64xf32, #tpu.memory_space<vmem_shared>>
      %dma_start3A_44 = arith.constant 0 : i32
      %dma_start3A_45 = tpu.memref_slice %arg10[%add3A_9, %dma_start3A_44] : memref<10000x64xf32, #tpu.memory_space<vmem_shared>> -> memref<208x64xf32, #tpu.memory_space<vmem_shared>>
      tpu.enqueue_dma source(%arg8 : memref<208x64xf32, #tpu.memory_space<vmem>>) target(%dma_start3A_45 : memref<208x64xf32, #tpu.memory_space<vmem_shared>>) target_semaphore(%run_scoped3A : memref<!tpu.dma_semaphore, #tpu.memory_space<semaphore_mem>>)
      %dma_wait3A = arith.constant 0 : i32
      %dma_wait3A_46 = tpu.memref_slice %arg10[%add3A_9, %dma_wait3A] : memref<10000x64xf32, #tpu.memory_space<vmem_shared>> -> memref<208x64xf32, #tpu.memory_space<vmem_shared>>
      %dma_wait3A_47 = arith.constant 0 : i32
      %dma_wait3A_48 = tpu.memref_slice %arg10[%add3A_9, %dma_wait3A_47] : memref<10000x64xf32, #tpu.memory_space<vmem_shared>> -> memref<208x64xf32, #tpu.memory_space<vmem_shared>>
      tpu.wait_dma2 semaphore(%run_scoped3A : memref<!tpu.dma_semaphore, #tpu.memory_space<semaphore_mem>>) src(%arg8 : memref<208x64xf32, #tpu.memory_space<vmem>>) dst(%dma_wait3A_48 : memref<208x64xf32, #tpu.memory_space<vmem_shared>>)
      tpu.yield
    }) : () -> ()
    %add3A_10 = arith.constant 208 : i32
    %add3A_11 = arith.addi %mul3A_2, %add3A_10 : i32
    "tpu.region"() ({
      %run_scoped3A = tpu.sem_alloc : memref<!tpu.dma_semaphore, #tpu.memory_space<semaphore_mem>>
      %dma_start3A = arith.constant 0 : i32
      %dma_start3A_43 = tpu.memref_slice %arg10[%add3A_11, %dma_start3A] : memref<10000x64xf32, #tpu.memory_space<vmem_shared>> -> memref<208x64xf32, #tpu.memory_space<vmem_shared>>
      %dma_start3A_44 = arith.constant 0 : i32
      %dma_start3A_45 = tpu.memref_slice %arg10[%add3A_11, %dma_start3A_44] : memref<10000x64xf32, #tpu.memory_space<vmem_shared>> -> memref<208x64xf32, #tpu.memory_space<vmem_shared>>
      tpu.enqueue_dma source(%arg8 : memref<208x64xf32, #tpu.memory_space<vmem>>) target(%dma_start3A_45 : memref<208x64xf32, #tpu.memory_space<vmem_shared>>) target_semaphore(%run_scoped3A : memref<!tpu.dma_semaphore, #tpu.memory_space<semaphore_mem>>)
      %dma_wait3A = arith.constant 0 : i32
      %dma_wait3A_46 = tpu.memref_slice %arg10[%add3A_11, %dma_wait3A] : memref<10000x64xf32, #tpu.memory_space<vmem_shared>> -> memref<208x64xf32, #tpu.memory_space<vmem_shared>>
      %dma_wait3A_47 = arith.constant 0 : i32
      %dma_wait3A_48 = tpu.memref_slice %arg10[%add3A_11, %dma_wait3A_47] : memref<10000x64xf32, #tpu.memory_space<vmem_shared>> -> memref<208x64xf32, #tpu.memory_space<vmem_shared>>
      tpu.wait_dma2 semaphore(%run_scoped3A : memref<!tpu.dma_semaphore, #tpu.memory_space<semaphore_mem>>) src(%arg8 : memref<208x64xf32, #tpu.memory_space<vmem>>) dst(%dma_wait3A_48 : memref<208x64xf32, #tpu.memory_space<vmem_shared>>)
      tpu.yield
    }) : () -> ()
    %add3A_12 = arith.constant 416 : i32
    %add3A_13 = arith.addi %mul3A_2, %add3A_12 : i32
    "tpu.region"() ({
      %run_scoped3A = tpu.sem_alloc : memref<!tpu.dma_semaphore, #tpu.memory_space<semaphore_mem>>
      %dma_start3A = arith.constant 0 : i32
      %dma_start3A_43 = tpu.memref_slice %arg10[%add3A_13, %dma_start3A] : memref<10000x64xf32, #tpu.memory_space<vmem_shared>> -> memref<208x64xf32, #tpu.memory_space<vmem_shared>>
      %dma_start3A_44 = arith.constant 0 : i32
      %dma_start3A_45 = tpu.memref_slice %arg10[%add3A_13, %dma_start3A_44] : memref<10000x64xf32, #tpu.memory_space<vmem_shared>> -> memref<208x64xf32, #tpu.memory_space<vmem_shared>>
      tpu.enqueue_dma source(%arg8 : memref<208x64xf32, #tpu.memory_space<vmem>>) target(%dma_start3A_45 : memref<208x64xf32, #tpu.memory_space<vmem_shared>>) target_semaphore(%run_scoped3A : memref<!tpu.dma_semaphore, #tpu.memory_space<semaphore_mem>>)
      %dma_wait3A = arith.constant 0 : i32
      %dma_wait3A_46 = tpu.memref_slice %arg10[%add3A_13, %dma_wait3A] : memref<10000x64xf32, #tpu.memory_space<vmem_shared>> -> memref<208x64xf32, #tpu.memory_space<vmem_shared>>
      %dma_wait3A_47 = arith.constant 0 : i32
      %dma_wait3A_48 = tpu.memref_slice %arg10[%add3A_13, %dma_wait3A_47] : memref<10000x64xf32, #tpu.memory_space<vmem_shared>> -> memref<208x64xf32, #tpu.memory_space<vmem_shared>>
      tpu.wait_dma2 semaphore(%run_scoped3A : memref<!tpu.dma_semaphore, #tpu.memory_space<semaphore_mem>>) src(%arg8 : memref<208x64xf32, #tpu.memory_space<vmem>>) dst(%dma_wait3A_48 : memref<208x64xf32, #tpu.memory_space<vmem_shared>>)
      tpu.yield
    }) : () -> ()
    %eq3A = arith.constant 15 : i32
    %eq3A_14 = arith.cmpi eq, %arg1, %eq3A : i32
    %convert_element_type3A = arith.extui %eq3A_14 : i1 to i32
    %cond3A = arith.constant 0 : i32
    %cond3A_15 = arith.cmpi ne, %convert_element_type3A, %cond3A : i32
    scf.if %cond3A_15 {
      "tpu.region"() ({
        %run_scoped3A = tpu.sem_alloc : memref<!tpu.dma_semaphore, #tpu.memory_space<semaphore_mem>>
        %dma_start3A = arith.constant 0 : i32
        %dma_start3A_43 = arith.constant 0 : i32
        %dma_start3A_44 = tpu.memref_slice %arg8[%dma_start3A, %dma_start3A_43] : memref<208x64xf32, #tpu.memory_space<vmem>> -> memref<16x64xf32, #tpu.memory_space<vmem>>
        %dma_start3A_45 = arith.constant 9984 : i32
        %dma_start3A_46 = arith.constant 0 : i32
        %dma_start3A_47 = tpu.memref_slice %arg10[%dma_start3A_45, %dma_start3A_46] : memref<10000x64xf32, #tpu.memory_space<vmem_shared>> -> memref<16x64xf32, #tpu.memory_space<vmem_shared>>
        %dma_start3A_48 = arith.constant 9984 : i32
        %dma_start3A_49 = arith.constant 0 : i32
        %dma_start3A_50 = tpu.memref_slice %arg10[%dma_start3A_48, %dma_start3A_49] : memref<10000x64xf32, #tpu.memory_space<vmem_shared>> -> memref<16x64xf32, #tpu.memory_space<vmem_shared>>
        %dma_start3A_51 = arith.constant 0 : i32
        %dma_start3A_52 = arith.constant 0 : i32
        %dma_start3A_53 = tpu.memref_slice %arg8[%dma_start3A_51, %dma_start3A_52] : memref<208x64xf32, #tpu.memory_space<vmem>> -> memref<16x64xf32, #tpu.memory_space<vmem>>
        tpu.enqueue_dma source(%dma_start3A_53 : memref<16x64xf32, #tpu.memory_space<vmem>>) target(%dma_start3A_50 : memref<16x64xf32, #tpu.memory_space<vmem_shared>>) target_semaphore(%run_scoped3A : memref<!tpu.dma_semaphore, #tpu.memory_space<semaphore_mem>>)
        %dma_wait3A = arith.constant 0 : i32
        %dma_wait3A_54 = arith.constant 0 : i32
        %dma_wait3A_55 = tpu.memref_slice %arg8[%dma_wait3A, %dma_wait3A_54] : memref<208x64xf32, #tpu.memory_space<vmem>> -> memref<16x64xf32, #tpu.memory_space<vmem>>
        %dma_wait3A_56 = arith.constant 9984 : i32
        %dma_wait3A_57 = arith.constant 0 : i32
        %dma_wait3A_58 = tpu.memref_slice %arg10[%dma_wait3A_56, %dma_wait3A_57] : memref<10000x64xf32, #tpu.memory_space<vmem_shared>> -> memref<16x64xf32, #tpu.memory_space<vmem_shared>>
        %dma_wait3A_59 = arith.constant 9984 : i32
        %dma_wait3A_60 = arith.constant 0 : i32
        %dma_wait3A_61 = tpu.memref_slice %arg10[%dma_wait3A_59, %dma_wait3A_60] : memref<10000x64xf32, #tpu.memory_space<vmem_shared>> -> memref<16x64xf32, #tpu.memory_space<vmem_shared>>
        %dma_wait3A_62 = arith.constant 0 : i32
        %dma_wait3A_63 = arith.constant 0 : i32
        %dma_wait3A_64 = tpu.memref_slice %arg8[%dma_wait3A_62, %dma_wait3A_63] : memref<208x64xf32, #tpu.memory_space<vmem>> -> memref<16x64xf32, #tpu.memory_space<vmem>>
        tpu.wait_dma2 semaphore(%run_scoped3A : memref<!tpu.dma_semaphore, #tpu.memory_space<semaphore_mem>>) src(%dma_wait3A_64 : memref<16x64xf32, #tpu.memory_space<vmem>>) dst(%dma_wait3A_61 : memref<16x64xf32, #tpu.memory_space<vmem_shared>>)
        tpu.yield
      }) : () -> ()
    } else {
    }
    %barrier3A = arith.constant 0 : index
    tpu.barrier barrier_id(%barrier3A)
    %scan3A_16 = arith.constant 0 : i32
    %scan3A_17 = arith.constant 0 : i32
    %scan3A_18 = arith.constant 63 : i32
    %scan3A_19 = arith.addi %scan3A_17, %scan3A_18 : i32
    %scan3A_20 = arith.constant 1 : i32
    scf.for %scan3A_43 = %scan3A_17 to %scan3A_19 step %scan3A_20  : i32 {
      %mul3A_44 = arith.constant 32 : i32
      %mul3A_45 = arith.muli %scan3A_43, %mul3A_44 : i32
      %add3A_46 = arith.addi %mul3A_45, %add3A : i32
      %lt3A = arith.constant 2000 : i32
      %lt3A_47 = arith.cmpi slt, %add3A_46, %lt3A : i32
      %convert_element_type3A_48 = arith.extui %lt3A_47 : i1 to i32
      %cond3A_49 = arith.constant 0 : i32
      %cond3A_50 = arith.cmpi ne, %convert_element_type3A_48, %cond3A_49 : i32
      scf.if %cond3A_50 {
        %mul3A_51 = arith.constant 40 : i32
        %mul3A_52 = arith.muli %add3A_46, %mul3A_51 : i32
        "tpu.region"() ({
          %run_scoped3A = tpu.sem_alloc : memref<!tpu.dma_semaphore, #tpu.memory_space<semaphore_mem>>
          %dma_start3A = arith.constant 0 : i32
          %dma_start3A_61 = tpu.memref_slice %arg2[%mul3A_52, %dma_start3A] : memref<80000x128xf32, #tpu.memory_space<hbm>> -> memref<40x64xf32, #tpu.memory_space<hbm>>
          %dma_start3A_62 = arith.constant 0 : i32
          %dma_start3A_63 = tpu.memref_slice %arg2[%mul3A_52, %dma_start3A_62] : memref<80000x128xf32, #tpu.memory_space<hbm>> -> memref<40x64xf32, #tpu.memory_space<hbm>>
          tpu.enqueue_dma source(%dma_start3A_63 : memref<40x64xf32, #tpu.memory_space<hbm>>) target(%arg6 : memref<40x64xf32, #tpu.memory_space<vmem>>) target_semaphore(%run_scoped3A : memref<!tpu.dma_semaphore, #tpu.memory_space<semaphore_mem>>)
          %dma_wait3A = arith.constant 0 : i32
          %dma_wait3A_64 = tpu.memref_slice %arg2[%mul3A_52, %dma_wait3A] : memref<80000x128xf32, #tpu.memory_space<hbm>> -> memref<40x64xf32, #tpu.memory_space<hbm>>
          %dma_wait3A_65 = arith.constant 0 : i32
          %dma_wait3A_66 = tpu.memref_slice %arg2[%mul3A_52, %dma_wait3A_65] : memref<80000x128xf32, #tpu.memory_space<hbm>> -> memref<40x64xf32, #tpu.memory_space<hbm>>
          tpu.wait_dma2 semaphore(%run_scoped3A : memref<!tpu.dma_semaphore, #tpu.memory_space<semaphore_mem>>) src(%dma_wait3A_66 : memref<40x64xf32, #tpu.memory_space<hbm>>) dst(%arg6 : memref<40x64xf32, #tpu.memory_space<vmem>>)
          tpu.yield
        }) : () -> ()
        %mul3A_53 = arith.constant 40 : i32
        %mul3A_54 = arith.muli %add3A_46, %mul3A_53 : i32
        "tpu.region"() ({
          %run_scoped3A = tpu.sem_alloc : memref<!tpu.dma_semaphore, #tpu.memory_space<semaphore_mem>>
          %dma_start3A = arith.constant 64 : i32
          %dma_start3A_61 = tpu.memref_slice %arg2[%mul3A_54, %dma_start3A] : memref<80000x128xf32, #tpu.memory_space<hbm>> -> memref<40x64xf32, #tpu.memory_space<hbm>>
          %dma_start3A_62 = arith.constant 64 : i32
          %dma_start3A_63 = tpu.memref_slice %arg2[%mul3A_54, %dma_start3A_62] : memref<80000x128xf32, #tpu.memory_space<hbm>> -> memref<40x64xf32, #tpu.memory_space<hbm>>
          tpu.enqueue_dma source(%dma_start3A_63 : memref<40x64xf32, #tpu.memory_space<hbm>>) target(%arg7 : memref<40x64xf32, #tpu.memory_space<vmem>>) target_semaphore(%run_scoped3A : memref<!tpu.dma_semaphore, #tpu.memory_space<semaphore_mem>>)
          %dma_wait3A = arith.constant 64 : i32
          %dma_wait3A_64 = tpu.memref_slice %arg2[%mul3A_54, %dma_wait3A] : memref<80000x128xf32, #tpu.memory_space<hbm>> -> memref<40x64xf32, #tpu.memory_space<hbm>>
          %dma_wait3A_65 = arith.constant 64 : i32
          %dma_wait3A_66 = tpu.memref_slice %arg2[%mul3A_54, %dma_wait3A_65] : memref<80000x128xf32, #tpu.memory_space<hbm>> -> memref<40x64xf32, #tpu.memory_space<hbm>>
          tpu.wait_dma2 semaphore(%run_scoped3A : memref<!tpu.dma_semaphore, #tpu.memory_space<semaphore_mem>>) src(%dma_wait3A_66 : memref<40x64xf32, #tpu.memory_space<hbm>>) dst(%arg7 : memref<40x64xf32, #tpu.memory_space<vmem>>)
          tpu.yield
        }) : () -> ()
        %mul3A_55 = arith.constant 2 : i32
        %mul3A_56 = arith.muli %mul3A_55, %scan3A_43 : i32
        "tpu.region"() ({
          %run_scoped3A = tpu.sem_alloc : memref<!tpu.dma_semaphore, #tpu.memory_space<semaphore_mem>>
          %dma_start3A = arith.constant 0 : i32
          %dma_start3A_61 = tpu.memref_slice %arg5[%mul3A_56, %dma_start3A] : memref<126x40xi32, #tpu.memory_space<vmem>> -> memref<1x40xi32, #tpu.memory_space<vmem>>
          %dma_start3A_62 = tpu.memref_squeeze %dma_start3A_61 : memref<1x40xi32, #tpu.memory_space<vmem>> -> memref<40xi32, #tpu.memory_space<vmem>>
          %dma_start3A_63 = arith.constant 0 : i32
          %dma_start3A_64 = arith.constant 0 : i32
          %dma_start3A_65 = tpu.memref_slice %arg10[%dma_start3A_63, %dma_start3A_64] : memref<10000x64xf32, #tpu.memory_space<vmem_shared>> -> memref<10000x64xf32, #tpu.memory_space<vmem_shared>>
          tpu.enqueue_indirect_dma source(%arg6 : memref<40x64xf32, #tpu.memory_space<vmem>>) target(%dma_start3A_65 : memref<10000x64xf32, #tpu.memory_space<vmem_shared>>) offsets(%dma_start3A_62 : memref<40xi32, #tpu.memory_space<vmem>>) semaphore(%run_scoped3A : memref<!tpu.dma_semaphore, #tpu.memory_space<semaphore_mem>>) {add = true}
          %dma_wait3A = arith.constant 0 : i32
          %dma_wait3A_66 = tpu.memref_slice %arg5[%mul3A_56, %dma_wait3A] : memref<126x40xi32, #tpu.memory_space<vmem>> -> memref<1x40xi32, #tpu.memory_space<vmem>>
          %dma_wait3A_67 = tpu.memref_squeeze %dma_wait3A_66 : memref<1x40xi32, #tpu.memory_space<vmem>> -> memref<40xi32, #tpu.memory_space<vmem>>
          %dma_wait3A_68 = arith.constant 0 : i32
          %dma_wait3A_69 = arith.constant 0 : i32
          %dma_wait3A_70 = tpu.memref_slice %arg10[%dma_wait3A_68, %dma_wait3A_69] : memref<10000x64xf32, #tpu.memory_space<vmem_shared>> -> memref<10000x64xf32, #tpu.memory_space<vmem_shared>>
          tpu.wait_indirect_dma semaphore(%run_scoped3A : memref<!tpu.dma_semaphore, #tpu.memory_space<semaphore_mem>>) src(%arg6 : memref<40x64xf32, #tpu.memory_space<vmem>>) dst(%dma_wait3A_70 : memref<10000x64xf32, #tpu.memory_space<vmem_shared>>)
          tpu.yield
        }) : () -> ()
        %mul3A_57 = arith.constant 2 : i32
        %mul3A_58 = arith.muli %mul3A_57, %scan3A_43 : i32
        %add3A_59 = arith.constant 1 : i32
        %add3A_60 = arith.addi %mul3A_58, %add3A_59 : i32
        "tpu.region"() ({
          %run_scoped3A = tpu.sem_alloc : memref<!tpu.dma_semaphore, #tpu.memory_space<semaphore_mem>>
          %dma_start3A = arith.constant 0 : i32
          %dma_start3A_61 = tpu.memref_slice %arg5[%add3A_60, %dma_start3A] : memref<126x40xi32, #tpu.memory_space<vmem>> -> memref<1x40xi32, #tpu.memory_space<vmem>>
          %dma_start3A_62 = tpu.memref_squeeze %dma_start3A_61 : memref<1x40xi32, #tpu.memory_space<vmem>> -> memref<40xi32, #tpu.memory_space<vmem>>
          %dma_start3A_63 = arith.constant 0 : i32
          %dma_start3A_64 = arith.constant 0 : i32
          %dma_start3A_65 = tpu.memref_slice %arg10[%dma_start3A_63, %dma_start3A_64] : memref<10000x64xf32, #tpu.memory_space<vmem_shared>> -> memref<10000x64xf32, #tpu.memory_space<vmem_shared>>
          tpu.enqueue_indirect_dma source(%arg7 : memref<40x64xf32, #tpu.memory_space<vmem>>) target(%dma_start3A_65 : memref<10000x64xf32, #tpu.memory_space<vmem_shared>>) offsets(%dma_start3A_62 : memref<40xi32, #tpu.memory_space<vmem>>) semaphore(%run_scoped3A : memref<!tpu.dma_semaphore, #tpu.memory_space<semaphore_mem>>) {add = true}
          %dma_wait3A = arith.constant 0 : i32
          %dma_wait3A_66 = tpu.memref_slice %arg5[%add3A_60, %dma_wait3A] : memref<126x40xi32, #tpu.memory_space<vmem>> -> memref<1x40xi32, #tpu.memory_space<vmem>>
          %dma_wait3A_67 = tpu.memref_squeeze %dma_wait3A_66 : memref<1x40xi32, #tpu.memory_space<vmem>> -> memref<40xi32, #tpu.memory_space<vmem>>
          %dma_wait3A_68 = arith.constant 0 : i32
          %dma_wait3A_69 = arith.constant 0 : i32
          %dma_wait3A_70 = tpu.memref_slice %arg10[%dma_wait3A_68, %dma_wait3A_69] : memref<10000x64xf32, #tpu.memory_space<vmem_shared>> -> memref<10000x64xf32, #tpu.memory_space<vmem_shared>>
          tpu.wait_indirect_dma semaphore(%run_scoped3A : memref<!tpu.dma_semaphore, #tpu.memory_space<semaphore_mem>>) src(%arg7 : memref<40x64xf32, #tpu.memory_space<vmem>>) dst(%dma_wait3A_70 : memref<10000x64xf32, #tpu.memory_space<vmem_shared>>)
          tpu.yield
        }) : () -> ()
      } else {
      }
    }
    %scan3A_21 = arith.constant 63 : i32
    %barrier3A_22 = arith.constant 0 : index
    tpu.barrier barrier_id(%barrier3A_22)
    %mul3A_23 = arith.constant 10000 : i32
    %mul3A_24 = arith.muli %arg0, %mul3A_23 : i32
    %add3A_25 = arith.addi %mul3A_24, %mul3A_2 : i32
    %add3A_26 = arith.constant 0 : i32
    %add3A_27 = arith.addi %mul3A_2, %add3A_26 : i32
    "tpu.region"() ({
      %run_scoped3A = tpu.sem_alloc : memref<!tpu.dma_semaphore, #tpu.memory_space<semaphore_mem>>
      %dma_start3A = arith.constant 0 : i32
      %dma_start3A_43 = tpu.memref_slice %arg10[%add3A_27, %dma_start3A] : memref<10000x64xf32, #tpu.memory_space<vmem_shared>> -> memref<208x64xf32, #tpu.memory_space<vmem_shared>>
      %dma_start3A_44 = arith.constant 0 : i32
      %dma_start3A_45 = tpu.memref_slice %arg10[%add3A_27, %dma_start3A_44] : memref<10000x64xf32, #tpu.memory_space<vmem_shared>> -> memref<208x64xf32, #tpu.memory_space<vmem_shared>>
      tpu.enqueue_dma source(%dma_start3A_45 : memref<208x64xf32, #tpu.memory_space<vmem_shared>>) target(%arg9 : memref<208x64xf32, #tpu.memory_space<vmem>>) target_semaphore(%run_scoped3A : memref<!tpu.dma_semaphore, #tpu.memory_space<semaphore_mem>>)
      %dma_wait3A = arith.constant 0 : i32
      %dma_wait3A_46 = tpu.memref_slice %arg10[%add3A_27, %dma_wait3A] : memref<10000x64xf32, #tpu.memory_space<vmem_shared>> -> memref<208x64xf32, #tpu.memory_space<vmem_shared>>
      %dma_wait3A_47 = arith.constant 0 : i32
      %dma_wait3A_48 = tpu.memref_slice %arg10[%add3A_27, %dma_wait3A_47] : memref<10000x64xf32, #tpu.memory_space<vmem_shared>> -> memref<208x64xf32, #tpu.memory_space<vmem_shared>>
      tpu.wait_dma2 semaphore(%run_scoped3A : memref<!tpu.dma_semaphore, #tpu.memory_space<semaphore_mem>>) src(%dma_wait3A_48 : memref<208x64xf32, #tpu.memory_space<vmem_shared>>) dst(%arg9 : memref<208x64xf32, #tpu.memory_space<vmem>>)
      tpu.yield
    }) : () -> ()
    %add3A_28 = arith.constant 0 : i32
    %add3A_29 = arith.addi %add3A_25, %add3A_28 : i32
    "tpu.region"() ({
      %run_scoped3A = tpu.sem_alloc : memref<!tpu.dma_semaphore, #tpu.memory_space<semaphore_mem>>
      %dma_start3A = arith.constant 0 : i32
      %dma_start3A_43 = tpu.memref_slice %arg4[%add3A_29, %dma_start3A] : memref<20000x64xf32, #tpu.memory_space<hbm>> -> memref<208x64xf32, #tpu.memory_space<hbm>>
      %dma_start3A_44 = arith.constant 0 : i32
      %dma_start3A_45 = tpu.memref_slice %arg4[%add3A_29, %dma_start3A_44] : memref<20000x64xf32, #tpu.memory_space<hbm>> -> memref<208x64xf32, #tpu.memory_space<hbm>>
      tpu.enqueue_dma source(%arg9 : memref<208x64xf32, #tpu.memory_space<vmem>>) target(%dma_start3A_45 : memref<208x64xf32, #tpu.memory_space<hbm>>) target_semaphore(%run_scoped3A : memref<!tpu.dma_semaphore, #tpu.memory_space<semaphore_mem>>)
      %dma_wait3A = arith.constant 0 : i32
      %dma_wait3A_46 = tpu.memref_slice %arg4[%add3A_29, %dma_wait3A] : memref<20000x64xf32, #tpu.memory_space<hbm>> -> memref<208x64xf32, #tpu.memory_space<hbm>>
      %dma_wait3A_47 = arith.constant 0 : i32
      %dma_wait3A_48 = tpu.memref_slice %arg4[%add3A_29, %dma_wait3A_47] : memref<20000x64xf32, #tpu.memory_space<hbm>> -> memref<208x64xf32, #tpu.memory_space<hbm>>
      tpu.wait_dma2 semaphore(%run_scoped3A : memref<!tpu.dma_semaphore, #tpu.memory_space<semaphore_mem>>) src(%arg9 : memref<208x64xf32, #tpu.memory_space<vmem>>) dst(%dma_wait3A_48 : memref<208x64xf32, #tpu.memory_space<hbm>>)
      tpu.yield
    }) : () -> ()
    %add3A_30 = arith.constant 208 : i32
    %add3A_31 = arith.addi %mul3A_2, %add3A_30 : i32
    "tpu.region"() ({
      %run_scoped3A = tpu.sem_alloc : memref<!tpu.dma_semaphore, #tpu.memory_space<semaphore_mem>>
      %dma_start3A = arith.constant 0 : i32
      %dma_start3A_43 = tpu.memref_slice %arg10[%add3A_31, %dma_start3A] : memref<10000x64xf32, #tpu.memory_space<vmem_shared>> -> memref<208x64xf32, #tpu.memory_space<vmem_shared>>
      %dma_start3A_44 = arith.constant 0 : i32
      %dma_start3A_45 = tpu.memref_slice %arg10[%add3A_31, %dma_start3A_44] : memref<10000x64xf32, #tpu.memory_space<vmem_shared>> -> memref<208x64xf32, #tpu.memory_space<vmem_shared>>
      tpu.enqueue_dma source(%dma_start3A_45 : memref<208x64xf32, #tpu.memory_space<vmem_shared>>) target(%arg9 : memref<208x64xf32, #tpu.memory_space<vmem>>) target_semaphore(%run_scoped3A : memref<!tpu.dma_semaphore, #tpu.memory_space<semaphore_mem>>)
      %dma_wait3A = arith.constant 0 : i32
      %dma_wait3A_46 = tpu.memref_slice %arg10[%add3A_31, %dma_wait3A] : memref<10000x64xf32, #tpu.memory_space<vmem_shared>> -> memref<208x64xf32, #tpu.memory_space<vmem_shared>>
      %dma_wait3A_47 = arith.constant 0 : i32
      %dma_wait3A_48 = tpu.memref_slice %arg10[%add3A_31, %dma_wait3A_47] : memref<10000x64xf32, #tpu.memory_space<vmem_shared>> -> memref<208x64xf32, #tpu.memory_space<vmem_shared>>
      tpu.wait_dma2 semaphore(%run_scoped3A : memref<!tpu.dma_semaphore, #tpu.memory_space<semaphore_mem>>) src(%dma_wait3A_48 : memref<208x64xf32, #tpu.memory_space<vmem_shared>>) dst(%arg9 : memref<208x64xf32, #tpu.memory_space<vmem>>)
      tpu.yield
    }) : () -> ()
    %add3A_32 = arith.constant 208 : i32
    %add3A_33 = arith.addi %add3A_25, %add3A_32 : i32
    "tpu.region"() ({
      %run_scoped3A = tpu.sem_alloc : memref<!tpu.dma_semaphore, #tpu.memory_space<semaphore_mem>>
      %dma_start3A = arith.constant 0 : i32
      %dma_start3A_43 = tpu.memref_slice %arg4[%add3A_33, %dma_start3A] : memref<20000x64xf32, #tpu.memory_space<hbm>> -> memref<208x64xf32, #tpu.memory_space<hbm>>
      %dma_start3A_44 = arith.constant 0 : i32
      %dma_start3A_45 = tpu.memref_slice %arg4[%add3A_33, %dma_start3A_44] : memref<20000x64xf32, #tpu.memory_space<hbm>> -> memref<208x64xf32, #tpu.memory_space<hbm>>
      tpu.enqueue_dma source(%arg9 : memref<208x64xf32, #tpu.memory_space<vmem>>) target(%dma_start3A_45 : memref<208x64xf32, #tpu.memory_space<hbm>>) target_semaphore(%run_scoped3A : memref<!tpu.dma_semaphore, #tpu.memory_space<semaphore_mem>>)
      %dma_wait3A = arith.constant 0 : i32
      %dma_wait3A_46 = tpu.memref_slice %arg4[%add3A_33, %dma_wait3A] : memref<20000x64xf32, #tpu.memory_space<hbm>> -> memref<208x64xf32, #tpu.memory_space<hbm>>
      %dma_wait3A_47 = arith.constant 0 : i32
      %dma_wait3A_48 = tpu.memref_slice %arg4[%add3A_33, %dma_wait3A_47] : memref<20000x64xf32, #tpu.memory_space<hbm>> -> memref<208x64xf32, #tpu.memory_space<hbm>>
      tpu.wait_dma2 semaphore(%run_scoped3A : memref<!tpu.dma_semaphore, #tpu.memory_space<semaphore_mem>>) src(%arg9 : memref<208x64xf32, #tpu.memory_space<vmem>>) dst(%dma_wait3A_48 : memref<208x64xf32, #tpu.memory_space<hbm>>)
      tpu.yield
    }) : () -> ()
    %add3A_34 = arith.constant 416 : i32
    %add3A_35 = arith.addi %mul3A_2, %add3A_34 : i32
    "tpu.region"() ({
      %run_scoped3A = tpu.sem_alloc : memref<!tpu.dma_semaphore, #tpu.memory_space<semaphore_mem>>
      %dma_start3A = arith.constant 0 : i32
      %dma_start3A_43 = tpu.memref_slice %arg10[%add3A_35, %dma_start3A] : memref<10000x64xf32, #tpu.memory_space<vmem_shared>> -> memref<208x64xf32, #tpu.memory_space<vmem_shared>>
      %dma_start3A_44 = arith.constant 0 : i32
      %dma_start3A_45 = tpu.memref_slice %arg10[%add3A_35, %dma_start3A_44] : memref<10000x64xf32, #tpu.memory_space<vmem_shared>> -> memref<208x64xf32, #tpu.memory_space<vmem_shared>>
      tpu.enqueue_dma source(%dma_start3A_45 : memref<208x64xf32, #tpu.memory_space<vmem_shared>>) target(%arg9 : memref<208x64xf32, #tpu.memory_space<vmem>>) target_semaphore(%run_scoped3A : memref<!tpu.dma_semaphore, #tpu.memory_space<semaphore_mem>>)
      %dma_wait3A = arith.constant 0 : i32
      %dma_wait3A_46 = tpu.memref_slice %arg10[%add3A_35, %dma_wait3A] : memref<10000x64xf32, #tpu.memory_space<vmem_shared>> -> memref<208x64xf32, #tpu.memory_space<vmem_shared>>
      %dma_wait3A_47 = arith.constant 0 : i32
      %dma_wait3A_48 = tpu.memref_slice %arg10[%add3A_35, %dma_wait3A_47] : memref<10000x64xf32, #tpu.memory_space<vmem_shared>> -> memref<208x64xf32, #tpu.memory_space<vmem_shared>>
      tpu.wait_dma2 semaphore(%run_scoped3A : memref<!tpu.dma_semaphore, #tpu.memory_space<semaphore_mem>>) src(%dma_wait3A_48 : memref<208x64xf32, #tpu.memory_space<vmem_shared>>) dst(%arg9 : memref<208x64xf32, #tpu.memory_space<vmem>>)
      tpu.yield
    }) : () -> ()
    %add3A_36 = arith.constant 416 : i32
    %add3A_37 = arith.addi %add3A_25, %add3A_36 : i32
    "tpu.region"() ({
      %run_scoped3A = tpu.sem_alloc : memref<!tpu.dma_semaphore, #tpu.memory_space<semaphore_mem>>
      %dma_start3A = arith.constant 0 : i32
      %dma_start3A_43 = tpu.memref_slice %arg4[%add3A_37, %dma_start3A] : memref<20000x64xf32, #tpu.memory_space<hbm>> -> memref<208x64xf32, #tpu.memory_space<hbm>>
      %dma_start3A_44 = arith.constant 0 : i32
      %dma_start3A_45 = tpu.memref_slice %arg4[%add3A_37, %dma_start3A_44] : memref<20000x64xf32, #tpu.memory_space<hbm>> -> memref<208x64xf32, #tpu.memory_space<hbm>>
      tpu.enqueue_dma source(%arg9 : memref<208x64xf32, #tpu.memory_space<vmem>>) target(%dma_start3A_45 : memref<208x64xf32, #tpu.memory_space<hbm>>) target_semaphore(%run_scoped3A : memref<!tpu.dma_semaphore, #tpu.memory_space<semaphore_mem>>)
      %dma_wait3A = arith.constant 0 : i32
      %dma_wait3A_46 = tpu.memref_slice %arg4[%add3A_37, %dma_wait3A] : memref<20000x64xf32, #tpu.memory_space<hbm>> -> memref<208x64xf32, #tpu.memory_space<hbm>>
      %dma_wait3A_47 = arith.constant 0 : i32
      %dma_wait3A_48 = tpu.memref_slice %arg4[%add3A_37, %dma_wait3A_47] : memref<20000x64xf32, #tpu.memory_space<hbm>> -> memref<208x64xf32, #tpu.memory_space<hbm>>
      tpu.wait_dma2 semaphore(%run_scoped3A : memref<!tpu.dma_semaphore, #tpu.memory_space<semaphore_mem>>) src(%arg9 : memref<208x64xf32, #tpu.memory_space<vmem>>) dst(%dma_wait3A_48 : memref<208x64xf32, #tpu.memory_space<hbm>>)
      tpu.yield
    }) : () -> ()
    %eq3A_38 = arith.constant 15 : i32
    %eq3A_39 = arith.cmpi eq, %arg1, %eq3A_38 : i32
    %convert_element_type3A_40 = arith.extui %eq3A_39 : i1 to i32
    %cond3A_41 = arith.constant 0 : i32
    %cond3A_42 = arith.cmpi ne, %convert_element_type3A_40, %cond3A_41 : i32
    scf.if %cond3A_42 {
      "tpu.region"() ({
        %run_scoped3A = tpu.sem_alloc : memref<!tpu.dma_semaphore, #tpu.memory_space<semaphore_mem>>
        %dma_start3A = arith.constant 0 : i32
        %dma_start3A_47 = arith.constant 0 : i32
        %dma_start3A_48 = tpu.memref_slice %arg9[%dma_start3A, %dma_start3A_47] : memref<208x64xf32, #tpu.memory_space<vmem>> -> memref<16x64xf32, #tpu.memory_space<vmem>>
        %dma_start3A_49 = arith.constant 9984 : i32
        %dma_start3A_50 = arith.constant 0 : i32
        %dma_start3A_51 = tpu.memref_slice %arg10[%dma_start3A_49, %dma_start3A_50] : memref<10000x64xf32, #tpu.memory_space<vmem_shared>> -> memref<16x64xf32, #tpu.memory_space<vmem_shared>>
        %dma_start3A_52 = arith.constant 0 : i32
        %dma_start3A_53 = arith.constant 0 : i32
        %dma_start3A_54 = tpu.memref_slice %arg9[%dma_start3A_52, %dma_start3A_53] : memref<208x64xf32, #tpu.memory_space<vmem>> -> memref<16x64xf32, #tpu.memory_space<vmem>>
        %dma_start3A_55 = arith.constant 9984 : i32
        %dma_start3A_56 = arith.constant 0 : i32
        %dma_start3A_57 = tpu.memref_slice %arg10[%dma_start3A_55, %dma_start3A_56] : memref<10000x64xf32, #tpu.memory_space<vmem_shared>> -> memref<16x64xf32, #tpu.memory_space<vmem_shared>>
        tpu.enqueue_dma source(%dma_start3A_57 : memref<16x64xf32, #tpu.memory_space<vmem_shared>>) target(%dma_start3A_54 : memref<16x64xf32, #tpu.memory_space<vmem>>) target_semaphore(%run_scoped3A : memref<!tpu.dma_semaphore, #tpu.memory_space<semaphore_mem>>)
        %dma_wait3A = arith.constant 0 : i32
        %dma_wait3A_58 = arith.constant 0 : i32
        %dma_wait3A_59 = tpu.memref_slice %arg9[%dma_wait3A, %dma_wait3A_58] : memref<208x64xf32, #tpu.memory_space<vmem>> -> memref<16x64xf32, #tpu.memory_space<vmem>>
        %dma_wait3A_60 = arith.constant 9984 : i32
        %dma_wait3A_61 = arith.constant 0 : i32
        %dma_wait3A_62 = tpu.memref_slice %arg10[%dma_wait3A_60, %dma_wait3A_61] : memref<10000x64xf32, #tpu.memory_space<vmem_shared>> -> memref<16x64xf32, #tpu.memory_space<vmem_shared>>
        %dma_wait3A_63 = arith.constant 0 : i32
        %dma_wait3A_64 = arith.constant 0 : i32
        %dma_wait3A_65 = tpu.memref_slice %arg9[%dma_wait3A_63, %dma_wait3A_64] : memref<208x64xf32, #tpu.memory_space<vmem>> -> memref<16x64xf32, #tpu.memory_space<vmem>>
        %dma_wait3A_66 = arith.constant 9984 : i32
        %dma_wait3A_67 = arith.constant 0 : i32
        %dma_wait3A_68 = tpu.memref_slice %arg10[%dma_wait3A_66, %dma_wait3A_67] : memref<10000x64xf32, #tpu.memory_space<vmem_shared>> -> memref<16x64xf32, #tpu.memory_space<vmem_shared>>
        tpu.wait_dma2 semaphore(%run_scoped3A : memref<!tpu.dma_semaphore, #tpu.memory_space<semaphore_mem>>) src(%dma_wait3A_68 : memref<16x64xf32, #tpu.memory_space<vmem_shared>>) dst(%dma_wait3A_65 : memref<16x64xf32, #tpu.memory_space<vmem>>)
        tpu.yield
      }) : () -> ()
      %mul3A_43 = arith.constant 10000 : i32
      %mul3A_44 = arith.muli %arg0, %mul3A_43 : i32
      %add3A_45 = arith.constant 9984 : i32
      %add3A_46 = arith.addi %mul3A_44, %add3A_45 : i32
      "tpu.region"() ({
        %run_scoped3A = tpu.sem_alloc : memref<!tpu.dma_semaphore, #tpu.memory_space<semaphore_mem>>
        %dma_start3A = arith.constant 0 : i32
        %dma_start3A_47 = arith.constant 0 : i32
        %dma_start3A_48 = tpu.memref_slice %arg9[%dma_start3A, %dma_start3A_47] : memref<208x64xf32, #tpu.memory_space<vmem>> -> memref<16x64xf32, #tpu.memory_space<vmem>>
        %dma_start3A_49 = arith.constant 0 : i32
        %dma_start3A_50 = tpu.memref_slice %arg4[%add3A_46, %dma_start3A_49] : memref<20000x64xf32, #tpu.memory_space<hbm>> -> memref<16x64xf32, #tpu.memory_space<hbm>>
        %dma_start3A_51 = arith.constant 0 : i32
        %dma_start3A_52 = tpu.memref_slice %arg4[%add3A_46, %dma_start3A_51] : memref<20000x64xf32, #tpu.memory_space<hbm>> -> memref<16x64xf32, #tpu.memory_space<hbm>>
        %dma_start3A_53 = arith.constant 0 : i32
        %dma_start3A_54 = arith.constant 0 : i32
        %dma_start3A_55 = tpu.memref_slice %arg9[%dma_start3A_53, %dma_start3A_54] : memref<208x64xf32, #tpu.memory_space<vmem>> -> memref<16x64xf32, #tpu.memory_space<vmem>>
        tpu.enqueue_dma source(%dma_start3A_55 : memref<16x64xf32, #tpu.memory_space<vmem>>) target(%dma_start3A_52 : memref<16x64xf32, #tpu.memory_space<hbm>>) target_semaphore(%run_scoped3A : memref<!tpu.dma_semaphore, #tpu.memory_space<semaphore_mem>>)
        %dma_wait3A = arith.constant 0 : i32
        %dma_wait3A_56 = arith.constant 0 : i32
        %dma_wait3A_57 = tpu.memref_slice %arg9[%dma_wait3A, %dma_wait3A_56] : memref<208x64xf32, #tpu.memory_space<vmem>> -> memref<16x64xf32, #tpu.memory_space<vmem>>
        %dma_wait3A_58 = arith.constant 0 : i32
        %dma_wait3A_59 = tpu.memref_slice %arg4[%add3A_46, %dma_wait3A_58] : memref<20000x64xf32, #tpu.memory_space<hbm>> -> memref<16x64xf32, #tpu.memory_space<hbm>>
        %dma_wait3A_60 = arith.constant 0 : i32
        %dma_wait3A_61 = tpu.memref_slice %arg4[%add3A_46, %dma_wait3A_60] : memref<20000x64xf32, #tpu.memory_space<hbm>> -> memref<16x64xf32, #tpu.memory_space<hbm>>
        %dma_wait3A_62 = arith.constant 0 : i32
        %dma_wait3A_63 = arith.constant 0 : i32
        %dma_wait3A_64 = tpu.memref_slice %arg9[%dma_wait3A_62, %dma_wait3A_63] : memref<208x64xf32, #tpu.memory_space<vmem>> -> memref<16x64xf32, #tpu.memory_space<vmem>>
        tpu.wait_dma2 semaphore(%run_scoped3A : memref<!tpu.dma_semaphore, #tpu.memory_space<semaphore_mem>>) src(%dma_wait3A_64 : memref<16x64xf32, #tpu.memory_space<vmem>>) dst(%dma_wait3A_61 : memref<16x64xf32, #tpu.memory_space<hbm>>)
        tpu.yield
      }) : () -> ()
    } else {
    }
    return
  }
}

#map = affine_map<(d0, d1) -> (0, 0)>
#map1 = affine_map<(d0, d1) -> (0, 0, 0)>
module attributes {stable_mosaic.version = 14 : i64} {
  func.func @body(%arg0: i32, %arg1: i32, %arg2: memref<80000x128xf32, #tpu.memory_space<hbm>>, %arg3: memref<32x126x40xi32, #tpu.memory_space<hbm>>, %arg4: memref<20000x64xf32, #tpu.memory_space<hbm>>, %arg5: memref<126x40xi32, #tpu.memory_space<vmem>>, %arg6: memref<40x64xf32, #tpu.memory_space<vmem>>, %arg7: memref<40x64xf32, #tpu.memory_space<vmem>>, %arg8: memref<208x64xf32, #tpu.memory_space<vmem>>, %arg9: memref<208x64xf32, #tpu.memory_space<vmem>>, %arg10: memref<10000x64xf32, #tpu.memory_space<vmem_shared>>) attributes {dimension_semantics = [#tpu.dimension_semantics<core_parallel>, #tpu.dimension_semantics<subcore_parallel>], iteration_bounds = array<i64: 2, 16>, scalar_prefetch = 0 : i64, scratch_operands = 6 : i64, tpu.core_type = #tpu.core_type<sc_vector_subcore>, window_params = [{transform_indices = #map}, {transform_indices = #map1}, {transform_indices = #map}]} {
    %mul3A = arith.constant 2 : i32
    %mul3A_0 = arith.muli %arg1, %mul3A : i32
    %add3A = arith.addi %mul3A_0, %arg0 : i32
    %mul3A_1 = arith.constant 624 : i32
    %mul3A_2 = arith.muli %arg1, %mul3A_1 : i32
    %scan3A = arith.constant 0 : i32
    %scan3A_3 = arith.constant 0 : i32
    %scan3A_4 = arith.constant 832 : i32
    %scan3A_5 = arith.addi %scan3A_3, %scan3A_4 : i32
    %scan3A_6 = arith.constant 1 : i32
    scf.for %scan3A_43 = %scan3A_3 to %scan3A_5 step %scan3A_6  : i32 {
      %broadcast_in_dim3A = arith.constant 0.000000e+00 : f32
      %broadcast_in_dim3A_44 = vector.broadcast %broadcast_in_dim3A : f32 to vector<16xf32>
      %jit3A = arith.constant 4 : i32
      %div3A = arith.divsi %scan3A_43, %jit3A : i32
      %sign3A = arith.constant 0 : i32
      %sign3A_45 = arith.cmpi sgt, %scan3A_43, %sign3A : i32
      %sign3A_46 = arith.extui %sign3A_45 : i1 to i32
      %sign3A_47 = arith.constant 0 : i32
      %sign3A_48 = arith.cmpi slt, %scan3A_43, %sign3A_47 : i32
      %sign3A_49 = arith.extui %sign3A_48 : i1 to i32
      %sign3A_50 = arith.subi %sign3A_46, %sign3A_49 : i32
      %sign3A_51 = arith.constant 0 : i32
      %sign3A_52 = arith.cmpi sgt, %jit3A, %sign3A_51 : i32
      %sign3A_53 = arith.extui %sign3A_52 : i1 to i32
      %sign3A_54 = arith.constant 0 : i32
      %sign3A_55 = arith.cmpi slt, %jit3A, %sign3A_54 : i32
      %sign3A_56 = arith.extui %sign3A_55 : i1 to i32
      %sign3A_57 = arith.subi %sign3A_53, %sign3A_56 : i32
      %ne3A = arith.cmpi ne, %sign3A_50, %sign3A_57 : i32
      %rem3A = arith.remsi %scan3A_43, %jit3A : i32
      %ne3A_58 = arith.constant 0 : i32
      %ne3A_59 = arith.cmpi ne, %rem3A, %ne3A_58 : i32
      %and3A = arith.andi %ne3A, %ne3A_59 : i1
      %sub3A = arith.constant 1 : i32
      %sub3A_60 = arith.subi %div3A, %sub3A : i32
      %select_n3A = arith.select %and3A, %sub3A_60, %div3A : i32
      %jit3A_61 = arith.constant 4 : i32
      %eq3A_62 = arith.constant 0 : i32
      %eq3A_63 = arith.cmpi eq, %jit3A_61, %eq3A_62 : i32
      %jit3A_64 = arith.constant 1 : i32
      %select_n3A_65 = arith.select %eq3A_63, %jit3A_64, %jit3A_61 : i32
      %rem3A_66 = arith.remsi %scan3A_43, %select_n3A_65 : i32
      %ne3A_67 = arith.constant 0 : i32
      %ne3A_68 = arith.cmpi ne, %rem3A_66, %ne3A_67 : i32
      %lt3A = arith.constant 0 : i32
      %lt3A_69 = arith.cmpi slt, %rem3A_66, %lt3A : i32
      %lt3A_70 = arith.constant 0 : i32
      %lt3A_71 = arith.cmpi slt, %select_n3A_65, %lt3A_70 : i32
      %ne3A_72 = arith.xori %lt3A_69, %lt3A_71 : i1
      %and3A_73 = arith.andi %ne3A_72, %ne3A_68 : i1
      %add3A_74 = arith.addi %rem3A_66, %select_n3A_65 : i32
      %select_n3A_75 = arith.select %and3A_73, %add3A_74, %rem3A_66 : i32
      %mul3A_76 = arith.constant 16 : i32
      %mul3A_77 = arith.muli %select_n3A_75, %mul3A_76 : i32
      %swap3A = arith.index_cast %select_n3A : i32 to index
      %swap3A_78 = arith.index_cast %mul3A_77 : i32 to index
      %swap3A_79 = tpu.vector_load %arg8[%swap3A, %swap3A_78] {strides = array<i32>} : memref<208x64xf32, #tpu.memory_space<vmem>>, vector<1x16xf32>,
      %swap3A_80 = vector.shape_cast %swap3A_79 : vector<1x16xf32> to vector<16xf32>
      %swap3A_81 = vector.shape_cast %broadcast_in_dim3A_44 : vector<16xf32> to vector<1x16xf32>
      tpu.vector_store %arg8[%swap3A, %swap3A_78], %swap3A_81 {strides = array<i32>} : memref<208x64xf32, #tpu.memory_space<vmem>>, vector<1x16xf32>,
    }
    %scan3A_7 = arith.constant 832 : i32
    "tpu.region"() ({
      %run_scoped3A = tpu.sem_alloc : memref<!tpu.dma_semaphore, #tpu.memory_space<semaphore_mem>>
      %dma_start3A = arith.constant 0 : i32
      %dma_start3A_43 = arith.constant 0 : i32
      %dma_start3A_44 = tpu.memref_slice %arg3[%add3A, %dma_start3A, %dma_start3A_43] : memref<32x126x40xi32, #tpu.memory_space<hbm>> -> memref<1x126x40xi32, #tpu.memory_space<hbm>>
      %dma_start3A_45 = tpu.memref_squeeze %dma_start3A_44 : memref<1x126x40xi32, #tpu.memory_space<hbm>> -> memref<126x40xi32, #tpu.memory_space<hbm>>
      %dma_start3A_46 = arith.constant 0 : i32
      %dma_start3A_47 = arith.constant 0 : i32
      %dma_start3A_48 = tpu.memref_slice %arg3[%add3A, %dma_start3A_46, %dma_start3A_47] : memref<32x126x40xi32, #tpu.memory_space<hbm>> -> memref<1x126x40xi32, #tpu.memory_space<hbm>>
      %dma_start3A_49 = tpu.memref_squeeze %dma_start3A_48 : memref<1x126x40xi32, #tpu.memory_space<hbm>> -> memref<126x40xi32, #tpu.memory_space<hbm>>
      tpu.enqueue_dma source(%dma_start3A_49 : memref<126x40xi32, #tpu.memory_space<hbm>>) target(%arg5 : memref<126x40xi32, #tpu.memory_space<vmem>>) target_semaphore(%run_scoped3A : memref<!tpu.dma_semaphore, #tpu.memory_space<semaphore_mem>>)
      %dma_wait3A = arith.constant 0 : i32
      %dma_wait3A_50 = arith.constant 0 : i32
      %dma_wait3A_51 = tpu.memref_slice %arg3[%add3A, %dma_wait3A, %dma_wait3A_50] : memref<32x126x40xi32, #tpu.memory_space<hbm>> -> memref<1x126x40xi32, #tpu.memory_space<hbm>>
      %dma_wait3A_52 = tpu.memref_squeeze %dma_wait3A_51 : memref<1x126x40xi32, #tpu.memory_space<hbm>> -> memref<126x40xi32, #tpu.memory_space<hbm>>
      %dma_wait3A_53 = arith.constant 0 : i32
      %dma_wait3A_54 = arith.constant 0 : i32
      %dma_wait3A_55 = tpu.memref_slice %arg3[%add3A, %dma_wait3A_53, %dma_wait3A_54] : memref<32x126x40xi32, #tpu.memory_space<hbm>> -> memref<1x126x40xi32, #tpu.memory_space<hbm>>
      %dma_wait3A_56 = tpu.memref_squeeze %dma_wait3A_55 : memref<1x126x40xi32, #tpu.memory_space<hbm>> -> memref<126x40xi32, #tpu.memory_space<hbm>>
      tpu.wait_dma2 semaphore(%run_scoped3A : memref<!tpu.dma_semaphore, #tpu.memory_space<semaphore_mem>>) src(%dma_wait3A_56 : memref<126x40xi32, #tpu.memory_space<hbm>>) dst(%arg5 : memref<126x40xi32, #tpu.memory_space<vmem>>)
      tpu.yield
    }) : () -> ()
    %add3A_8 = arith.constant 0 : i32
    %add3A_9 = arith.addi %mul3A_2, %add3A_8 : i32
    "tpu.region"() ({
      %run_scoped3A = tpu.sem_alloc : memref<!tpu.dma_semaphore, #tpu.memory_space<semaphore_mem>>
      %dma_start3A = arith.constant 0 : i32
      %dma_start3A_43 = tpu.memref_slice %arg10[%add3A_9, %dma_start3A] : memref<10000x64xf32, #tpu.memory_space<vmem_shared>> -> memref<208x64xf32, #tpu.memory_space<vmem_shared>>
      %dma_start3A_44 = arith.constant 0 : i32
      %dma_start3A_45 = tpu.memref_slice %arg10[%add3A_9, %dma_start3A_44] : memref<10000x64xf32, #tpu.memory_space<vmem_shared>> -> memref<208x64xf32, #tpu.memory_space<vmem_shared>>
      tpu.enqueue_dma source(%arg8 : memref<208x64xf32, #tpu.memory_space<vmem>>) target(%dma_start3A_45 : memref<208x64xf32, #tpu.memory_space<vmem_shared>>) target_semaphore(%run_scoped3A : memref<!tpu.dma_semaphore, #tpu.memory_space<semaphore_mem>>)
      %dma_wait3A = arith.constant 0 : i32
      %dma_wait3A_46 = tpu.memref_slice %arg10[%add3A_9, %dma_wait3A] : memref<10000x64xf32, #tpu.memory_space<vmem_shared>> -> memref<208x64xf32, #tpu.memory_space<vmem_shared>>
      %dma_wait3A_47 = arith.constant 0 : i32
      %dma_wait3A_48 = tpu.memref_slice %arg10[%add3A_9, %dma_wait3A_47] : memref<10000x64xf32, #tpu.memory_space<vmem_shared>> -> memref<208x64xf32, #tpu.memory_space<vmem_shared>>
      tpu.wait_dma2 semaphore(%run_scoped3A : memref<!tpu.dma_semaphore, #tpu.memory_space<semaphore_mem>>) src(%arg8 : memref<208x64xf32, #tpu.memory_space<vmem>>) dst(%dma_wait3A_48 : memref<208x64xf32, #tpu.memory_space<vmem_shared>>)
      tpu.yield
    }) : () -> ()
    %add3A_10 = arith.constant 208 : i32
    %add3A_11 = arith.addi %mul3A_2, %add3A_10 : i32
    "tpu.region"() ({
      %run_scoped3A = tpu.sem_alloc : memref<!tpu.dma_semaphore, #tpu.memory_space<semaphore_mem>>
      %dma_start3A = arith.constant 0 : i32
      %dma_start3A_43 = tpu.memref_slice %arg10[%add3A_11, %dma_start3A] : memref<10000x64xf32, #tpu.memory_space<vmem_shared>> -> memref<208x64xf32, #tpu.memory_space<vmem_shared>>
      %dma_start3A_44 = arith.constant 0 : i32
      %dma_start3A_45 = tpu.memref_slice %arg10[%add3A_11, %dma_start3A_44] : memref<10000x64xf32, #tpu.memory_space<vmem_shared>> -> memref<208x64xf32, #tpu.memory_space<vmem_shared>>
      tpu.enqueue_dma source(%arg8 : memref<208x64xf32, #tpu.memory_space<vmem>>) target(%dma_start3A_45 : memref<208x64xf32, #tpu.memory_space<vmem_shared>>) target_semaphore(%run_scoped3A : memref<!tpu.dma_semaphore, #tpu.memory_space<semaphore_mem>>)
      %dma_wait3A = arith.constant 0 : i32
      %dma_wait3A_46 = tpu.memref_slice %arg10[%add3A_11, %dma_wait3A] : memref<10000x64xf32, #tpu.memory_space<vmem_shared>> -> memref<208x64xf32, #tpu.memory_space<vmem_shared>>
      %dma_wait3A_47 = arith.constant 0 : i32
      %dma_wait3A_48 = tpu.memref_slice %arg10[%add3A_11, %dma_wait3A_47] : memref<10000x64xf32, #tpu.memory_space<vmem_shared>> -> memref<208x64xf32, #tpu.memory_space<vmem_shared>>
      tpu.wait_dma2 semaphore(%run_scoped3A : memref<!tpu.dma_semaphore, #tpu.memory_space<semaphore_mem>>) src(%arg8 : memref<208x64xf32, #tpu.memory_space<vmem>>) dst(%dma_wait3A_48 : memref<208x64xf32, #tpu.memory_space<vmem_shared>>)
      tpu.yield
    }) : () -> ()
    %add3A_12 = arith.constant 416 : i32
    %add3A_13 = arith.addi %mul3A_2, %add3A_12 : i32
    "tpu.region"() ({
      %run_scoped3A = tpu.sem_alloc : memref<!tpu.dma_semaphore, #tpu.memory_space<semaphore_mem>>
      %dma_start3A = arith.constant 0 : i32
      %dma_start3A_43 = tpu.memref_slice %arg10[%add3A_13, %dma_start3A] : memref<10000x64xf32, #tpu.memory_space<vmem_shared>> -> memref<208x64xf32, #tpu.memory_space<vmem_shared>>
      %dma_start3A_44 = arith.constant 0 : i32
      %dma_start3A_45 = tpu.memref_slice %arg10[%add3A_13, %dma_start3A_44] : memref<10000x64xf32, #tpu.memory_space<vmem_shared>> -> memref<208x64xf32, #tpu.memory_space<vmem_shared>>
      tpu.enqueue_dma source(%arg8 : memref<208x64xf32, #tpu.memory_space<vmem>>) target(%dma_start3A_45 : memref<208x64xf32, #tpu.memory_space<vmem_shared>>) target_semaphore(%run_scoped3A : memref<!tpu.dma_semaphore, #tpu.memory_space<semaphore_mem>>)
      %dma_wait3A = arith.constant 0 : i32
      %dma_wait3A_46 = tpu.memref_slice %arg10[%add3A_13, %dma_wait3A] : memref<10000x64xf32, #tpu.memory_space<vmem_shared>> -> memref<208x64xf32, #tpu.memory_space<vmem_shared>>
      %dma_wait3A_47 = arith.constant 0 : i32
      %dma_wait3A_48 = tpu.memref_slice %arg10[%add3A_13, %dma_wait3A_47] : memref<10000x64xf32, #tpu.memory_space<vmem_shared>> -> memref<208x64xf32, #tpu.memory_space<vmem_shared>>
      tpu.wait_dma2 semaphore(%run_scoped3A : memref<!tpu.dma_semaphore, #tpu.memory_space<semaphore_mem>>) src(%arg8 : memref<208x64xf32, #tpu.memory_space<vmem>>) dst(%dma_wait3A_48 : memref<208x64xf32, #tpu.memory_space<vmem_shared>>)
      tpu.yield
    }) : () -> ()
    %eq3A = arith.constant 15 : i32
    %eq3A_14 = arith.cmpi eq, %arg1, %eq3A : i32
    %convert_element_type3A = arith.extui %eq3A_14 : i1 to i32
    %cond3A = arith.constant 0 : i32
    %cond3A_15 = arith.cmpi ne, %convert_element_type3A, %cond3A : i32
    scf.if %cond3A_15 {
      "tpu.region"() ({
        %run_scoped3A = tpu.sem_alloc : memref<!tpu.dma_semaphore, #tpu.memory_space<semaphore_mem>>
        %dma_start3A = arith.constant 0 : i32
        %dma_start3A_43 = arith.constant 0 : i32
        %dma_start3A_44 = tpu.memref_slice %arg8[%dma_start3A, %dma_start3A_43] : memref<208x64xf32, #tpu.memory_space<vmem>> -> memref<16x64xf32, #tpu.memory_space<vmem>>
        %dma_start3A_45 = arith.constant 9984 : i32
        %dma_start3A_46 = arith.constant 0 : i32
        %dma_start3A_47 = tpu.memref_slice %arg10[%dma_start3A_45, %dma_start3A_46] : memref<10000x64xf32, #tpu.memory_space<vmem_shared>> -> memref<16x64xf32, #tpu.memory_space<vmem_shared>>
        %dma_start3A_48 = arith.constant 9984 : i32
        %dma_start3A_49 = arith.constant 0 : i32
        %dma_start3A_50 = tpu.memref_slice %arg10[%dma_start3A_48, %dma_start3A_49] : memref<10000x64xf32, #tpu.memory_space<vmem_shared>> -> memref<16x64xf32, #tpu.memory_space<vmem_shared>>
        %dma_start3A_51 = arith.constant 0 : i32
        %dma_start3A_52 = arith.constant 0 : i32
        %dma_start3A_53 = tpu.memref_slice %arg8[%dma_start3A_51, %dma_start3A_52] : memref<208x64xf32, #tpu.memory_space<vmem>> -> memref<16x64xf32, #tpu.memory_space<vmem>>
        tpu.enqueue_dma source(%dma_start3A_53 : memref<16x64xf32, #tpu.memory_space<vmem>>) target(%dma_start3A_50 : memref<16x64xf32, #tpu.memory_space<vmem_shared>>) target_semaphore(%run_scoped3A : memref<!tpu.dma_semaphore, #tpu.memory_space<semaphore_mem>>)
        %dma_wait3A = arith.constant 0 : i32
        %dma_wait3A_54 = arith.constant 0 : i32
        %dma_wait3A_55 = tpu.memref_slice %arg8[%dma_wait3A, %dma_wait3A_54] : memref<208x64xf32, #tpu.memory_space<vmem>> -> memref<16x64xf32, #tpu.memory_space<vmem>>
        %dma_wait3A_56 = arith.constant 9984 : i32
        %dma_wait3A_57 = arith.constant 0 : i32
        %dma_wait3A_58 = tpu.memref_slice %arg10[%dma_wait3A_56, %dma_wait3A_57] : memref<10000x64xf32, #tpu.memory_space<vmem_shared>> -> memref<16x64xf32, #tpu.memory_space<vmem_shared>>
        %dma_wait3A_59 = arith.constant 9984 : i32
        %dma_wait3A_60 = arith.constant 0 : i32
        %dma_wait3A_61 = tpu.memref_slice %arg10[%dma_wait3A_59, %dma_wait3A_60] : memref<10000x64xf32, #tpu.memory_space<vmem_shared>> -> memref<16x64xf32, #tpu.memory_space<vmem_shared>>
        %dma_wait3A_62 = arith.constant 0 : i32
        %dma_wait3A_63 = arith.constant 0 : i32
        %dma_wait3A_64 = tpu.memref_slice %arg8[%dma_wait3A_62, %dma_wait3A_63] : memref<208x64xf32, #tpu.memory_space<vmem>> -> memref<16x64xf32, #tpu.memory_space<vmem>>
        tpu.wait_dma2 semaphore(%run_scoped3A : memref<!tpu.dma_semaphore, #tpu.memory_space<semaphore_mem>>) src(%dma_wait3A_64 : memref<16x64xf32, #tpu.memory_space<vmem>>) dst(%dma_wait3A_61 : memref<16x64xf32, #tpu.memory_space<vmem_shared>>)
        tpu.yield
      }) : () -> ()
    } else {
    }
    %barrier3A = arith.constant 0 : index
    tpu.barrier barrier_id(%barrier3A)
    %scan3A_16 = arith.constant 0 : i32
    %scan3A_17 = arith.constant 0 : i32
    %scan3A_18 = arith.constant 63 : i32
    %scan3A_19 = arith.addi %scan3A_17, %scan3A_18 : i32
    %scan3A_20 = arith.constant 1 : i32
    scf.for %scan3A_43 = %scan3A_17 to %scan3A_19 step %scan3A_20  : i32 {
      %mul3A_44 = arith.constant 32 : i32
      %mul3A_45 = arith.muli %scan3A_43, %mul3A_44 : i32
      %add3A_46 = arith.addi %mul3A_45, %add3A : i32
      %lt3A = arith.constant 2000 : i32
      %lt3A_47 = arith.cmpi slt, %add3A_46, %lt3A : i32
      %convert_element_type3A_48 = arith.extui %lt3A_47 : i1 to i32
      %cond3A_49 = arith.constant 0 : i32
      %cond3A_50 = arith.cmpi ne, %convert_element_type3A_48, %cond3A_49 : i32
      scf.if %cond3A_50 {
        %mul3A_51 = arith.constant 40 : i32
        %mul3A_52 = arith.muli %add3A_46, %mul3A_51 : i32
        "tpu.region"() ({
          %run_scoped3A = tpu.sem_alloc : memref<!tpu.dma_semaphore, #tpu.memory_space<semaphore_mem>>
          %dma_start3A = arith.constant 0 : i32
          %dma_start3A_61 = tpu.memref_slice %arg2[%mul3A_52, %dma_start3A] : memref<80000x128xf32, #tpu.memory_space<hbm>> -> memref<40x64xf32, #tpu.memory_space<hbm>>
          %dma_start3A_62 = arith.constant 0 : i32
          %dma_start3A_63 = tpu.memref_slice %arg2[%mul3A_52, %dma_start3A_62] : memref<80000x128xf32, #tpu.memory_space<hbm>> -> memref<40x64xf32, #tpu.memory_space<hbm>>
          tpu.enqueue_dma source(%dma_start3A_63 : memref<40x64xf32, #tpu.memory_space<hbm>>) target(%arg6 : memref<40x64xf32, #tpu.memory_space<vmem>>) target_semaphore(%run_scoped3A : memref<!tpu.dma_semaphore, #tpu.memory_space<semaphore_mem>>)
          %dma_wait3A = arith.constant 0 : i32
          %dma_wait3A_64 = tpu.memref_slice %arg2[%mul3A_52, %dma_wait3A] : memref<80000x128xf32, #tpu.memory_space<hbm>> -> memref<40x64xf32, #tpu.memory_space<hbm>>
          %dma_wait3A_65 = arith.constant 0 : i32
          %dma_wait3A_66 = tpu.memref_slice %arg2[%mul3A_52, %dma_wait3A_65] : memref<80000x128xf32, #tpu.memory_space<hbm>> -> memref<40x64xf32, #tpu.memory_space<hbm>>
          tpu.wait_dma2 semaphore(%run_scoped3A : memref<!tpu.dma_semaphore, #tpu.memory_space<semaphore_mem>>) src(%dma_wait3A_66 : memref<40x64xf32, #tpu.memory_space<hbm>>) dst(%arg6 : memref<40x64xf32, #tpu.memory_space<vmem>>)
          tpu.yield
        }) : () -> ()
        %mul3A_53 = arith.constant 40 : i32
        %mul3A_54 = arith.muli %add3A_46, %mul3A_53 : i32
        "tpu.region"() ({
          %run_scoped3A = tpu.sem_alloc : memref<!tpu.dma_semaphore, #tpu.memory_space<semaphore_mem>>
          %dma_start3A = arith.constant 64 : i32
          %dma_start3A_61 = tpu.memref_slice %arg2[%mul3A_54, %dma_start3A] : memref<80000x128xf32, #tpu.memory_space<hbm>> -> memref<40x64xf32, #tpu.memory_space<hbm>>
          %dma_start3A_62 = arith.constant 64 : i32
          %dma_start3A_63 = tpu.memref_slice %arg2[%mul3A_54, %dma_start3A_62] : memref<80000x128xf32, #tpu.memory_space<hbm>> -> memref<40x64xf32, #tpu.memory_space<hbm>>
          tpu.enqueue_dma source(%dma_start3A_63 : memref<40x64xf32, #tpu.memory_space<hbm>>) target(%arg7 : memref<40x64xf32, #tpu.memory_space<vmem>>) target_semaphore(%run_scoped3A : memref<!tpu.dma_semaphore, #tpu.memory_space<semaphore_mem>>)
          %dma_wait3A = arith.constant 64 : i32
          %dma_wait3A_64 = tpu.memref_slice %arg2[%mul3A_54, %dma_wait3A] : memref<80000x128xf32, #tpu.memory_space<hbm>> -> memref<40x64xf32, #tpu.memory_space<hbm>>
          %dma_wait3A_65 = arith.constant 64 : i32
          %dma_wait3A_66 = tpu.memref_slice %arg2[%mul3A_54, %dma_wait3A_65] : memref<80000x128xf32, #tpu.memory_space<hbm>> -> memref<40x64xf32, #tpu.memory_space<hbm>>
          tpu.wait_dma2 semaphore(%run_scoped3A : memref<!tpu.dma_semaphore, #tpu.memory_space<semaphore_mem>>) src(%dma_wait3A_66 : memref<40x64xf32, #tpu.memory_space<hbm>>) dst(%arg7 : memref<40x64xf32, #tpu.memory_space<vmem>>)
          tpu.yield
        }) : () -> ()
        %mul3A_55 = arith.constant 2 : i32
        %mul3A_56 = arith.muli %mul3A_55, %scan3A_43 : i32
        "tpu.region"() ({
          %run_scoped3A = tpu.sem_alloc : memref<!tpu.dma_semaphore, #tpu.memory_space<semaphore_mem>>
          %dma_start3A = arith.constant 0 : i32
          %dma_start3A_61 = tpu.memref_slice %arg5[%mul3A_56, %dma_start3A] : memref<126x40xi32, #tpu.memory_space<vmem>> -> memref<1x40xi32, #tpu.memory_space<vmem>>
          %dma_start3A_62 = tpu.memref_squeeze %dma_start3A_61 : memref<1x40xi32, #tpu.memory_space<vmem>> -> memref<40xi32, #tpu.memory_space<vmem>>
          %dma_start3A_63 = arith.constant 0 : i32
          %dma_start3A_64 = arith.constant 0 : i32
          %dma_start3A_65 = tpu.memref_slice %arg10[%dma_start3A_63, %dma_start3A_64] : memref<10000x64xf32, #tpu.memory_space<vmem_shared>> -> memref<10000x64xf32, #tpu.memory_space<vmem_shared>>
          tpu.enqueue_indirect_dma source(%arg6 : memref<40x64xf32, #tpu.memory_space<vmem>>) target(%dma_start3A_65 : memref<10000x64xf32, #tpu.memory_space<vmem_shared>>) offsets(%dma_start3A_62 : memref<40xi32, #tpu.memory_space<vmem>>) semaphore(%run_scoped3A : memref<!tpu.dma_semaphore, #tpu.memory_space<semaphore_mem>>) {add = true}
          %dma_wait3A = arith.constant 0 : i32
          %dma_wait3A_66 = tpu.memref_slice %arg5[%mul3A_56, %dma_wait3A] : memref<126x40xi32, #tpu.memory_space<vmem>> -> memref<1x40xi32, #tpu.memory_space<vmem>>
          %dma_wait3A_67 = tpu.memref_squeeze %dma_wait3A_66 : memref<1x40xi32, #tpu.memory_space<vmem>> -> memref<40xi32, #tpu.memory_space<vmem>>
          %dma_wait3A_68 = arith.constant 0 : i32
          %dma_wait3A_69 = arith.constant 0 : i32
          %dma_wait3A_70 = tpu.memref_slice %arg10[%dma_wait3A_68, %dma_wait3A_69] : memref<10000x64xf32, #tpu.memory_space<vmem_shared>> -> memref<10000x64xf32, #tpu.memory_space<vmem_shared>>
          tpu.wait_indirect_dma semaphore(%run_scoped3A : memref<!tpu.dma_semaphore, #tpu.memory_space<semaphore_mem>>) src(%arg6 : memref<40x64xf32, #tpu.memory_space<vmem>>) dst(%dma_wait3A_70 : memref<10000x64xf32, #tpu.memory_space<vmem_shared>>)
          tpu.yield
        }) : () -> ()
        %mul3A_57 = arith.constant 2 : i32
        %mul3A_58 = arith.muli %mul3A_57, %scan3A_43 : i32
        %add3A_59 = arith.constant 1 : i32
        %add3A_60 = arith.addi %mul3A_58, %add3A_59 : i32
        "tpu.region"() ({
          %run_scoped3A = tpu.sem_alloc : memref<!tpu.dma_semaphore, #tpu.memory_space<semaphore_mem>>
          %dma_start3A = arith.constant 0 : i32
          %dma_start3A_61 = tpu.memref_slice %arg5[%add3A_60, %dma_start3A] : memref<126x40xi32, #tpu.memory_space<vmem>> -> memref<1x40xi32, #tpu.memory_space<vmem>>
          %dma_start3A_62 = tpu.memref_squeeze %dma_start3A_61 : memref<1x40xi32, #tpu.memory_space<vmem>> -> memref<40xi32, #tpu.memory_space<vmem>>
          %dma_start3A_63 = arith.constant 0 : i32
          %dma_start3A_64 = arith.constant 0 : i32
          %dma_start3A_65 = tpu.memref_slice %arg10[%dma_start3A_63, %dma_start3A_64] : memref<10000x64xf32, #tpu.memory_space<vmem_shared>> -> memref<10000x64xf32, #tpu.memory_space<vmem_shared>>
          tpu.enqueue_indirect_dma source(%arg7 : memref<40x64xf32, #tpu.memory_space<vmem>>) target(%dma_start3A_65 : memref<10000x64xf32, #tpu.memory_space<vmem_shared>>) offsets(%dma_start3A_62 : memref<40xi32, #tpu.memory_space<vmem>>) semaphore(%run_scoped3A : memref<!tpu.dma_semaphore, #tpu.memory_space<semaphore_mem>>) {add = true}
          %dma_wait3A = arith.constant 0 : i32
          %dma_wait3A_66 = tpu.memref_slice %arg5[%add3A_60, %dma_wait3A] : memref<126x40xi32, #tpu.memory_space<vmem>> -> memref<1x40xi32, #tpu.memory_space<vmem>>
          %dma_wait3A_67 = tpu.memref_squeeze %dma_wait3A_66 : memref<1x40xi32, #tpu.memory_space<vmem>> -> memref<40xi32, #tpu.memory_space<vmem>>
          %dma_wait3A_68 = arith.constant 0 : i32
          %dma_wait3A_69 = arith.constant 0 : i32
          %dma_wait3A_70 = tpu.memref_slice %arg10[%dma_wait3A_68, %dma_wait3A_69] : memref<10000x64xf32, #tpu.memory_space<vmem_shared>> -> memref<10000x64xf32, #tpu.memory_space<vmem_shared>>
          tpu.wait_indirect_dma semaphore(%run_scoped3A : memref<!tpu.dma_semaphore, #tpu.memory_space<semaphore_mem>>) src(%arg7 : memref<40x64xf32, #tpu.memory_space<vmem>>) dst(%dma_wait3A_70 : memref<10000x64xf32, #tpu.memory_space<vmem_shared>>)
          tpu.yield
        }) : () -> ()
      } else {
      }
    }
    %scan3A_21 = arith.constant 63 : i32
    %barrier3A_22 = arith.constant 0 : index
    tpu.barrier barrier_id(%barrier3A_22)
    %mul3A_23 = arith.constant 10000 : i32
    %mul3A_24 = arith.muli %arg0, %mul3A_23 : i32
    %add3A_25 = arith.addi %mul3A_24, %mul3A_2 : i32
    %add3A_26 = arith.constant 0 : i32
    %add3A_27 = arith.addi %mul3A_2, %add3A_26 : i32
    "tpu.region"() ({
      %run_scoped3A = tpu.sem_alloc : memref<!tpu.dma_semaphore, #tpu.memory_space<semaphore_mem>>
      %dma_start3A = arith.constant 0 : i32
      %dma_start3A_43 = tpu.memref_slice %arg10[%add3A_27, %dma_start3A] : memref<10000x64xf32, #tpu.memory_space<vmem_shared>> -> memref<208x64xf32, #tpu.memory_space<vmem_shared>>
      %dma_start3A_44 = arith.constant 0 : i32
      %dma_start3A_45 = tpu.memref_slice %arg10[%add3A_27, %dma_start3A_44] : memref<10000x64xf32, #tpu.memory_space<vmem_shared>> -> memref<208x64xf32, #tpu.memory_space<vmem_shared>>
      tpu.enqueue_dma source(%dma_start3A_45 : memref<208x64xf32, #tpu.memory_space<vmem_shared>>) target(%arg9 : memref<208x64xf32, #tpu.memory_space<vmem>>) target_semaphore(%run_scoped3A : memref<!tpu.dma_semaphore, #tpu.memory_space<semaphore_mem>>)
      %dma_wait3A = arith.constant 0 : i32
      %dma_wait3A_46 = tpu.memref_slice %arg10[%add3A_27, %dma_wait3A] : memref<10000x64xf32, #tpu.memory_space<vmem_shared>> -> memref<208x64xf32, #tpu.memory_space<vmem_shared>>
      %dma_wait3A_47 = arith.constant 0 : i32
      %dma_wait3A_48 = tpu.memref_slice %arg10[%add3A_27, %dma_wait3A_47] : memref<10000x64xf32, #tpu.memory_space<vmem_shared>> -> memref<208x64xf32, #tpu.memory_space<vmem_shared>>
      tpu.wait_dma2 semaphore(%run_scoped3A : memref<!tpu.dma_semaphore, #tpu.memory_space<semaphore_mem>>) src(%dma_wait3A_48 : memref<208x64xf32, #tpu.memory_space<vmem_shared>>) dst(%arg9 : memref<208x64xf32, #tpu.memory_space<vmem>>)
      tpu.yield
    }) : () -> ()
    %add3A_28 = arith.constant 0 : i32
    %add3A_29 = arith.addi %add3A_25, %add3A_28 : i32
    "tpu.region"() ({
      %run_scoped3A = tpu.sem_alloc : memref<!tpu.dma_semaphore, #tpu.memory_space<semaphore_mem>>
      %dma_start3A = arith.constant 0 : i32
      %dma_start3A_43 = tpu.memref_slice %arg4[%add3A_29, %dma_start3A] : memref<20000x64xf32, #tpu.memory_space<hbm>> -> memref<208x64xf32, #tpu.memory_space<hbm>>
      %dma_start3A_44 = arith.constant 0 : i32
      %dma_start3A_45 = tpu.memref_slice %arg4[%add3A_29, %dma_start3A_44] : memref<20000x64xf32, #tpu.memory_space<hbm>> -> memref<208x64xf32, #tpu.memory_space<hbm>>
      tpu.enqueue_dma source(%arg9 : memref<208x64xf32, #tpu.memory_space<vmem>>) target(%dma_start3A_45 : memref<208x64xf32, #tpu.memory_space<hbm>>) target_semaphore(%run_scoped3A : memref<!tpu.dma_semaphore, #tpu.memory_space<semaphore_mem>>)
      %dma_wait3A = arith.constant 0 : i32
      %dma_wait3A_46 = tpu.memref_slice %arg4[%add3A_29, %dma_wait3A] : memref<20000x64xf32, #tpu.memory_space<hbm>> -> memref<208x64xf32, #tpu.memory_space<hbm>>
      %dma_wait3A_47 = arith.constant 0 : i32
      %dma_wait3A_48 = tpu.memref_slice %arg4[%add3A_29, %dma_wait3A_47] : memref<20000x64xf32, #tpu.memory_space<hbm>> -> memref<208x64xf32, #tpu.memory_space<hbm>>
      tpu.wait_dma2 semaphore(%run_scoped3A : memref<!tpu.dma_semaphore, #tpu.memory_space<semaphore_mem>>) src(%arg9 : memref<208x64xf32, #tpu.memory_space<vmem>>) dst(%dma_wait3A_48 : memref<208x64xf32, #tpu.memory_space<hbm>>)
      tpu.yield
    }) : () -> ()
    %add3A_30 = arith.constant 208 : i32
    %add3A_31 = arith.addi %mul3A_2, %add3A_30 : i32
    "tpu.region"() ({
      %run_scoped3A = tpu.sem_alloc : memref<!tpu.dma_semaphore, #tpu.memory_space<semaphore_mem>>
      %dma_start3A = arith.constant 0 : i32
      %dma_start3A_43 = tpu.memref_slice %arg10[%add3A_31, %dma_start3A] : memref<10000x64xf32, #tpu.memory_space<vmem_shared>> -> memref<208x64xf32, #tpu.memory_space<vmem_shared>>
      %dma_start3A_44 = arith.constant 0 : i32
      %dma_start3A_45 = tpu.memref_slice %arg10[%add3A_31, %dma_start3A_44] : memref<10000x64xf32, #tpu.memory_space<vmem_shared>> -> memref<208x64xf32, #tpu.memory_space<vmem_shared>>
      tpu.enqueue_dma source(%dma_start3A_45 : memref<208x64xf32, #tpu.memory_space<vmem_shared>>) target(%arg9 : memref<208x64xf32, #tpu.memory_space<vmem>>) target_semaphore(%run_scoped3A : memref<!tpu.dma_semaphore, #tpu.memory_space<semaphore_mem>>)
      %dma_wait3A = arith.constant 0 : i32
      %dma_wait3A_46 = tpu.memref_slice %arg10[%add3A_31, %dma_wait3A] : memref<10000x64xf32, #tpu.memory_space<vmem_shared>> -> memref<208x64xf32, #tpu.memory_space<vmem_shared>>
      %dma_wait3A_47 = arith.constant 0 : i32
      %dma_wait3A_48 = tpu.memref_slice %arg10[%add3A_31, %dma_wait3A_47] : memref<10000x64xf32, #tpu.memory_space<vmem_shared>> -> memref<208x64xf32, #tpu.memory_space<vmem_shared>>
      tpu.wait_dma2 semaphore(%run_scoped3A : memref<!tpu.dma_semaphore, #tpu.memory_space<semaphore_mem>>) src(%dma_wait3A_48 : memref<208x64xf32, #tpu.memory_space<vmem_shared>>) dst(%arg9 : memref<208x64xf32, #tpu.memory_space<vmem>>)
      tpu.yield
    }) : () -> ()
    %add3A_32 = arith.constant 208 : i32
    %add3A_33 = arith.addi %add3A_25, %add3A_32 : i32
    "tpu.region"() ({
      %run_scoped3A = tpu.sem_alloc : memref<!tpu.dma_semaphore, #tpu.memory_space<semaphore_mem>>
      %dma_start3A = arith.constant 0 : i32
      %dma_start3A_43 = tpu.memref_slice %arg4[%add3A_33, %dma_start3A] : memref<20000x64xf32, #tpu.memory_space<hbm>> -> memref<208x64xf32, #tpu.memory_space<hbm>>
      %dma_start3A_44 = arith.constant 0 : i32
      %dma_start3A_45 = tpu.memref_slice %arg4[%add3A_33, %dma_start3A_44] : memref<20000x64xf32, #tpu.memory_space<hbm>> -> memref<208x64xf32, #tpu.memory_space<hbm>>
      tpu.enqueue_dma source(%arg9 : memref<208x64xf32, #tpu.memory_space<vmem>>) target(%dma_start3A_45 : memref<208x64xf32, #tpu.memory_space<hbm>>) target_semaphore(%run_scoped3A : memref<!tpu.dma_semaphore, #tpu.memory_space<semaphore_mem>>)
      %dma_wait3A = arith.constant 0 : i32
      %dma_wait3A_46 = tpu.memref_slice %arg4[%add3A_33, %dma_wait3A] : memref<20000x64xf32, #tpu.memory_space<hbm>> -> memref<208x64xf32, #tpu.memory_space<hbm>>
      %dma_wait3A_47 = arith.constant 0 : i32
      %dma_wait3A_48 = tpu.memref_slice %arg4[%add3A_33, %dma_wait3A_47] : memref<20000x64xf32, #tpu.memory_space<hbm>> -> memref<208x64xf32, #tpu.memory_space<hbm>>
      tpu.wait_dma2 semaphore(%run_scoped3A : memref<!tpu.dma_semaphore, #tpu.memory_space<semaphore_mem>>) src(%arg9 : memref<208x64xf32, #tpu.memory_space<vmem>>) dst(%dma_wait3A_48 : memref<208x64xf32, #tpu.memory_space<hbm>>)
      tpu.yield
    }) : () -> ()
    %add3A_34 = arith.constant 416 : i32
    %add3A_35 = arith.addi %mul3A_2, %add3A_34 : i32
    "tpu.region"() ({
      %run_scoped3A = tpu.sem_alloc : memref<!tpu.dma_semaphore, #tpu.memory_space<semaphore_mem>>
      %dma_start3A = arith.constant 0 : i32
      %dma_start3A_43 = tpu.memref_slice %arg10[%add3A_35, %dma_start3A] : memref<10000x64xf32, #tpu.memory_space<vmem_shared>> -> memref<208x64xf32, #tpu.memory_space<vmem_shared>>
      %dma_start3A_44 = arith.constant 0 : i32
      %dma_start3A_45 = tpu.memref_slice %arg10[%add3A_35, %dma_start3A_44] : memref<10000x64xf32, #tpu.memory_space<vmem_shared>> -> memref<208x64xf32, #tpu.memory_space<vmem_shared>>
      tpu.enqueue_dma source(%dma_start3A_45 : memref<208x64xf32, #tpu.memory_space<vmem_shared>>) target(%arg9 : memref<208x64xf32, #tpu.memory_space<vmem>>) target_semaphore(%run_scoped3A : memref<!tpu.dma_semaphore, #tpu.memory_space<semaphore_mem>>)
      %dma_wait3A = arith.constant 0 : i32
      %dma_wait3A_46 = tpu.memref_slice %arg10[%add3A_35, %dma_wait3A] : memref<10000x64xf32, #tpu.memory_space<vmem_shared>> -> memref<208x64xf32, #tpu.memory_space<vmem_shared>>
      %dma_wait3A_47 = arith.constant 0 : i32
      %dma_wait3A_48 = tpu.memref_slice %arg10[%add3A_35, %dma_wait3A_47] : memref<10000x64xf32, #tpu.memory_space<vmem_shared>> -> memref<208x64xf32, #tpu.memory_space<vmem_shared>>
      tpu.wait_dma2 semaphore(%run_scoped3A : memref<!tpu.dma_semaphore, #tpu.memory_space<semaphore_mem>>) src(%dma_wait3A_48 : memref<208x64xf32, #tpu.memory_space<vmem_shared>>) dst(%arg9 : memref<208x64xf32, #tpu.memory_space<vmem>>)
      tpu.yield
    }) : () -> ()
    %add3A_36 = arith.constant 416 : i32
    %add3A_37 = arith.addi %add3A_25, %add3A_36 : i32
    "tpu.region"() ({
      %run_scoped3A = tpu.sem_alloc : memref<!tpu.dma_semaphore, #tpu.memory_space<semaphore_mem>>
      %dma_start3A = arith.constant 0 : i32
      %dma_start3A_43 = tpu.memref_slice %arg4[%add3A_37, %dma_start3A] : memref<20000x64xf32, #tpu.memory_space<hbm>> -> memref<208x64xf32, #tpu.memory_space<hbm>>
      %dma_start3A_44 = arith.constant 0 : i32
      %dma_start3A_45 = tpu.memref_slice %arg4[%add3A_37, %dma_start3A_44] : memref<20000x64xf32, #tpu.memory_space<hbm>> -> memref<208x64xf32, #tpu.memory_space<hbm>>
      tpu.enqueue_dma source(%arg9 : memref<208x64xf32, #tpu.memory_space<vmem>>) target(%dma_start3A_45 : memref<208x64xf32, #tpu.memory_space<hbm>>) target_semaphore(%run_scoped3A : memref<!tpu.dma_semaphore, #tpu.memory_space<semaphore_mem>>)
      %dma_wait3A = arith.constant 0 : i32
      %dma_wait3A_46 = tpu.memref_slice %arg4[%add3A_37, %dma_wait3A] : memref<20000x64xf32, #tpu.memory_space<hbm>> -> memref<208x64xf32, #tpu.memory_space<hbm>>
      %dma_wait3A_47 = arith.constant 0 : i32
      %dma_wait3A_48 = tpu.memref_slice %arg4[%add3A_37, %dma_wait3A_47] : memref<20000x64xf32, #tpu.memory_space<hbm>> -> memref<208x64xf32, #tpu.memory_space<hbm>>
      tpu.wait_dma2 semaphore(%run_scoped3A : memref<!tpu.dma_semaphore, #tpu.memory_space<semaphore_mem>>) src(%arg9 : memref<208x64xf32, #tpu.memory_space<vmem>>) dst(%dma_wait3A_48 : memref<208x64xf32, #tpu.memory_space<hbm>>)
      tpu.yield
    }) : () -> ()
    %eq3A_38 = arith.constant 15 : i32
    %eq3A_39 = arith.cmpi eq, %arg1, %eq3A_38 : i32
    %convert_element_type3A_40 = arith.extui %eq3A_39 : i1 to i32
    %cond3A_41 = arith.constant 0 : i32
    %cond3A_42 = arith.cmpi ne, %convert_element_type3A_40, %cond3A_41 : i32
    scf.if %cond3A_42 {
      "tpu.region"() ({
        %run_scoped3A = tpu.sem_alloc : memref<!tpu.dma_semaphore, #tpu.memory_space<semaphore_mem>>
        %dma_start3A = arith.constant 0 : i32
        %dma_start3A_47 = arith.constant 0 : i32
        %dma_start3A_48 = tpu.memref_slice %arg9[%dma_start3A, %dma_start3A_47] : memref<208x64xf32, #tpu.memory_space<vmem>> -> memref<16x64xf32, #tpu.memory_space<vmem>>
        %dma_start3A_49 = arith.constant 9984 : i32
        %dma_start3A_50 = arith.constant 0 : i32
        %dma_start3A_51 = tpu.memref_slice %arg10[%dma_start3A_49, %dma_start3A_50] : memref<10000x64xf32, #tpu.memory_space<vmem_shared>> -> memref<16x64xf32, #tpu.memory_space<vmem_shared>>
        %dma_start3A_52 = arith.constant 0 : i32
        %dma_start3A_53 = arith.constant 0 : i32
        %dma_start3A_54 = tpu.memref_slice %arg9[%dma_start3A_52, %dma_start3A_53] : memref<208x64xf32, #tpu.memory_space<vmem>> -> memref<16x64xf32, #tpu.memory_space<vmem>>
        %dma_start3A_55 = arith.constant 9984 : i32
        %dma_start3A_56 = arith.constant 0 : i32
        %dma_start3A_57 = tpu.memref_slice %arg10[%dma_start3A_55, %dma_start3A_56] : memref<10000x64xf32, #tpu.memory_space<vmem_shared>> -> memref<16x64xf32, #tpu.memory_space<vmem_shared>>
        tpu.enqueue_dma source(%dma_start3A_57 : memref<16x64xf32, #tpu.memory_space<vmem_shared>>) target(%dma_start3A_54 : memref<16x64xf32, #tpu.memory_space<vmem>>) target_semaphore(%run_scoped3A : memref<!tpu.dma_semaphore, #tpu.memory_space<semaphore_mem>>)
        %dma_wait3A = arith.constant 0 : i32
        %dma_wait3A_58 = arith.constant 0 : i32
        %dma_wait3A_59 = tpu.memref_slice %arg9[%dma_wait3A, %dma_wait3A_58] : memref<208x64xf32, #tpu.memory_space<vmem>> -> memref<16x64xf32, #tpu.memory_space<vmem>>
        %dma_wait3A_60 = arith.constant 9984 : i32
        %dma_wait3A_61 = arith.constant 0 : i32
        %dma_wait3A_62 = tpu.memref_slice %arg10[%dma_wait3A_60, %dma_wait3A_61] : memref<10000x64xf32, #tpu.memory_space<vmem_shared>> -> memref<16x64xf32, #tpu.memory_space<vmem_shared>>
        %dma_wait3A_63 = arith.constant 0 : i32
        %dma_wait3A_64 = arith.constant 0 : i32
        %dma_wait3A_65 = tpu.memref_slice %arg9[%dma_wait3A_63, %dma_wait3A_64] : memref<208x64xf32, #tpu.memory_space<vmem>> -> memref<16x64xf32, #tpu.memory_space<vmem>>
        %dma_wait3A_66 = arith.constant 9984 : i32
        %dma_wait3A_67 = arith.constant 0 : i32
        %dma_wait3A_68 = tpu.memref_slice %arg10[%dma_wait3A_66, %dma_wait3A_67] : memref<10000x64xf32, #tpu.memory_space<vmem_shared>> -> memref<16x64xf32, #tpu.memory_space<vmem_shared>>
        tpu.wait_dma2 semaphore(%run_scoped3A : memref<!tpu.dma_semaphore, #tpu.memory_space<semaphore_mem>>) src(%dma_wait3A_68 : memref<16x64xf32, #tpu.memory_space<vmem_shared>>) dst(%dma_wait3A_65 : memref<16x64xf32, #tpu.memory_space<vmem>>)
        tpu.yield
      }) : () -> ()
      %mul3A_43 = arith.constant 10000 : i32
      %mul3A_44 = arith.muli %arg0, %mul3A_43 : i32
      %add3A_45 = arith.constant 9984 : i32
      %add3A_46 = arith.addi %mul3A_44, %add3A_45 : i32
      "tpu.region"() ({
        %run_scoped3A = tpu.sem_alloc : memref<!tpu.dma_semaphore, #tpu.memory_space<semaphore_mem>>
        %dma_start3A = arith.constant 0 : i32
        %dma_start3A_47 = arith.constant 0 : i32
        %dma_start3A_48 = tpu.memref_slice %arg9[%dma_start3A, %dma_start3A_47] : memref<208x64xf32, #tpu.memory_space<vmem>> -> memref<16x64xf32, #tpu.memory_space<vmem>>
        %dma_start3A_49 = arith.constant 0 : i32
        %dma_start3A_50 = tpu.memref_slice %arg4[%add3A_46, %dma_start3A_49] : memref<20000x64xf32, #tpu.memory_space<hbm>> -> memref<16x64xf32, #tpu.memory_space<hbm>>
        %dma_start3A_51 = arith.constant 0 : i32
        %dma_start3A_52 = tpu.memref_slice %arg4[%add3A_46, %dma_start3A_51] : memref<20000x64xf32, #tpu.memory_space<hbm>> -> memref<16x64xf32, #tpu.memory_space<hbm>>
        %dma_start3A_53 = arith.constant 0 : i32
        %dma_start3A_54 = arith.constant 0 : i32
        %dma_start3A_55 = tpu.memref_slice %arg9[%dma_start3A_53, %dma_start3A_54] : memref<208x64xf32, #tpu.memory_space<vmem>> -> memref<16x64xf32, #tpu.memory_space<vmem>>
        tpu.enqueue_dma source(%dma_start3A_55 : memref<16x64xf32, #tpu.memory_space<vmem>>) target(%dma_start3A_52 : memref<16x64xf32, #tpu.memory_space<hbm>>) target_semaphore(%run_scoped3A : memref<!tpu.dma_semaphore, #tpu.memory_space<semaphore_mem>>)
        %dma_wait3A = arith.constant 0 : i32
        %dma_wait3A_56 = arith.constant 0 : i32
        %dma_wait3A_57 = tpu.memref_slice %arg9[%dma_wait3A, %dma_wait3A_56] : memref<208x64xf32, #tpu.memory_space<vmem>> -> memref<16x64xf32, #tpu.memory_space<vmem>>
        %dma_wait3A_58 = arith.constant 0 : i32
        %dma_wait3A_59 = tpu.memref_slice %arg4[%add3A_46, %dma_wait3A_58] : memref<20000x64xf32, #tpu.memory_space<hbm>> -> memref<16x64xf32, #tpu.memory_space<hbm>>
        %dma_wait3A_60 = arith.constant 0 : i32
        %dma_wait3A_61 = tpu.memref_slice %arg4[%add3A_46, %dma_wait3A_60] : memref<20000x64xf32, #tpu.memory_space<hbm>> -> memref<16x64xf32, #tpu.memory_space<hbm>>
        %dma_wait3A_62 = arith.constant 0 : i32
        %dma_wait3A_63 = arith.constant 0 : i32
        %dma_wait3A_64 = tpu.memref_slice %arg9[%dma_wait3A_62, %dma_wait3A_63] : memref<208x64xf32, #tpu.memory_space<vmem>> -> memref<16x64xf32, #tpu.memory_space<vmem>>
        tpu.wait_dma2 semaphore(%run_scoped3A : memref<!tpu.dma_semaphore, #tpu.memory_space<semaphore_mem>>) src(%dma_wait3A_64 : memref<16x64xf32, #tpu.memory_space<vmem>>) dst(%dma_wait3A_61 : memref<16x64xf32, #tpu.memory_space<hbm>>)
        tpu.yield
      }) : () -> ()
    } else {
    }
    return
  }
}

#map = affine_map<(d0, d1) -> (0, 0)>
#map1 = affine_map<(d0, d1) -> (0, 0, 0)>
module attributes {stable_mosaic.version = 14 : i64} {
  func.func @body(%arg0: i32, %arg1: i32, %arg2: memref<10000x128xf32, #tpu.memory_space<hbm>>, %arg3: memref<32x63x80xi32, #tpu.memory_space<hbm>>, %arg4: memref<32x63x80xi32, #tpu.memory_space<hbm>>, %arg5: memref<160000x128xf32, #tpu.memory_space<hbm>>, %arg6: memref<20000x16xf32, #tpu.memory_space<hbm>>, %arg7: memref<63x80xi32, #tpu.memory_space<vmem>>, %arg8: memref<63x80xi32, #tpu.memory_space<vmem>>, %arg9: memref<80x128xf32, #tpu.memory_space<vmem>>, %arg10: memref<80x16xf32, #tpu.memory_space<vmem>>, %arg11: memref<624x16xf32, #tpu.memory_space<vmem>>, %arg12: memref<10000x16xf32, #tpu.memory_space<vmem_shared>>, %arg13: memref<!tpu.dma_semaphore, #tpu.memory_space<semaphore_mem>>) attributes {dimension_semantics = [#tpu.dimension_semantics<core_parallel>, #tpu.dimension_semantics<subcore_parallel>], iteration_bounds = array<i64: 2, 16>, scalar_prefetch = 0 : i64, scratch_operands = 7 : i64, tpu.core_type = #tpu.core_type<sc_vector_subcore>, window_params = [{transform_indices = #map}, {transform_indices = #map1}, {transform_indices = #map1}, {transform_indices = #map}, {transform_indices = #map}]} {
    %mul3A = arith.constant 2 : i32
    %mul3A_0 = arith.muli %arg1, %mul3A : i32
    %add3A = arith.addi %mul3A_0, %arg0 : i32
    %mul3A_1 = arith.constant 624 : i32
    %mul3A_2 = arith.muli %arg1, %mul3A_1 : i32
    %scan3A = arith.constant 0 : i32
    %scan3A_3 = arith.constant 0 : i32
    %scan3A_4 = arith.constant 624 : i32
    %scan3A_5 = arith.addi %scan3A_3, %scan3A_4 : i32
    %scan3A_6 = arith.constant 1 : i32
    scf.for %scan3A_31 = %scan3A_3 to %scan3A_5 step %scan3A_6  : i32 {
      %broadcast_in_dim3A = arith.constant 0.000000e+00 : f32
      %broadcast_in_dim3A_32 = vector.broadcast %broadcast_in_dim3A : f32 to vector<16xf32>
      %swap3A = arith.index_cast %scan3A_31 : i32 to index
      %swap3A_33 = arith.constant 0 : index
      %swap3A_34 = tpu.vector_load %arg11[%swap3A, %swap3A_33] {strides = array<i32>} : memref<624x16xf32, #tpu.memory_space<vmem>>, vector<1x16xf32>,
      %swap3A_35 = vector.shape_cast %swap3A_34 : vector<1x16xf32> to vector<16xf32>
      %swap3A_36 = vector.shape_cast %broadcast_in_dim3A_32 : vector<16xf32> to vector<1x16xf32>
      tpu.vector_store %arg11[%swap3A, %swap3A_33], %swap3A_36 {strides = array<i32>} : memref<624x16xf32, #tpu.memory_space<vmem>>, vector<1x16xf32>,
    }
    %scan3A_7 = arith.constant 624 : i32
    %scan3A_8 = arith.constant 0 : i32
    %scan3A_9 = arith.constant 0 : i32
    %scan3A_10 = arith.constant 80 : i32
    %scan3A_11 = arith.addi %scan3A_9, %scan3A_10 : i32
    %scan3A_12 = arith.constant 1 : i32
    scf.for %scan3A_31 = %scan3A_9 to %scan3A_11 step %scan3A_12  : i32 {
      %broadcast_in_dim3A = arith.constant 1.000000e+00 : f32
      %broadcast_in_dim3A_32 = vector.broadcast %broadcast_in_dim3A : f32 to vector<16xf32>
      %swap3A = arith.index_cast %scan3A_31 : i32 to index
      %swap3A_33 = arith.constant 0 : index
      %swap3A_34 = tpu.vector_load %arg10[%swap3A, %swap3A_33] {strides = array<i32>} : memref<80x16xf32, #tpu.memory_space<vmem>>, vector<1x16xf32>,
      %swap3A_35 = vector.shape_cast %swap3A_34 : vector<1x16xf32> to vector<16xf32>
      %swap3A_36 = vector.shape_cast %broadcast_in_dim3A_32 : vector<16xf32> to vector<1x16xf32>
      tpu.vector_store %arg10[%swap3A, %swap3A_33], %swap3A_36 {strides = array<i32>} : memref<80x16xf32, #tpu.memory_space<vmem>>, vector<1x16xf32>,
    }
    %scan3A_13 = arith.constant 80 : i32
    "tpu.region"() ({
      %run_scoped3A = tpu.sem_alloc : memref<!tpu.dma_semaphore, #tpu.memory_space<semaphore_mem>>
      %dma_start3A = arith.constant 0 : i32
      %dma_start3A_31 = tpu.memref_slice %arg12[%mul3A_2, %dma_start3A] : memref<10000x16xf32, #tpu.memory_space<vmem_shared>> -> memref<624x16xf32, #tpu.memory_space<vmem_shared>>
      %dma_start3A_32 = arith.constant 0 : i32
      %dma_start3A_33 = tpu.memref_slice %arg12[%mul3A_2, %dma_start3A_32] : memref<10000x16xf32, #tpu.memory_space<vmem_shared>> -> memref<624x16xf32, #tpu.memory_space<vmem_shared>>
      tpu.enqueue_dma source(%arg11 : memref<624x16xf32, #tpu.memory_space<vmem>>) target(%dma_start3A_33 : memref<624x16xf32, #tpu.memory_space<vmem_shared>>) target_semaphore(%run_scoped3A : memref<!tpu.dma_semaphore, #tpu.memory_space<semaphore_mem>>)
      %dma_wait3A = arith.constant 0 : i32
      %dma_wait3A_34 = tpu.memref_slice %arg12[%mul3A_2, %dma_wait3A] : memref<10000x16xf32, #tpu.memory_space<vmem_shared>> -> memref<624x16xf32, #tpu.memory_space<vmem_shared>>
      %dma_wait3A_35 = arith.constant 0 : i32
      %dma_wait3A_36 = tpu.memref_slice %arg12[%mul3A_2, %dma_wait3A_35] : memref<10000x16xf32, #tpu.memory_space<vmem_shared>> -> memref<624x16xf32, #tpu.memory_space<vmem_shared>>
      tpu.wait_dma2 semaphore(%run_scoped3A : memref<!tpu.dma_semaphore, #tpu.memory_space<semaphore_mem>>) src(%arg11 : memref<624x16xf32, #tpu.memory_space<vmem>>) dst(%dma_wait3A_36 : memref<624x16xf32, #tpu.memory_space<vmem_shared>>)
      tpu.yield
    }) : () -> ()
    %eq3A = arith.constant 15 : i32
    %eq3A_14 = arith.cmpi eq, %arg1, %eq3A : i32
    %convert_element_type3A = arith.extui %eq3A_14 : i1 to i32
    %cond3A = arith.constant 0 : i32
    %cond3A_15 = arith.cmpi ne, %convert_element_type3A, %cond3A : i32
    scf.if %cond3A_15 {
      "tpu.region"() ({
        %run_scoped3A = tpu.sem_alloc : memref<!tpu.dma_semaphore, #tpu.memory_space<semaphore_mem>>
        %dma_start3A = arith.constant 0 : i32
        %dma_start3A_31 = arith.constant 0 : i32
        %dma_start3A_32 = tpu.memref_slice %arg11[%dma_start3A, %dma_start3A_31] : memref<624x16xf32, #tpu.memory_space<vmem>> -> memref<16x16xf32, #tpu.memory_space<vmem>>
        %dma_start3A_33 = arith.constant 9984 : i32
        %dma_start3A_34 = arith.constant 0 : i32
        %dma_start3A_35 = tpu.memref_slice %arg12[%dma_start3A_33, %dma_start3A_34] : memref<10000x16xf32, #tpu.memory_space<vmem_shared>> -> memref<16x16xf32, #tpu.memory_space<vmem_shared>>
        %dma_start3A_36 = arith.constant 9984 : i32
        %dma_start3A_37 = arith.constant 0 : i32
        %dma_start3A_38 = tpu.memref_slice %arg12[%dma_start3A_36, %dma_start3A_37] : memref<10000x16xf32, #tpu.memory_space<vmem_shared>> -> memref<16x16xf32, #tpu.memory_space<vmem_shared>>
        %dma_start3A_39 = arith.constant 0 : i32
        %dma_start3A_40 = arith.constant 0 : i32
        %dma_start3A_41 = tpu.memref_slice %arg11[%dma_start3A_39, %dma_start3A_40] : memref<624x16xf32, #tpu.memory_space<vmem>> -> memref<16x16xf32, #tpu.memory_space<vmem>>
        tpu.enqueue_dma source(%dma_start3A_41 : memref<16x16xf32, #tpu.memory_space<vmem>>) target(%dma_start3A_38 : memref<16x16xf32, #tpu.memory_space<vmem_shared>>) target_semaphore(%run_scoped3A : memref<!tpu.dma_semaphore, #tpu.memory_space<semaphore_mem>>)
        %dma_wait3A = arith.constant 0 : i32
        %dma_wait3A_42 = arith.constant 0 : i32
        %dma_wait3A_43 = tpu.memref_slice %arg11[%dma_wait3A, %dma_wait3A_42] : memref<624x16xf32, #tpu.memory_space<vmem>> -> memref<16x16xf32, #tpu.memory_space<vmem>>
        %dma_wait3A_44 = arith.constant 9984 : i32
        %dma_wait3A_45 = arith.constant 0 : i32
        %dma_wait3A_46 = tpu.memref_slice %arg12[%dma_wait3A_44, %dma_wait3A_45] : memref<10000x16xf32, #tpu.memory_space<vmem_shared>> -> memref<16x16xf32, #tpu.memory_space<vmem_shared>>
        %dma_wait3A_47 = arith.constant 9984 : i32
        %dma_wait3A_48 = arith.constant 0 : i32
        %dma_wait3A_49 = tpu.memref_slice %arg12[%dma_wait3A_47, %dma_wait3A_48] : memref<10000x16xf32, #tpu.memory_space<vmem_shared>> -> memref<16x16xf32, #tpu.memory_space<vmem_shared>>
        %dma_wait3A_50 = arith.constant 0 : i32
        %dma_wait3A_51 = arith.constant 0 : i32
        %dma_wait3A_52 = tpu.memref_slice %arg11[%dma_wait3A_50, %dma_wait3A_51] : memref<624x16xf32, #tpu.memory_space<vmem>> -> memref<16x16xf32, #tpu.memory_space<vmem>>
        tpu.wait_dma2 semaphore(%run_scoped3A : memref<!tpu.dma_semaphore, #tpu.memory_space<semaphore_mem>>) src(%dma_wait3A_52 : memref<16x16xf32, #tpu.memory_space<vmem>>) dst(%dma_wait3A_49 : memref<16x16xf32, #tpu.memory_space<vmem_shared>>)
        tpu.yield
      }) : () -> ()
    } else {
    }
    "tpu.region"() ({
      %run_scoped3A = tpu.sem_alloc : memref<!tpu.dma_semaphore, #tpu.memory_space<semaphore_mem>>
      %dma_start3A = arith.constant 0 : i32
      %dma_start3A_31 = arith.constant 0 : i32
      %dma_start3A_32 = tpu.memref_slice %arg3[%add3A, %dma_start3A, %dma_start3A_31] : memref<32x63x80xi32, #tpu.memory_space<hbm>> -> memref<1x63x80xi32, #tpu.memory_space<hbm>>
      %dma_start3A_33 = tpu.memref_squeeze %dma_start3A_32 : memref<1x63x80xi32, #tpu.memory_space<hbm>> -> memref<63x80xi32, #tpu.memory_space<hbm>>
      %dma_start3A_34 = arith.constant 0 : i32
      %dma_start3A_35 = arith.constant 0 : i32
      %dma_start3A_36 = tpu.memref_slice %arg3[%add3A, %dma_start3A_34, %dma_start3A_35] : memref<32x63x80xi32, #tpu.memory_space<hbm>> -> memref<1x63x80xi32, #tpu.memory_space<hbm>>
      %dma_start3A_37 = tpu.memref_squeeze %dma_start3A_36 : memref<1x63x80xi32, #tpu.memory_space<hbm>> -> memref<63x80xi32, #tpu.memory_space<hbm>>
      tpu.enqueue_dma source(%dma_start3A_37 : memref<63x80xi32, #tpu.memory_space<hbm>>) target(%arg7 : memref<63x80xi32, #tpu.memory_space<vmem>>) target_semaphore(%run_scoped3A : memref<!tpu.dma_semaphore, #tpu.memory_space<semaphore_mem>>)
      %dma_wait3A = arith.constant 0 : i32
      %dma_wait3A_38 = arith.constant 0 : i32
      %dma_wait3A_39 = tpu.memref_slice %arg3[%add3A, %dma_wait3A, %dma_wait3A_38] : memref<32x63x80xi32, #tpu.memory_space<hbm>> -> memref<1x63x80xi32, #tpu.memory_space<hbm>>
      %dma_wait3A_40 = tpu.memref_squeeze %dma_wait3A_39 : memref<1x63x80xi32, #tpu.memory_space<hbm>> -> memref<63x80xi32, #tpu.memory_space<hbm>>
      %dma_wait3A_41 = arith.constant 0 : i32
      %dma_wait3A_42 = arith.constant 0 : i32
      %dma_wait3A_43 = tpu.memref_slice %arg3[%add3A, %dma_wait3A_41, %dma_wait3A_42] : memref<32x63x80xi32, #tpu.memory_space<hbm>> -> memref<1x63x80xi32, #tpu.memory_space<hbm>>
      %dma_wait3A_44 = tpu.memref_squeeze %dma_wait3A_43 : memref<1x63x80xi32, #tpu.memory_space<hbm>> -> memref<63x80xi32, #tpu.memory_space<hbm>>
      tpu.wait_dma2 semaphore(%run_scoped3A : memref<!tpu.dma_semaphore, #tpu.memory_space<semaphore_mem>>) src(%dma_wait3A_44 : memref<63x80xi32, #tpu.memory_space<hbm>>) dst(%arg7 : memref<63x80xi32, #tpu.memory_space<vmem>>)
      tpu.yield
    }) : () -> ()
    "tpu.region"() ({
      %run_scoped3A = tpu.sem_alloc : memref<!tpu.dma_semaphore, #tpu.memory_space<semaphore_mem>>
      %dma_start3A = arith.constant 0 : i32
      %dma_start3A_31 = arith.constant 0 : i32
      %dma_start3A_32 = tpu.memref_slice %arg4[%add3A, %dma_start3A, %dma_start3A_31] : memref<32x63x80xi32, #tpu.memory_space<hbm>> -> memref<1x63x80xi32, #tpu.memory_space<hbm>>
      %dma_start3A_33 = tpu.memref_squeeze %dma_start3A_32 : memref<1x63x80xi32, #tpu.memory_space<hbm>> -> memref<63x80xi32, #tpu.memory_space<hbm>>
      %dma_start3A_34 = arith.constant 0 : i32
      %dma_start3A_35 = arith.constant 0 : i32
      %dma_start3A_36 = tpu.memref_slice %arg4[%add3A, %dma_start3A_34, %dma_start3A_35] : memref<32x63x80xi32, #tpu.memory_space<hbm>> -> memref<1x63x80xi32, #tpu.memory_space<hbm>>
      %dma_start3A_37 = tpu.memref_squeeze %dma_start3A_36 : memref<1x63x80xi32, #tpu.memory_space<hbm>> -> memref<63x80xi32, #tpu.memory_space<hbm>>
      tpu.enqueue_dma source(%dma_start3A_37 : memref<63x80xi32, #tpu.memory_space<hbm>>) target(%arg8 : memref<63x80xi32, #tpu.memory_space<vmem>>) target_semaphore(%run_scoped3A : memref<!tpu.dma_semaphore, #tpu.memory_space<semaphore_mem>>)
      %dma_wait3A = arith.constant 0 : i32
      %dma_wait3A_38 = arith.constant 0 : i32
      %dma_wait3A_39 = tpu.memref_slice %arg4[%add3A, %dma_wait3A, %dma_wait3A_38] : memref<32x63x80xi32, #tpu.memory_space<hbm>> -> memref<1x63x80xi32, #tpu.memory_space<hbm>>
      %dma_wait3A_40 = tpu.memref_squeeze %dma_wait3A_39 : memref<1x63x80xi32, #tpu.memory_space<hbm>> -> memref<63x80xi32, #tpu.memory_space<hbm>>
      %dma_wait3A_41 = arith.constant 0 : i32
      %dma_wait3A_42 = arith.constant 0 : i32
      %dma_wait3A_43 = tpu.memref_slice %arg4[%add3A, %dma_wait3A_41, %dma_wait3A_42] : memref<32x63x80xi32, #tpu.memory_space<hbm>> -> memref<1x63x80xi32, #tpu.memory_space<hbm>>
      %dma_wait3A_44 = tpu.memref_squeeze %dma_wait3A_43 : memref<1x63x80xi32, #tpu.memory_space<hbm>> -> memref<63x80xi32, #tpu.memory_space<hbm>>
      tpu.wait_dma2 semaphore(%run_scoped3A : memref<!tpu.dma_semaphore, #tpu.memory_space<semaphore_mem>>) src(%dma_wait3A_44 : memref<63x80xi32, #tpu.memory_space<hbm>>) dst(%arg8 : memref<63x80xi32, #tpu.memory_space<vmem>>)
      tpu.yield
    }) : () -> ()
    %barrier3A = arith.constant 0 : index
    tpu.barrier barrier_id(%barrier3A)
    %scan3A_16 = arith.constant 0 : i32
    %scan3A_17 = arith.constant 0 : i32
    %scan3A_18 = arith.constant 63 : i32
    %scan3A_19 = arith.addi %scan3A_17, %scan3A_18 : i32
    %scan3A_20 = arith.constant 1 : i32
    scf.for %scan3A_31 = %scan3A_17 to %scan3A_19 step %scan3A_20  : i32 {
      %mul3A_32 = arith.constant 32 : i32
      %mul3A_33 = arith.muli %scan3A_31, %mul3A_32 : i32
      %add3A_34 = arith.addi %mul3A_33, %add3A : i32
      %lt3A = arith.constant 2000 : i32
      %lt3A_35 = arith.cmpi slt, %add3A_34, %lt3A : i32
      %convert_element_type3A_36 = arith.extui %lt3A_35 : i1 to i32
      %cond3A_37 = arith.constant 0 : i32
      %cond3A_38 = arith.cmpi ne, %convert_element_type3A_36, %cond3A_37 : i32
      scf.if %cond3A_38 {
        %dma_start3A = arith.constant 0 : i32
        %dma_start3A_39 = tpu.memref_slice %arg7[%scan3A_31, %dma_start3A] : memref<63x80xi32, #tpu.memory_space<vmem>> -> memref<1x80xi32, #tpu.memory_space<vmem>>
        %dma_start3A_40 = tpu.memref_squeeze %dma_start3A_39 : memref<1x80xi32, #tpu.memory_space<vmem>> -> memref<80xi32, #tpu.memory_space<vmem>>
        %dma_start3A_41 = arith.constant 0 : i32
        %dma_start3A_42 = arith.constant 0 : i32
        %dma_start3A_43 = tpu.memref_slice %arg2[%dma_start3A_41, %dma_start3A_42] : memref<10000x128xf32, #tpu.memory_space<hbm>> -> memref<10000x128xf32, #tpu.memory_space<hbm>>
        tpu.enqueue_indirect_dma source(%dma_start3A_43 : memref<10000x128xf32, #tpu.memory_space<hbm>>) target(%arg9 : memref<80x128xf32, #tpu.memory_space<vmem>>) offsets(%dma_start3A_40 : memref<80xi32, #tpu.memory_space<vmem>>) semaphore(%arg13 : memref<!tpu.dma_semaphore, #tpu.memory_space<semaphore_mem>>)
        %dma_wait3A = arith.constant 0 : i32
        %dma_wait3A_44 = tpu.memref_slice %arg7[%scan3A_31, %dma_wait3A] : memref<63x80xi32, #tpu.memory_space<vmem>> -> memref<1x80xi32, #tpu.memory_space<vmem>>
        %dma_wait3A_45 = tpu.memref_squeeze %dma_wait3A_44 : memref<1x80xi32, #tpu.memory_space<vmem>> -> memref<80xi32, #tpu.memory_space<vmem>>
        %dma_wait3A_46 = arith.constant 0 : i32
        %dma_wait3A_47 = arith.constant 0 : i32
        %dma_wait3A_48 = tpu.memref_slice %arg2[%dma_wait3A_46, %dma_wait3A_47] : memref<10000x128xf32, #tpu.memory_space<hbm>> -> memref<10000x128xf32, #tpu.memory_space<hbm>>
        tpu.wait_indirect_dma semaphore(%arg13 : memref<!tpu.dma_semaphore, #tpu.memory_space<semaphore_mem>>) src(%dma_wait3A_48 : memref<10000x128xf32, #tpu.memory_space<hbm>>) dst(%arg9 : memref<80x128xf32, #tpu.memory_space<vmem>>)
        %mul3A_49 = arith.constant 80 : i32
        %mul3A_50 = arith.muli %add3A_34, %mul3A_49 : i32
        "tpu.region"() ({
          %run_scoped3A = tpu.sem_alloc : memref<!tpu.dma_semaphore, #tpu.memory_space<semaphore_mem>>
          %dma_start3A_51 = arith.constant 0 : i32
          %dma_start3A_52 = tpu.memref_slice %arg5[%mul3A_50, %dma_start3A_51] : memref<160000x128xf32, #tpu.memory_space<hbm>> -> memref<80x128xf32, #tpu.memory_space<hbm>>
          %dma_start3A_53 = arith.constant 0 : i32
          %dma_start3A_54 = tpu.memref_slice %arg5[%mul3A_50, %dma_start3A_53] : memref<160000x128xf32, #tpu.memory_space<hbm>> -> memref<80x128xf32, #tpu.memory_space<hbm>>
          tpu.enqueue_dma source(%arg9 : memref<80x128xf32, #tpu.memory_space<vmem>>) target(%dma_start3A_54 : memref<80x128xf32, #tpu.memory_space<hbm>>) target_semaphore(%run_scoped3A : memref<!tpu.dma_semaphore, #tpu.memory_space<semaphore_mem>>)
          %dma_wait3A_55 = arith.constant 0 : i32
          %dma_wait3A_56 = tpu.memref_slice %arg5[%mul3A_50, %dma_wait3A_55] : memref<160000x128xf32, #tpu.memory_space<hbm>> -> memref<80x128xf32, #tpu.memory_space<hbm>>
          %dma_wait3A_57 = arith.constant 0 : i32
          %dma_wait3A_58 = tpu.memref_slice %arg5[%mul3A_50, %dma_wait3A_57] : memref<160000x128xf32, #tpu.memory_space<hbm>> -> memref<80x128xf32, #tpu.memory_space<hbm>>
          tpu.wait_dma2 semaphore(%run_scoped3A : memref<!tpu.dma_semaphore, #tpu.memory_space<semaphore_mem>>) src(%arg9 : memref<80x128xf32, #tpu.memory_space<vmem>>) dst(%dma_wait3A_58 : memref<80x128xf32, #tpu.memory_space<hbm>>)
          tpu.yield
        }) : () -> ()
        "tpu.region"() ({
          %run_scoped3A = tpu.sem_alloc : memref<!tpu.dma_semaphore, #tpu.memory_space<semaphore_mem>>
          %dma_start3A_51 = arith.constant 0 : i32
          %dma_start3A_52 = tpu.memref_slice %arg8[%scan3A_31, %dma_start3A_51] : memref<63x80xi32, #tpu.memory_space<vmem>> -> memref<1x80xi32, #tpu.memory_space<vmem>>
          %dma_start3A_53 = tpu.memref_squeeze %dma_start3A_52 : memref<1x80xi32, #tpu.memory_space<vmem>> -> memref<80xi32, #tpu.memory_space<vmem>>
          %dma_start3A_54 = arith.constant 0 : i32
          %dma_start3A_55 = arith.constant 0 : i32
          %dma_start3A_56 = tpu.memref_slice %arg12[%dma_start3A_54, %dma_start3A_55] : memref<10000x16xf32, #tpu.memory_space<vmem_shared>> -> memref<10000x16xf32, #tpu.memory_space<vmem_shared>>
          tpu.enqueue_indirect_dma source(%arg10 : memref<80x16xf32, #tpu.memory_space<vmem>>) target(%dma_start3A_56 : memref<10000x16xf32, #tpu.memory_space<vmem_shared>>) offsets(%dma_start3A_53 : memref<80xi32, #tpu.memory_space<vmem>>) semaphore(%run_scoped3A : memref<!tpu.dma_semaphore, #tpu.memory_space<semaphore_mem>>) {add = true}
          %dma_wait3A_57 = arith.constant 0 : i32
          %dma_wait3A_58 = tpu.memref_slice %arg8[%scan3A_31, %dma_wait3A_57] : memref<63x80xi32, #tpu.memory_space<vmem>> -> memref<1x80xi32, #tpu.memory_space<vmem>>
          %dma_wait3A_59 = tpu.memref_squeeze %dma_wait3A_58 : memref<1x80xi32, #tpu.memory_space<vmem>> -> memref<80xi32, #tpu.memory_space<vmem>>
          %dma_wait3A_60 = arith.constant 0 : i32
          %dma_wait3A_61 = arith.constant 0 : i32
          %dma_wait3A_62 = tpu.memref_slice %arg12[%dma_wait3A_60, %dma_wait3A_61] : memref<10000x16xf32, #tpu.memory_space<vmem_shared>> -> memref<10000x16xf32, #tpu.memory_space<vmem_shared>>
          tpu.wait_indirect_dma semaphore(%run_scoped3A : memref<!tpu.dma_semaphore, #tpu.memory_space<semaphore_mem>>) src(%arg10 : memref<80x16xf32, #tpu.memory_space<vmem>>) dst(%dma_wait3A_62 : memref<10000x16xf32, #tpu.memory_space<vmem_shared>>)
          tpu.yield
        }) : () -> ()
      } else {
      }
    }
    %scan3A_21 = arith.constant 63 : i32
    %barrier3A_22 = arith.constant 0 : index
    tpu.barrier barrier_id(%barrier3A_22)
    %mul3A_23 = arith.constant 10000 : i32
    %mul3A_24 = arith.muli %arg0, %mul3A_23 : i32
    %add3A_25 = arith.addi %mul3A_24, %mul3A_2 : i32
    "tpu.region"() ({
      %run_scoped3A = tpu.sem_alloc : memref<!tpu.dma_semaphore, #tpu.memory_space<semaphore_mem>>
      %dma_start3A = arith.constant 0 : i32
      %dma_start3A_31 = tpu.memref_slice %arg12[%mul3A_2, %dma_start3A] : memref<10000x16xf32, #tpu.memory_space<vmem_shared>> -> memref<624x16xf32, #tpu.memory_space<vmem_shared>>
      %dma_start3A_32 = arith.constant 0 : i32
      %dma_start3A_33 = tpu.memref_slice %arg12[%mul3A_2, %dma_start3A_32] : memref<10000x16xf32, #tpu.memory_space<vmem_shared>> -> memref<624x16xf32, #tpu.memory_space<vmem_shared>>
      tpu.enqueue_dma source(%dma_start3A_33 : memref<624x16xf32, #tpu.memory_space<vmem_shared>>) target(%arg11 : memref<624x16xf32, #tpu.memory_space<vmem>>) target_semaphore(%run_scoped3A : memref<!tpu.dma_semaphore, #tpu.memory_space<semaphore_mem>>)
      %dma_wait3A = arith.constant 0 : i32
      %dma_wait3A_34 = tpu.memref_slice %arg12[%mul3A_2, %dma_wait3A] : memref<10000x16xf32, #tpu.memory_space<vmem_shared>> -> memref<624x16xf32, #tpu.memory_space<vmem_shared>>
      %dma_wait3A_35 = arith.constant 0 : i32
      %dma_wait3A_36 = tpu.memref_slice %arg12[%mul3A_2, %dma_wait3A_35] : memref<10000x16xf32, #tpu.memory_space<vmem_shared>> -> memref<624x16xf32, #tpu.memory_space<vmem_shared>>
      tpu.wait_dma2 semaphore(%run_scoped3A : memref<!tpu.dma_semaphore, #tpu.memory_space<semaphore_mem>>) src(%dma_wait3A_36 : memref<624x16xf32, #tpu.memory_space<vmem_shared>>) dst(%arg11 : memref<624x16xf32, #tpu.memory_space<vmem>>)
      tpu.yield
    }) : () -> ()
    "tpu.region"() ({
      %run_scoped3A = tpu.sem_alloc : memref<!tpu.dma_semaphore, #tpu.memory_space<semaphore_mem>>
      %dma_start3A = arith.constant 0 : i32
      %dma_start3A_31 = tpu.memref_slice %arg6[%add3A_25, %dma_start3A] : memref<20000x16xf32, #tpu.memory_space<hbm>> -> memref<624x16xf32, #tpu.memory_space<hbm>>
      %dma_start3A_32 = arith.constant 0 : i32
      %dma_start3A_33 = tpu.memref_slice %arg6[%add3A_25, %dma_start3A_32] : memref<20000x16xf32, #tpu.memory_space<hbm>> -> memref<624x16xf32, #tpu.memory_space<hbm>>
      tpu.enqueue_dma source(%arg11 : memref<624x16xf32, #tpu.memory_space<vmem>>) target(%dma_start3A_33 : memref<624x16xf32, #tpu.memory_space<hbm>>) target_semaphore(%run_scoped3A : memref<!tpu.dma_semaphore, #tpu.memory_space<semaphore_mem>>)
      %dma_wait3A = arith.constant 0 : i32
      %dma_wait3A_34 = tpu.memref_slice %arg6[%add3A_25, %dma_wait3A] : memref<20000x16xf32, #tpu.memory_space<hbm>> -> memref<624x16xf32, #tpu.memory_space<hbm>>
      %dma_wait3A_35 = arith.constant 0 : i32
      %dma_wait3A_36 = tpu.memref_slice %arg6[%add3A_25, %dma_wait3A_35] : memref<20000x16xf32, #tpu.memory_space<hbm>> -> memref<624x16xf32, #tpu.memory_space<hbm>>
      tpu.wait_dma2 semaphore(%run_scoped3A : memref<!tpu.dma_semaphore, #tpu.memory_space<semaphore_mem>>) src(%arg11 : memref<624x16xf32, #tpu.memory_space<vmem>>) dst(%dma_wait3A_36 : memref<624x16xf32, #tpu.memory_space<hbm>>)
      tpu.yield
    }) : () -> ()
    %eq3A_26 = arith.constant 15 : i32
    %eq3A_27 = arith.cmpi eq, %arg1, %eq3A_26 : i32
    %convert_element_type3A_28 = arith.extui %eq3A_27 : i1 to i32
    %cond3A_29 = arith.constant 0 : i32
    %cond3A_30 = arith.cmpi ne, %convert_element_type3A_28, %cond3A_29 : i32
    scf.if %cond3A_30 {
      "tpu.region"() ({
        %run_scoped3A = tpu.sem_alloc : memref<!tpu.dma_semaphore, #tpu.memory_space<semaphore_mem>>
        %dma_start3A = arith.constant 0 : i32
        %dma_start3A_35 = arith.constant 0 : i32
        %dma_start3A_36 = tpu.memref_slice %arg11[%dma_start3A, %dma_start3A_35] : memref<624x16xf32, #tpu.memory_space<vmem>> -> memref<16x16xf32, #tpu.memory_space<vmem>>
        %dma_start3A_37 = arith.constant 9984 : i32
        %dma_start3A_38 = arith.constant 0 : i32
        %dma_start3A_39 = tpu.memref_slice %arg12[%dma_start3A_37, %dma_start3A_38] : memref<10000x16xf32, #tpu.memory_space<vmem_shared>> -> memref<16x16xf32, #tpu.memory_space<vmem_shared>>
        %dma_start3A_40 = arith.constant 0 : i32
        %dma_start3A_41 = arith.constant 0 : i32
        %dma_start3A_42 = tpu.memref_slice %arg11[%dma_start3A_40, %dma_start3A_41] : memref<624x16xf32, #tpu.memory_space<vmem>> -> memref<16x16xf32, #tpu.memory_space<vmem>>
        %dma_start3A_43 = arith.constant 9984 : i32
        %dma_start3A_44 = arith.constant 0 : i32
        %dma_start3A_45 = tpu.memref_slice %arg12[%dma_start3A_43, %dma_start3A_44] : memref<10000x16xf32, #tpu.memory_space<vmem_shared>> -> memref<16x16xf32, #tpu.memory_space<vmem_shared>>
        tpu.enqueue_dma source(%dma_start3A_45 : memref<16x16xf32, #tpu.memory_space<vmem_shared>>) target(%dma_start3A_42 : memref<16x16xf32, #tpu.memory_space<vmem>>) target_semaphore(%run_scoped3A : memref<!tpu.dma_semaphore, #tpu.memory_space<semaphore_mem>>)
        %dma_wait3A = arith.constant 0 : i32
        %dma_wait3A_46 = arith.constant 0 : i32
        %dma_wait3A_47 = tpu.memref_slice %arg11[%dma_wait3A, %dma_wait3A_46] : memref<624x16xf32, #tpu.memory_space<vmem>> -> memref<16x16xf32, #tpu.memory_space<vmem>>
        %dma_wait3A_48 = arith.constant 9984 : i32
        %dma_wait3A_49 = arith.constant 0 : i32
        %dma_wait3A_50 = tpu.memref_slice %arg12[%dma_wait3A_48, %dma_wait3A_49] : memref<10000x16xf32, #tpu.memory_space<vmem_shared>> -> memref<16x16xf32, #tpu.memory_space<vmem_shared>>
        %dma_wait3A_51 = arith.constant 0 : i32
        %dma_wait3A_52 = arith.constant 0 : i32
        %dma_wait3A_53 = tpu.memref_slice %arg11[%dma_wait3A_51, %dma_wait3A_52] : memref<624x16xf32, #tpu.memory_space<vmem>> -> memref<16x16xf32, #tpu.memory_space<vmem>>
        %dma_wait3A_54 = arith.constant 9984 : i32
        %dma_wait3A_55 = arith.constant 0 : i32
        %dma_wait3A_56 = tpu.memref_slice %arg12[%dma_wait3A_54, %dma_wait3A_55] : memref<10000x16xf32, #tpu.memory_space<vmem_shared>> -> memref<16x16xf32, #tpu.memory_space<vmem_shared>>
        tpu.wait_dma2 semaphore(%run_scoped3A : memref<!tpu.dma_semaphore, #tpu.memory_space<semaphore_mem>>) src(%dma_wait3A_56 : memref<16x16xf32, #tpu.memory_space<vmem_shared>>) dst(%dma_wait3A_53 : memref<16x16xf32, #tpu.memory_space<vmem>>)
        tpu.yield
      }) : () -> ()
      %mul3A_31 = arith.constant 10000 : i32
      %mul3A_32 = arith.muli %arg0, %mul3A_31 : i32
      %add3A_33 = arith.constant 9984 : i32
      %add3A_34 = arith.addi %mul3A_32, %add3A_33 : i32
      "tpu.region"() ({
        %run_scoped3A = tpu.sem_alloc : memref<!tpu.dma_semaphore, #tpu.memory_space<semaphore_mem>>
        %dma_start3A = arith.constant 0 : i32
        %dma_start3A_35 = arith.constant 0 : i32
        %dma_start3A_36 = tpu.memref_slice %arg11[%dma_start3A, %dma_start3A_35] : memref<624x16xf32, #tpu.memory_space<vmem>> -> memref<16x16xf32, #tpu.memory_space<vmem>>
        %dma_start3A_37 = arith.constant 0 : i32
        %dma_start3A_38 = tpu.memref_slice %arg6[%add3A_34, %dma_start3A_37] : memref<20000x16xf32, #tpu.memory_space<hbm>> -> memref<16x16xf32, #tpu.memory_space<hbm>>
        %dma_start3A_39 = arith.constant 0 : i32
        %dma_start3A_40 = tpu.memref_slice %arg6[%add3A_34, %dma_start3A_39] : memref<20000x16xf32, #tpu.memory_space<hbm>> -> memref<16x16xf32, #tpu.memory_space<hbm>>
        %dma_start3A_41 = arith.constant 0 : i32
        %dma_start3A_42 = arith.constant 0 : i32
        %dma_start3A_43 = tpu.memref_slice %arg11[%dma_start3A_41, %dma_start3A_42] : memref<624x16xf32, #tpu.memory_space<vmem>> -> memref<16x16xf32, #tpu.memory_space<vmem>>
        tpu.enqueue_dma source(%dma_start3A_43 : memref<16x16xf32, #tpu.memory_space<vmem>>) target(%dma_start3A_40 : memref<16x16xf32, #tpu.memory_space<hbm>>) target_semaphore(%run_scoped3A : memref<!tpu.dma_semaphore, #tpu.memory_space<semaphore_mem>>)
        %dma_wait3A = arith.constant 0 : i32
        %dma_wait3A_44 = arith.constant 0 : i32
        %dma_wait3A_45 = tpu.memref_slice %arg11[%dma_wait3A, %dma_wait3A_44] : memref<624x16xf32, #tpu.memory_space<vmem>> -> memref<16x16xf32, #tpu.memory_space<vmem>>
        %dma_wait3A_46 = arith.constant 0 : i32
        %dma_wait3A_47 = tpu.memref_slice %arg6[%add3A_34, %dma_wait3A_46] : memref<20000x16xf32, #tpu.memory_space<hbm>> -> memref<16x16xf32, #tpu.memory_space<hbm>>
        %dma_wait3A_48 = arith.constant 0 : i32
        %dma_wait3A_49 = tpu.memref_slice %arg6[%add3A_34, %dma_wait3A_48] : memref<20000x16xf32, #tpu.memory_space<hbm>> -> memref<16x16xf32, #tpu.memory_space<hbm>>
        %dma_wait3A_50 = arith.constant 0 : i32
        %dma_wait3A_51 = arith.constant 0 : i32
        %dma_wait3A_52 = tpu.memref_slice %arg11[%dma_wait3A_50, %dma_wait3A_51] : memref<624x16xf32, #tpu.memory_space<vmem>> -> memref<16x16xf32, #tpu.memory_space<vmem>>
        tpu.wait_dma2 semaphore(%run_scoped3A : memref<!tpu.dma_semaphore, #tpu.memory_space<semaphore_mem>>) src(%dma_wait3A_52 : memref<16x16xf32, #tpu.memory_space<vmem>>) dst(%dma_wait3A_49 : memref<16x16xf32, #tpu.memory_space<hbm>>)
        tpu.yield
      }) : () -> ()
    } else {
    }
    return
  }
}

#map = affine_map<(d0, d1) -> (0, 0)>
#map1 = affine_map<(d0, d1) -> (0, 0, 0)>
module attributes {stable_mosaic.version = 14 : i64} {
  func.func @body(%arg0: i32, %arg1: i32, %arg2: memref<10000x128xf32, #tpu.memory_space<hbm>>, %arg3: memref<32x63x80xi32, #tpu.memory_space<hbm>>, %arg4: memref<32x63x80xi32, #tpu.memory_space<hbm>>, %arg5: memref<160000x128xf32, #tpu.memory_space<hbm>>, %arg6: memref<20000x16xf32, #tpu.memory_space<hbm>>, %arg7: memref<63x80xi32, #tpu.memory_space<vmem>>, %arg8: memref<63x80xi32, #tpu.memory_space<vmem>>, %arg9: memref<80x128xf32, #tpu.memory_space<vmem>>, %arg10: memref<80x16xf32, #tpu.memory_space<vmem>>, %arg11: memref<624x16xf32, #tpu.memory_space<vmem>>, %arg12: memref<10000x16xf32, #tpu.memory_space<vmem_shared>>, %arg13: memref<!tpu.dma_semaphore, #tpu.memory_space<semaphore_mem>>) attributes {dimension_semantics = [#tpu.dimension_semantics<core_parallel>, #tpu.dimension_semantics<subcore_parallel>], iteration_bounds = array<i64: 2, 16>, scalar_prefetch = 0 : i64, scratch_operands = 7 : i64, tpu.core_type = #tpu.core_type<sc_vector_subcore>, window_params = [{transform_indices = #map}, {transform_indices = #map1}, {transform_indices = #map1}, {transform_indices = #map}, {transform_indices = #map}]} {
    %mul3A = arith.constant 2 : i32
    %mul3A_0 = arith.muli %arg1, %mul3A : i32
    %add3A = arith.addi %mul3A_0, %arg0 : i32
    %mul3A_1 = arith.constant 624 : i32
    %mul3A_2 = arith.muli %arg1, %mul3A_1 : i32
    %scan3A = arith.constant 0 : i32
    %scan3A_3 = arith.constant 0 : i32
    %scan3A_4 = arith.constant 624 : i32
    %scan3A_5 = arith.addi %scan3A_3, %scan3A_4 : i32
    %scan3A_6 = arith.constant 1 : i32
    scf.for %scan3A_31 = %scan3A_3 to %scan3A_5 step %scan3A_6  : i32 {
      %broadcast_in_dim3A = arith.constant 0.000000e+00 : f32
      %broadcast_in_dim3A_32 = vector.broadcast %broadcast_in_dim3A : f32 to vector<16xf32>
      %swap3A = arith.index_cast %scan3A_31 : i32 to index
      %swap3A_33 = arith.constant 0 : index
      %swap3A_34 = tpu.vector_load %arg11[%swap3A, %swap3A_33] {strides = array<i32>} : memref<624x16xf32, #tpu.memory_space<vmem>>, vector<1x16xf32>,
      %swap3A_35 = vector.shape_cast %swap3A_34 : vector<1x16xf32> to vector<16xf32>
      %swap3A_36 = vector.shape_cast %broadcast_in_dim3A_32 : vector<16xf32> to vector<1x16xf32>
      tpu.vector_store %arg11[%swap3A, %swap3A_33], %swap3A_36 {strides = array<i32>} : memref<624x16xf32, #tpu.memory_space<vmem>>, vector<1x16xf32>,
    }
    %scan3A_7 = arith.constant 624 : i32
    %scan3A_8 = arith.constant 0 : i32
    %scan3A_9 = arith.constant 0 : i32
    %scan3A_10 = arith.constant 80 : i32
    %scan3A_11 = arith.addi %scan3A_9, %scan3A_10 : i32
    %scan3A_12 = arith.constant 1 : i32
    scf.for %scan3A_31 = %scan3A_9 to %scan3A_11 step %scan3A_12  : i32 {
      %broadcast_in_dim3A = arith.constant 1.000000e+00 : f32
      %broadcast_in_dim3A_32 = vector.broadcast %broadcast_in_dim3A : f32 to vector<16xf32>
      %swap3A = arith.index_cast %scan3A_31 : i32 to index
      %swap3A_33 = arith.constant 0 : index
      %swap3A_34 = tpu.vector_load %arg10[%swap3A, %swap3A_33] {strides = array<i32>} : memref<80x16xf32, #tpu.memory_space<vmem>>, vector<1x16xf32>,
      %swap3A_35 = vector.shape_cast %swap3A_34 : vector<1x16xf32> to vector<16xf32>
      %swap3A_36 = vector.shape_cast %broadcast_in_dim3A_32 : vector<16xf32> to vector<1x16xf32>
      tpu.vector_store %arg10[%swap3A, %swap3A_33], %swap3A_36 {strides = array<i32>} : memref<80x16xf32, #tpu.memory_space<vmem>>, vector<1x16xf32>,
    }
    %scan3A_13 = arith.constant 80 : i32
    "tpu.region"() ({
      %run_scoped3A = tpu.sem_alloc : memref<!tpu.dma_semaphore, #tpu.memory_space<semaphore_mem>>
      %dma_start3A = arith.constant 0 : i32
      %dma_start3A_31 = tpu.memref_slice %arg12[%mul3A_2, %dma_start3A] : memref<10000x16xf32, #tpu.memory_space<vmem_shared>> -> memref<624x16xf32, #tpu.memory_space<vmem_shared>>
      %dma_start3A_32 = arith.constant 0 : i32
      %dma_start3A_33 = tpu.memref_slice %arg12[%mul3A_2, %dma_start3A_32] : memref<10000x16xf32, #tpu.memory_space<vmem_shared>> -> memref<624x16xf32, #tpu.memory_space<vmem_shared>>
      tpu.enqueue_dma source(%arg11 : memref<624x16xf32, #tpu.memory_space<vmem>>) target(%dma_start3A_33 : memref<624x16xf32, #tpu.memory_space<vmem_shared>>) target_semaphore(%run_scoped3A : memref<!tpu.dma_semaphore, #tpu.memory_space<semaphore_mem>>)
      %dma_wait3A = arith.constant 0 : i32
      %dma_wait3A_34 = tpu.memref_slice %arg12[%mul3A_2, %dma_wait3A] : memref<10000x16xf32, #tpu.memory_space<vmem_shared>> -> memref<624x16xf32, #tpu.memory_space<vmem_shared>>
      %dma_wait3A_35 = arith.constant 0 : i32
      %dma_wait3A_36 = tpu.memref_slice %arg12[%mul3A_2, %dma_wait3A_35] : memref<10000x16xf32, #tpu.memory_space<vmem_shared>> -> memref<624x16xf32, #tpu.memory_space<vmem_shared>>
      tpu.wait_dma2 semaphore(%run_scoped3A : memref<!tpu.dma_semaphore, #tpu.memory_space<semaphore_mem>>) src(%arg11 : memref<624x16xf32, #tpu.memory_space<vmem>>) dst(%dma_wait3A_36 : memref<624x16xf32, #tpu.memory_space<vmem_shared>>)
      tpu.yield
    }) : () -> ()
    %eq3A = arith.constant 15 : i32
    %eq3A_14 = arith.cmpi eq, %arg1, %eq3A : i32
    %convert_element_type3A = arith.extui %eq3A_14 : i1 to i32
    %cond3A = arith.constant 0 : i32
    %cond3A_15 = arith.cmpi ne, %convert_element_type3A, %cond3A : i32
    scf.if %cond3A_15 {
      "tpu.region"() ({
        %run_scoped3A = tpu.sem_alloc : memref<!tpu.dma_semaphore, #tpu.memory_space<semaphore_mem>>
        %dma_start3A = arith.constant 0 : i32
        %dma_start3A_31 = arith.constant 0 : i32
        %dma_start3A_32 = tpu.memref_slice %arg11[%dma_start3A, %dma_start3A_31] : memref<624x16xf32, #tpu.memory_space<vmem>> -> memref<16x16xf32, #tpu.memory_space<vmem>>
        %dma_start3A_33 = arith.constant 9984 : i32
        %dma_start3A_34 = arith.constant 0 : i32
        %dma_start3A_35 = tpu.memref_slice %arg12[%dma_start3A_33, %dma_start3A_34] : memref<10000x16xf32, #tpu.memory_space<vmem_shared>> -> memref<16x16xf32, #tpu.memory_space<vmem_shared>>
        %dma_start3A_36 = arith.constant 9984 : i32
        %dma_start3A_37 = arith.constant 0 : i32
        %dma_start3A_38 = tpu.memref_slice %arg12[%dma_start3A_36, %dma_start3A_37] : memref<10000x16xf32, #tpu.memory_space<vmem_shared>> -> memref<16x16xf32, #tpu.memory_space<vmem_shared>>
        %dma_start3A_39 = arith.constant 0 : i32
        %dma_start3A_40 = arith.constant 0 : i32
        %dma_start3A_41 = tpu.memref_slice %arg11[%dma_start3A_39, %dma_start3A_40] : memref<624x16xf32, #tpu.memory_space<vmem>> -> memref<16x16xf32, #tpu.memory_space<vmem>>
        tpu.enqueue_dma source(%dma_start3A_41 : memref<16x16xf32, #tpu.memory_space<vmem>>) target(%dma_start3A_38 : memref<16x16xf32, #tpu.memory_space<vmem_shared>>) target_semaphore(%run_scoped3A : memref<!tpu.dma_semaphore, #tpu.memory_space<semaphore_mem>>)
        %dma_wait3A = arith.constant 0 : i32
        %dma_wait3A_42 = arith.constant 0 : i32
        %dma_wait3A_43 = tpu.memref_slice %arg11[%dma_wait3A, %dma_wait3A_42] : memref<624x16xf32, #tpu.memory_space<vmem>> -> memref<16x16xf32, #tpu.memory_space<vmem>>
        %dma_wait3A_44 = arith.constant 9984 : i32
        %dma_wait3A_45 = arith.constant 0 : i32
        %dma_wait3A_46 = tpu.memref_slice %arg12[%dma_wait3A_44, %dma_wait3A_45] : memref<10000x16xf32, #tpu.memory_space<vmem_shared>> -> memref<16x16xf32, #tpu.memory_space<vmem_shared>>
        %dma_wait3A_47 = arith.constant 9984 : i32
        %dma_wait3A_48 = arith.constant 0 : i32
        %dma_wait3A_49 = tpu.memref_slice %arg12[%dma_wait3A_47, %dma_wait3A_48] : memref<10000x16xf32, #tpu.memory_space<vmem_shared>> -> memref<16x16xf32, #tpu.memory_space<vmem_shared>>
        %dma_wait3A_50 = arith.constant 0 : i32
        %dma_wait3A_51 = arith.constant 0 : i32
        %dma_wait3A_52 = tpu.memref_slice %arg11[%dma_wait3A_50, %dma_wait3A_51] : memref<624x16xf32, #tpu.memory_space<vmem>> -> memref<16x16xf32, #tpu.memory_space<vmem>>
        tpu.wait_dma2 semaphore(%run_scoped3A : memref<!tpu.dma_semaphore, #tpu.memory_space<semaphore_mem>>) src(%dma_wait3A_52 : memref<16x16xf32, #tpu.memory_space<vmem>>) dst(%dma_wait3A_49 : memref<16x16xf32, #tpu.memory_space<vmem_shared>>)
        tpu.yield
      }) : () -> ()
    } else {
    }
    "tpu.region"() ({
      %run_scoped3A = tpu.sem_alloc : memref<!tpu.dma_semaphore, #tpu.memory_space<semaphore_mem>>
      %dma_start3A = arith.constant 0 : i32
      %dma_start3A_31 = arith.constant 0 : i32
      %dma_start3A_32 = tpu.memref_slice %arg3[%add3A, %dma_start3A, %dma_start3A_31] : memref<32x63x80xi32, #tpu.memory_space<hbm>> -> memref<1x63x80xi32, #tpu.memory_space<hbm>>
      %dma_start3A_33 = tpu.memref_squeeze %dma_start3A_32 : memref<1x63x80xi32, #tpu.memory_space<hbm>> -> memref<63x80xi32, #tpu.memory_space<hbm>>
      %dma_start3A_34 = arith.constant 0 : i32
      %dma_start3A_35 = arith.constant 0 : i32
      %dma_start3A_36 = tpu.memref_slice %arg3[%add3A, %dma_start3A_34, %dma_start3A_35] : memref<32x63x80xi32, #tpu.memory_space<hbm>> -> memref<1x63x80xi32, #tpu.memory_space<hbm>>
      %dma_start3A_37 = tpu.memref_squeeze %dma_start3A_36 : memref<1x63x80xi32, #tpu.memory_space<hbm>> -> memref<63x80xi32, #tpu.memory_space<hbm>>
      tpu.enqueue_dma source(%dma_start3A_37 : memref<63x80xi32, #tpu.memory_space<hbm>>) target(%arg7 : memref<63x80xi32, #tpu.memory_space<vmem>>) target_semaphore(%run_scoped3A : memref<!tpu.dma_semaphore, #tpu.memory_space<semaphore_mem>>)
      %dma_wait3A = arith.constant 0 : i32
      %dma_wait3A_38 = arith.constant 0 : i32
      %dma_wait3A_39 = tpu.memref_slice %arg3[%add3A, %dma_wait3A, %dma_wait3A_38] : memref<32x63x80xi32, #tpu.memory_space<hbm>> -> memref<1x63x80xi32, #tpu.memory_space<hbm>>
      %dma_wait3A_40 = tpu.memref_squeeze %dma_wait3A_39 : memref<1x63x80xi32, #tpu.memory_space<hbm>> -> memref<63x80xi32, #tpu.memory_space<hbm>>
      %dma_wait3A_41 = arith.constant 0 : i32
      %dma_wait3A_42 = arith.constant 0 : i32
      %dma_wait3A_43 = tpu.memref_slice %arg3[%add3A, %dma_wait3A_41, %dma_wait3A_42] : memref<32x63x80xi32, #tpu.memory_space<hbm>> -> memref<1x63x80xi32, #tpu.memory_space<hbm>>
      %dma_wait3A_44 = tpu.memref_squeeze %dma_wait3A_43 : memref<1x63x80xi32, #tpu.memory_space<hbm>> -> memref<63x80xi32, #tpu.memory_space<hbm>>
      tpu.wait_dma2 semaphore(%run_scoped3A : memref<!tpu.dma_semaphore, #tpu.memory_space<semaphore_mem>>) src(%dma_wait3A_44 : memref<63x80xi32, #tpu.memory_space<hbm>>) dst(%arg7 : memref<63x80xi32, #tpu.memory_space<vmem>>)
      tpu.yield
    }) : () -> ()
    "tpu.region"() ({
      %run_scoped3A = tpu.sem_alloc : memref<!tpu.dma_semaphore, #tpu.memory_space<semaphore_mem>>
      %dma_start3A = arith.constant 0 : i32
      %dma_start3A_31 = arith.constant 0 : i32
      %dma_start3A_32 = tpu.memref_slice %arg4[%add3A, %dma_start3A, %dma_start3A_31] : memref<32x63x80xi32, #tpu.memory_space<hbm>> -> memref<1x63x80xi32, #tpu.memory_space<hbm>>
      %dma_start3A_33 = tpu.memref_squeeze %dma_start3A_32 : memref<1x63x80xi32, #tpu.memory_space<hbm>> -> memref<63x80xi32, #tpu.memory_space<hbm>>
      %dma_start3A_34 = arith.constant 0 : i32
      %dma_start3A_35 = arith.constant 0 : i32
      %dma_start3A_36 = tpu.memref_slice %arg4[%add3A, %dma_start3A_34, %dma_start3A_35] : memref<32x63x80xi32, #tpu.memory_space<hbm>> -> memref<1x63x80xi32, #tpu.memory_space<hbm>>
      %dma_start3A_37 = tpu.memref_squeeze %dma_start3A_36 : memref<1x63x80xi32, #tpu.memory_space<hbm>> -> memref<63x80xi32, #tpu.memory_space<hbm>>
      tpu.enqueue_dma source(%dma_start3A_37 : memref<63x80xi32, #tpu.memory_space<hbm>>) target(%arg8 : memref<63x80xi32, #tpu.memory_space<vmem>>) target_semaphore(%run_scoped3A : memref<!tpu.dma_semaphore, #tpu.memory_space<semaphore_mem>>)
      %dma_wait3A = arith.constant 0 : i32
      %dma_wait3A_38 = arith.constant 0 : i32
      %dma_wait3A_39 = tpu.memref_slice %arg4[%add3A, %dma_wait3A, %dma_wait3A_38] : memref<32x63x80xi32, #tpu.memory_space<hbm>> -> memref<1x63x80xi32, #tpu.memory_space<hbm>>
      %dma_wait3A_40 = tpu.memref_squeeze %dma_wait3A_39 : memref<1x63x80xi32, #tpu.memory_space<hbm>> -> memref<63x80xi32, #tpu.memory_space<hbm>>
      %dma_wait3A_41 = arith.constant 0 : i32
      %dma_wait3A_42 = arith.constant 0 : i32
      %dma_wait3A_43 = tpu.memref_slice %arg4[%add3A, %dma_wait3A_41, %dma_wait3A_42] : memref<32x63x80xi32, #tpu.memory_space<hbm>> -> memref<1x63x80xi32, #tpu.memory_space<hbm>>
      %dma_wait3A_44 = tpu.memref_squeeze %dma_wait3A_43 : memref<1x63x80xi32, #tpu.memory_space<hbm>> -> memref<63x80xi32, #tpu.memory_space<hbm>>
      tpu.wait_dma2 semaphore(%run_scoped3A : memref<!tpu.dma_semaphore, #tpu.memory_space<semaphore_mem>>) src(%dma_wait3A_44 : memref<63x80xi32, #tpu.memory_space<hbm>>) dst(%arg8 : memref<63x80xi32, #tpu.memory_space<vmem>>)
      tpu.yield
    }) : () -> ()
    %barrier3A = arith.constant 0 : index
    tpu.barrier barrier_id(%barrier3A)
    %scan3A_16 = arith.constant 0 : i32
    %scan3A_17 = arith.constant 0 : i32
    %scan3A_18 = arith.constant 63 : i32
    %scan3A_19 = arith.addi %scan3A_17, %scan3A_18 : i32
    %scan3A_20 = arith.constant 1 : i32
    scf.for %scan3A_31 = %scan3A_17 to %scan3A_19 step %scan3A_20  : i32 {
      %mul3A_32 = arith.constant 32 : i32
      %mul3A_33 = arith.muli %scan3A_31, %mul3A_32 : i32
      %add3A_34 = arith.addi %mul3A_33, %add3A : i32
      %lt3A = arith.constant 2000 : i32
      %lt3A_35 = arith.cmpi slt, %add3A_34, %lt3A : i32
      %convert_element_type3A_36 = arith.extui %lt3A_35 : i1 to i32
      %cond3A_37 = arith.constant 0 : i32
      %cond3A_38 = arith.cmpi ne, %convert_element_type3A_36, %cond3A_37 : i32
      scf.if %cond3A_38 {
        %dma_start3A = arith.constant 0 : i32
        %dma_start3A_39 = tpu.memref_slice %arg7[%scan3A_31, %dma_start3A] : memref<63x80xi32, #tpu.memory_space<vmem>> -> memref<1x80xi32, #tpu.memory_space<vmem>>
        %dma_start3A_40 = tpu.memref_squeeze %dma_start3A_39 : memref<1x80xi32, #tpu.memory_space<vmem>> -> memref<80xi32, #tpu.memory_space<vmem>>
        %dma_start3A_41 = arith.constant 0 : i32
        %dma_start3A_42 = arith.constant 0 : i32
        %dma_start3A_43 = tpu.memref_slice %arg2[%dma_start3A_41, %dma_start3A_42] : memref<10000x128xf32, #tpu.memory_space<hbm>> -> memref<10000x128xf32, #tpu.memory_space<hbm>>
        tpu.enqueue_indirect_dma source(%dma_start3A_43 : memref<10000x128xf32, #tpu.memory_space<hbm>>) target(%arg9 : memref<80x128xf32, #tpu.memory_space<vmem>>) offsets(%dma_start3A_40 : memref<80xi32, #tpu.memory_space<vmem>>) semaphore(%arg13 : memref<!tpu.dma_semaphore, #tpu.memory_space<semaphore_mem>>)
        %dma_wait3A = arith.constant 0 : i32
        %dma_wait3A_44 = tpu.memref_slice %arg7[%scan3A_31, %dma_wait3A] : memref<63x80xi32, #tpu.memory_space<vmem>> -> memref<1x80xi32, #tpu.memory_space<vmem>>
        %dma_wait3A_45 = tpu.memref_squeeze %dma_wait3A_44 : memref<1x80xi32, #tpu.memory_space<vmem>> -> memref<80xi32, #tpu.memory_space<vmem>>
        %dma_wait3A_46 = arith.constant 0 : i32
        %dma_wait3A_47 = arith.constant 0 : i32
        %dma_wait3A_48 = tpu.memref_slice %arg2[%dma_wait3A_46, %dma_wait3A_47] : memref<10000x128xf32, #tpu.memory_space<hbm>> -> memref<10000x128xf32, #tpu.memory_space<hbm>>
        tpu.wait_indirect_dma semaphore(%arg13 : memref<!tpu.dma_semaphore, #tpu.memory_space<semaphore_mem>>) src(%dma_wait3A_48 : memref<10000x128xf32, #tpu.memory_space<hbm>>) dst(%arg9 : memref<80x128xf32, #tpu.memory_space<vmem>>)
        %mul3A_49 = arith.constant 80 : i32
        %mul3A_50 = arith.muli %add3A_34, %mul3A_49 : i32
        "tpu.region"() ({
          %run_scoped3A = tpu.sem_alloc : memref<!tpu.dma_semaphore, #tpu.memory_space<semaphore_mem>>
          %dma_start3A_51 = arith.constant 0 : i32
          %dma_start3A_52 = tpu.memref_slice %arg5[%mul3A_50, %dma_start3A_51] : memref<160000x128xf32, #tpu.memory_space<hbm>> -> memref<80x128xf32, #tpu.memory_space<hbm>>
          %dma_start3A_53 = arith.constant 0 : i32
          %dma_start3A_54 = tpu.memref_slice %arg5[%mul3A_50, %dma_start3A_53] : memref<160000x128xf32, #tpu.memory_space<hbm>> -> memref<80x128xf32, #tpu.memory_space<hbm>>
          tpu.enqueue_dma source(%arg9 : memref<80x128xf32, #tpu.memory_space<vmem>>) target(%dma_start3A_54 : memref<80x128xf32, #tpu.memory_space<hbm>>) target_semaphore(%run_scoped3A : memref<!tpu.dma_semaphore, #tpu.memory_space<semaphore_mem>>)
          %dma_wait3A_55 = arith.constant 0 : i32
          %dma_wait3A_56 = tpu.memref_slice %arg5[%mul3A_50, %dma_wait3A_55] : memref<160000x128xf32, #tpu.memory_space<hbm>> -> memref<80x128xf32, #tpu.memory_space<hbm>>
          %dma_wait3A_57 = arith.constant 0 : i32
          %dma_wait3A_58 = tpu.memref_slice %arg5[%mul3A_50, %dma_wait3A_57] : memref<160000x128xf32, #tpu.memory_space<hbm>> -> memref<80x128xf32, #tpu.memory_space<hbm>>
          tpu.wait_dma2 semaphore(%run_scoped3A : memref<!tpu.dma_semaphore, #tpu.memory_space<semaphore_mem>>) src(%arg9 : memref<80x128xf32, #tpu.memory_space<vmem>>) dst(%dma_wait3A_58 : memref<80x128xf32, #tpu.memory_space<hbm>>)
          tpu.yield
        }) : () -> ()
        "tpu.region"() ({
          %run_scoped3A = tpu.sem_alloc : memref<!tpu.dma_semaphore, #tpu.memory_space<semaphore_mem>>
          %dma_start3A_51 = arith.constant 0 : i32
          %dma_start3A_52 = tpu.memref_slice %arg8[%scan3A_31, %dma_start3A_51] : memref<63x80xi32, #tpu.memory_space<vmem>> -> memref<1x80xi32, #tpu.memory_space<vmem>>
          %dma_start3A_53 = tpu.memref_squeeze %dma_start3A_52 : memref<1x80xi32, #tpu.memory_space<vmem>> -> memref<80xi32, #tpu.memory_space<vmem>>
          %dma_start3A_54 = arith.constant 0 : i32
          %dma_start3A_55 = arith.constant 0 : i32
          %dma_start3A_56 = tpu.memref_slice %arg12[%dma_start3A_54, %dma_start3A_55] : memref<10000x16xf32, #tpu.memory_space<vmem_shared>> -> memref<10000x16xf32, #tpu.memory_space<vmem_shared>>
          tpu.enqueue_indirect_dma source(%arg10 : memref<80x16xf32, #tpu.memory_space<vmem>>) target(%dma_start3A_56 : memref<10000x16xf32, #tpu.memory_space<vmem_shared>>) offsets(%dma_start3A_53 : memref<80xi32, #tpu.memory_space<vmem>>) semaphore(%run_scoped3A : memref<!tpu.dma_semaphore, #tpu.memory_space<semaphore_mem>>) {add = true}
          %dma_wait3A_57 = arith.constant 0 : i32
          %dma_wait3A_58 = tpu.memref_slice %arg8[%scan3A_31, %dma_wait3A_57] : memref<63x80xi32, #tpu.memory_space<vmem>> -> memref<1x80xi32, #tpu.memory_space<vmem>>
          %dma_wait3A_59 = tpu.memref_squeeze %dma_wait3A_58 : memref<1x80xi32, #tpu.memory_space<vmem>> -> memref<80xi32, #tpu.memory_space<vmem>>
          %dma_wait3A_60 = arith.constant 0 : i32
          %dma_wait3A_61 = arith.constant 0 : i32
          %dma_wait3A_62 = tpu.memref_slice %arg12[%dma_wait3A_60, %dma_wait3A_61] : memref<10000x16xf32, #tpu.memory_space<vmem_shared>> -> memref<10000x16xf32, #tpu.memory_space<vmem_shared>>
          tpu.wait_indirect_dma semaphore(%run_scoped3A : memref<!tpu.dma_semaphore, #tpu.memory_space<semaphore_mem>>) src(%arg10 : memref<80x16xf32, #tpu.memory_space<vmem>>) dst(%dma_wait3A_62 : memref<10000x16xf32, #tpu.memory_space<vmem_shared>>)
          tpu.yield
        }) : () -> ()
      } else {
      }
    }
    %scan3A_21 = arith.constant 63 : i32
    %barrier3A_22 = arith.constant 0 : index
    tpu.barrier barrier_id(%barrier3A_22)
    %mul3A_23 = arith.constant 10000 : i32
    %mul3A_24 = arith.muli %arg0, %mul3A_23 : i32
    %add3A_25 = arith.addi %mul3A_24, %mul3A_2 : i32
    "tpu.region"() ({
      %run_scoped3A = tpu.sem_alloc : memref<!tpu.dma_semaphore, #tpu.memory_space<semaphore_mem>>
      %dma_start3A = arith.constant 0 : i32
      %dma_start3A_31 = tpu.memref_slice %arg12[%mul3A_2, %dma_start3A] : memref<10000x16xf32, #tpu.memory_space<vmem_shared>> -> memref<624x16xf32, #tpu.memory_space<vmem_shared>>
      %dma_start3A_32 = arith.constant 0 : i32
      %dma_start3A_33 = tpu.memref_slice %arg12[%mul3A_2, %dma_start3A_32] : memref<10000x16xf32, #tpu.memory_space<vmem_shared>> -> memref<624x16xf32, #tpu.memory_space<vmem_shared>>
      tpu.enqueue_dma source(%dma_start3A_33 : memref<624x16xf32, #tpu.memory_space<vmem_shared>>) target(%arg11 : memref<624x16xf32, #tpu.memory_space<vmem>>) target_semaphore(%run_scoped3A : memref<!tpu.dma_semaphore, #tpu.memory_space<semaphore_mem>>)
      %dma_wait3A = arith.constant 0 : i32
      %dma_wait3A_34 = tpu.memref_slice %arg12[%mul3A_2, %dma_wait3A] : memref<10000x16xf32, #tpu.memory_space<vmem_shared>> -> memref<624x16xf32, #tpu.memory_space<vmem_shared>>
      %dma_wait3A_35 = arith.constant 0 : i32
      %dma_wait3A_36 = tpu.memref_slice %arg12[%mul3A_2, %dma_wait3A_35] : memref<10000x16xf32, #tpu.memory_space<vmem_shared>> -> memref<624x16xf32, #tpu.memory_space<vmem_shared>>
      tpu.wait_dma2 semaphore(%run_scoped3A : memref<!tpu.dma_semaphore, #tpu.memory_space<semaphore_mem>>) src(%dma_wait3A_36 : memref<624x16xf32, #tpu.memory_space<vmem_shared>>) dst(%arg11 : memref<624x16xf32, #tpu.memory_space<vmem>>)
      tpu.yield
    }) : () -> ()
    "tpu.region"() ({
      %run_scoped3A = tpu.sem_alloc : memref<!tpu.dma_semaphore, #tpu.memory_space<semaphore_mem>>
      %dma_start3A = arith.constant 0 : i32
      %dma_start3A_31 = tpu.memref_slice %arg6[%add3A_25, %dma_start3A] : memref<20000x16xf32, #tpu.memory_space<hbm>> -> memref<624x16xf32, #tpu.memory_space<hbm>>
      %dma_start3A_32 = arith.constant 0 : i32
      %dma_start3A_33 = tpu.memref_slice %arg6[%add3A_25, %dma_start3A_32] : memref<20000x16xf32, #tpu.memory_space<hbm>> -> memref<624x16xf32, #tpu.memory_space<hbm>>
      tpu.enqueue_dma source(%arg11 : memref<624x16xf32, #tpu.memory_space<vmem>>) target(%dma_start3A_33 : memref<624x16xf32, #tpu.memory_space<hbm>>) target_semaphore(%run_scoped3A : memref<!tpu.dma_semaphore, #tpu.memory_space<semaphore_mem>>)
      %dma_wait3A = arith.constant 0 : i32
      %dma_wait3A_34 = tpu.memref_slice %arg6[%add3A_25, %dma_wait3A] : memref<20000x16xf32, #tpu.memory_space<hbm>> -> memref<624x16xf32, #tpu.memory_space<hbm>>
      %dma_wait3A_35 = arith.constant 0 : i32
      %dma_wait3A_36 = tpu.memref_slice %arg6[%add3A_25, %dma_wait3A_35] : memref<20000x16xf32, #tpu.memory_space<hbm>> -> memref<624x16xf32, #tpu.memory_space<hbm>>
      tpu.wait_dma2 semaphore(%run_scoped3A : memref<!tpu.dma_semaphore, #tpu.memory_space<semaphore_mem>>) src(%arg11 : memref<624x16xf32, #tpu.memory_space<vmem>>) dst(%dma_wait3A_36 : memref<624x16xf32, #tpu.memory_space<hbm>>)
      tpu.yield
    }) : () -> ()
    %eq3A_26 = arith.constant 15 : i32
    %eq3A_27 = arith.cmpi eq, %arg1, %eq3A_26 : i32
    %convert_element_type3A_28 = arith.extui %eq3A_27 : i1 to i32
    %cond3A_29 = arith.constant 0 : i32
    %cond3A_30 = arith.cmpi ne, %convert_element_type3A_28, %cond3A_29 : i32
    scf.if %cond3A_30 {
      "tpu.region"() ({
        %run_scoped3A = tpu.sem_alloc : memref<!tpu.dma_semaphore, #tpu.memory_space<semaphore_mem>>
        %dma_start3A = arith.constant 0 : i32
        %dma_start3A_35 = arith.constant 0 : i32
        %dma_start3A_36 = tpu.memref_slice %arg11[%dma_start3A, %dma_start3A_35] : memref<624x16xf32, #tpu.memory_space<vmem>> -> memref<16x16xf32, #tpu.memory_space<vmem>>
        %dma_start3A_37 = arith.constant 9984 : i32
        %dma_start3A_38 = arith.constant 0 : i32
        %dma_start3A_39 = tpu.memref_slice %arg12[%dma_start3A_37, %dma_start3A_38] : memref<10000x16xf32, #tpu.memory_space<vmem_shared>> -> memref<16x16xf32, #tpu.memory_space<vmem_shared>>
        %dma_start3A_40 = arith.constant 0 : i32
        %dma_start3A_41 = arith.constant 0 : i32
        %dma_start3A_42 = tpu.memref_slice %arg11[%dma_start3A_40, %dma_start3A_41] : memref<624x16xf32, #tpu.memory_space<vmem>> -> memref<16x16xf32, #tpu.memory_space<vmem>>
        %dma_start3A_43 = arith.constant 9984 : i32
        %dma_start3A_44 = arith.constant 0 : i32
        %dma_start3A_45 = tpu.memref_slice %arg12[%dma_start3A_43, %dma_start3A_44] : memref<10000x16xf32, #tpu.memory_space<vmem_shared>> -> memref<16x16xf32, #tpu.memory_space<vmem_shared>>
        tpu.enqueue_dma source(%dma_start3A_45 : memref<16x16xf32, #tpu.memory_space<vmem_shared>>) target(%dma_start3A_42 : memref<16x16xf32, #tpu.memory_space<vmem>>) target_semaphore(%run_scoped3A : memref<!tpu.dma_semaphore, #tpu.memory_space<semaphore_mem>>)
        %dma_wait3A = arith.constant 0 : i32
        %dma_wait3A_46 = arith.constant 0 : i32
        %dma_wait3A_47 = tpu.memref_slice %arg11[%dma_wait3A, %dma_wait3A_46] : memref<624x16xf32, #tpu.memory_space<vmem>> -> memref<16x16xf32, #tpu.memory_space<vmem>>
        %dma_wait3A_48 = arith.constant 9984 : i32
        %dma_wait3A_49 = arith.constant 0 : i32
        %dma_wait3A_50 = tpu.memref_slice %arg12[%dma_wait3A_48, %dma_wait3A_49] : memref<10000x16xf32, #tpu.memory_space<vmem_shared>> -> memref<16x16xf32, #tpu.memory_space<vmem_shared>>
        %dma_wait3A_51 = arith.constant 0 : i32
        %dma_wait3A_52 = arith.constant 0 : i32
        %dma_wait3A_53 = tpu.memref_slice %arg11[%dma_wait3A_51, %dma_wait3A_52] : memref<624x16xf32, #tpu.memory_space<vmem>> -> memref<16x16xf32, #tpu.memory_space<vmem>>
        %dma_wait3A_54 = arith.constant 9984 : i32
        %dma_wait3A_55 = arith.constant 0 : i32
        %dma_wait3A_56 = tpu.memref_slice %arg12[%dma_wait3A_54, %dma_wait3A_55] : memref<10000x16xf32, #tpu.memory_space<vmem_shared>> -> memref<16x16xf32, #tpu.memory_space<vmem_shared>>
        tpu.wait_dma2 semaphore(%run_scoped3A : memref<!tpu.dma_semaphore, #tpu.memory_space<semaphore_mem>>) src(%dma_wait3A_56 : memref<16x16xf32, #tpu.memory_space<vmem_shared>>) dst(%dma_wait3A_53 : memref<16x16xf32, #tpu.memory_space<vmem>>)
        tpu.yield
      }) : () -> ()
      %mul3A_31 = arith.constant 10000 : i32
      %mul3A_32 = arith.muli %arg0, %mul3A_31 : i32
      %add3A_33 = arith.constant 9984 : i32
      %add3A_34 = arith.addi %mul3A_32, %add3A_33 : i32
      "tpu.region"() ({
        %run_scoped3A = tpu.sem_alloc : memref<!tpu.dma_semaphore, #tpu.memory_space<semaphore_mem>>
        %dma_start3A = arith.constant 0 : i32
        %dma_start3A_35 = arith.constant 0 : i32
        %dma_start3A_36 = tpu.memref_slice %arg11[%dma_start3A, %dma_start3A_35] : memref<624x16xf32, #tpu.memory_space<vmem>> -> memref<16x16xf32, #tpu.memory_space<vmem>>
        %dma_start3A_37 = arith.constant 0 : i32
        %dma_start3A_38 = tpu.memref_slice %arg6[%add3A_34, %dma_start3A_37] : memref<20000x16xf32, #tpu.memory_space<hbm>> -> memref<16x16xf32, #tpu.memory_space<hbm>>
        %dma_start3A_39 = arith.constant 0 : i32
        %dma_start3A_40 = tpu.memref_slice %arg6[%add3A_34, %dma_start3A_39] : memref<20000x16xf32, #tpu.memory_space<hbm>> -> memref<16x16xf32, #tpu.memory_space<hbm>>
        %dma_start3A_41 = arith.constant 0 : i32
        %dma_start3A_42 = arith.constant 0 : i32
        %dma_start3A_43 = tpu.memref_slice %arg11[%dma_start3A_41, %dma_start3A_42] : memref<624x16xf32, #tpu.memory_space<vmem>> -> memref<16x16xf32, #tpu.memory_space<vmem>>
        tpu.enqueue_dma source(%dma_start3A_43 : memref<16x16xf32, #tpu.memory_space<vmem>>) target(%dma_start3A_40 : memref<16x16xf32, #tpu.memory_space<hbm>>) target_semaphore(%run_scoped3A : memref<!tpu.dma_semaphore, #tpu.memory_space<semaphore_mem>>)
        %dma_wait3A = arith.constant 0 : i32
        %dma_wait3A_44 = arith.constant 0 : i32
        %dma_wait3A_45 = tpu.memref_slice %arg11[%dma_wait3A, %dma_wait3A_44] : memref<624x16xf32, #tpu.memory_space<vmem>> -> memref<16x16xf32, #tpu.memory_space<vmem>>
        %dma_wait3A_46 = arith.constant 0 : i32
        %dma_wait3A_47 = tpu.memref_slice %arg6[%add3A_34, %dma_wait3A_46] : memref<20000x16xf32, #tpu.memory_space<hbm>> -> memref<16x16xf32, #tpu.memory_space<hbm>>
        %dma_wait3A_48 = arith.constant 0 : i32
        %dma_wait3A_49 = tpu.memref_slice %arg6[%add3A_34, %dma_wait3A_48] : memref<20000x16xf32, #tpu.memory_space<hbm>> -> memref<16x16xf32, #tpu.memory_space<hbm>>
        %dma_wait3A_50 = arith.constant 0 : i32
        %dma_wait3A_51 = arith.constant 0 : i32
        %dma_wait3A_52 = tpu.memref_slice %arg11[%dma_wait3A_50, %dma_wait3A_51] : memref<624x16xf32, #tpu.memory_space<vmem>> -> memref<16x16xf32, #tpu.memory_space<vmem>>
        tpu.wait_dma2 semaphore(%run_scoped3A : memref<!tpu.dma_semaphore, #tpu.memory_space<semaphore_mem>>) src(%dma_wait3A_52 : memref<16x16xf32, #tpu.memory_space<vmem>>) dst(%dma_wait3A_49 : memref<16x16xf32, #tpu.memory_space<hbm>>)
        tpu.yield
      }) : () -> ()
    } else {
    }
    return
  }
}

module attributes {stable_mosaic.version = 14 : i64} {
  func.func @body(%arg0: i32, %arg1: memref<1000x128xf32, #tpu.memory_space<vmem>>, %arg2: memref<128x128xf32, #tpu.memory_space<vmem>>, %arg3: memref<1000x128xf32, #tpu.memory_space<vmem>>) attributes {dimension_semantics = [#tpu.dimension_semantics<arbitrary>], iteration_bounds = array<i64: 10>, scalar_prefetch = 0 : i64, scratch_operands = 0 : i64, tpu.core_type = #tpu.core_type<tc>, window_params = [{transform_indices = @transform_0, window_bounds = array<i64: 1000, 128>}, {pipeline_mode = #tpu.pipeline_mode<synchronous>, transform_indices = @transform_1, window_bounds = array<i64: 128, 128>}, {transform_indices = @transform_2, window_bounds = array<i64: 1000, 128>}]} {
    %get3A = arith.constant 0 : index
    %get3A_0 = arith.constant 0 : index
    %get3A_1 = vector.load %arg1[%get3A, %get3A_0] : memref<1000x128xf32, #tpu.memory_space<vmem>>, vector<1000x128xf32>
    %get3A_2 = arith.constant 0 : index
    %get3A_3 = arith.constant 0 : index
    %get3A_4 = vector.load %arg2[%get3A_2, %get3A_3] : memref<128x128xf32, #tpu.memory_space<vmem>>, vector<128x128xf32>
    %dot_general3A = arith.constant dense<0.000000e+00> : vector<1000x128xf32>
    %dot_general3A_5 = tpu.matmul %get3A_1, %get3A_4, %dot_general3A {dimension_numbers = #tpu.dot_dimension_numbers<[1], [0], [0], [1], [0, 0, 1, 1], [], []>, transpose_lhs_hint = false} : vector<1000x128xf32>, vector<128x128xf32>, vector<1000x128xf32> -> vector<1000x128xf32>
    %swap3A = arith.constant 0 : index
    %swap3A_6 = arith.constant 0 : index
    %swap3A_7 = vector.load %arg3[%swap3A, %swap3A_6] : memref<1000x128xf32, #tpu.memory_space<vmem>>, vector<1000x128xf32>
    tpu.vector_store %arg3[%swap3A, %swap3A_6], %dot_general3A_5 {strides = array<i32>} : memref<1000x128xf32, #tpu.memory_space<vmem>>, vector<1000x128xf32>,
    return
  }
  func.func @transform_0(%arg0: i32) -> (i32, i32) {
    %c0_i32 = arith.constant 0 : i32
    %c0_i32_0 = arith.constant 0 : i32
    return %arg0, %c0_i32 : i32, i32
  }
  func.func @transform_1(%arg0: i32) -> (i32, i32) {
    %c0_i32 = arith.constant 0 : i32
    %c0_i32_0 = arith.constant 0 : i32
    %c0_i32_1 = arith.constant 0 : i32
    return %c0_i32, %c0_i32_0 : i32, i32
  }
  func.func @transform_2(%arg0: i32) -> (i32, i32) {
    %c0_i32 = arith.constant 0 : i32
    %c0_i32_0 = arith.constant 0 : i32
    return %arg0, %c0_i32 : i32, i32
  }
}

module attributes {stable_mosaic.version = 14 : i64} {
  func.func @body(%arg0: i32, %arg1: memref<2000x128xf32, #tpu.memory_space<vmem>>, %arg2: memref<2000x64xf32, #tpu.memory_space<vmem>>, %arg3: memref<64x64xf32, #tpu.memory_space<vmem>>, %arg4: memref<1x64xf32, #tpu.memory_space<vmem>>, %arg5: memref<1x64xf32, #tpu.memory_space<vmem>>, %arg6: memref<1x64xf32, #tpu.memory_space<vmem>>, %arg7: memref<64x64xf32, #tpu.memory_space<vmem>>, %arg8: memref<1x64xf32, #tpu.memory_space<vmem>>, %arg9: memref<1000x128xf32, #tpu.memory_space<vmem>>) attributes {dimension_semantics = [#tpu.dimension_semantics<arbitrary>], iteration_bounds = array<i64: 80>, scalar_prefetch = 0 : i64, scratch_operands = 0 : i64, tpu.core_type = #tpu.core_type<tc>, window_params = [{transform_indices = @transform_0, window_bounds = array<i64: 2000, 128>}, {transform_indices = @transform_1, window_bounds = array<i64: 2000, 64>}, {pipeline_mode = #tpu.pipeline_mode<synchronous>, transform_indices = @transform_2, window_bounds = array<i64: 64, 64>}, {pipeline_mode = #tpu.pipeline_mode<synchronous>, transform_indices = @transform_3, window_bounds = array<i64: 1, 64>}, {pipeline_mode = #tpu.pipeline_mode<synchronous>, transform_indices = @transform_4, window_bounds = array<i64: 1, 64>}, {pipeline_mode = #tpu.pipeline_mode<synchronous>, transform_indices = @transform_5, window_bounds = array<i64: 1, 64>}, {pipeline_mode = #tpu.pipeline_mode<synchronous>, transform_indices = @transform_6, window_bounds = array<i64: 64, 64>}, {pipeline_mode = #tpu.pipeline_mode<synchronous>, transform_indices = @transform_7, window_bounds = array<i64: 1, 64>}, {transform_indices = @transform_8, window_bounds = array<i64: 1000, 128>}]} {
    %get3A = arith.constant 0 : index
    %get3A_0 = arith.constant 0 : index
    %get3A_1 = vector.load %arg2[%get3A, %get3A_0] : memref<2000x64xf32, #tpu.memory_space<vmem>>, vector<2000x64xf32>
    %get3A_2 = arith.constant 0 : index
    %get3A_3 = arith.constant 0 : index
    %get3A_4 = vector.load %arg3[%get3A_2, %get3A_3] : memref<64x64xf32, #tpu.memory_space<vmem>>, vector<64x64xf32>
    %dot_general3A = arith.constant dense<0.000000e+00> : vector<2000x64xf32>
    %dot_general3A_5 = tpu.matmul %get3A_1, %get3A_4, %dot_general3A {dimension_numbers = #tpu.dot_dimension_numbers<[1], [0], [0], [1], [0, 0, 1, 1], [], []>, transpose_lhs_hint = false} : vector<2000x64xf32>, vector<64x64xf32>, vector<2000x64xf32> -> vector<2000x64xf32>
    %get3A_6 = arith.constant 0 : index
    %get3A_7 = arith.constant 0 : index
    %get3A_8 = vector.load %arg1[%get3A_6, %get3A_7] : memref<2000x128xf32, #tpu.memory_space<vmem>>, vector<2000x128xf32>
    %slice3A = vector.extract_strided_slice %get3A_8 {offsets = [0, 0], sizes = [2000, 64], strides = [1, 1]} : vector<2000x128xf32> to vector<2000x64xf32>
    %add3A = arith.addf %dot_general3A_5, %slice3A : vector<2000x64xf32>
    %get3A_9 = arith.constant 0 : index
    %get3A_10 = arith.constant 0 : index
    %get3A_11 = vector.load %arg4[%get3A_9, %get3A_10] : memref<1x64xf32, #tpu.memory_space<vmem>>, vector<1x64xf32>
    %add3A_12 = vector.broadcast %get3A_11 : vector<1x64xf32> to vector<2000x64xf32>
    %add3A_13 = arith.addf %add3A, %add3A_12 : vector<2000x64xf32>
    %max3A = arith.constant 0.000000e+00 : f32
    %max3A_14 = vector.broadcast %max3A : f32 to vector<2000x64xf32>
    %max3A_15 = arith.maximumf %add3A_13, %max3A_14 : vector<2000x64xf32>
    %reduce_sum3A = arith.constant dense<0.000000e+00> : vector<2000xf32>
    %reduce_sum3A_16 = vector.multi_reduction <add>, %max3A_15, %reduce_sum3A [1] : vector<2000x64xf32> to vector<2000xf32>
    %broadcast_in_dim3A = vector.shape_cast %reduce_sum3A_16 : vector<2000xf32> to vector<2000x1xf32>
    %div3A = arith.constant 6.400000e+01 : f32
    %div3A_17 = vector.broadcast %div3A : f32 to vector<2000x1xf32>
    %div3A_18 = arith.divf %broadcast_in_dim3A, %div3A_17 : vector<2000x1xf32>
    %sub3A = vector.broadcast %div3A_18 : vector<2000x1xf32> to vector<2000x64xf32>
    %sub3A_19 = arith.subf %max3A_15, %sub3A : vector<2000x64xf32>
    %sub3A_20 = vector.broadcast %div3A_18 : vector<2000x1xf32> to vector<2000x64xf32>
    %sub3A_21 = arith.subf %max3A_15, %sub3A_20 : vector<2000x64xf32>
    %mul3A = arith.mulf %sub3A_19, %sub3A_21 : vector<2000x64xf32>
    %reduce_sum3A_22 = arith.constant dense<0.000000e+00> : vector<2000xf32>
    %reduce_sum3A_23 = vector.multi_reduction <add>, %mul3A, %reduce_sum3A_22 [1] : vector<2000x64xf32> to vector<2000xf32>
    %broadcast_in_dim3A_24 = vector.shape_cast %reduce_sum3A_23 : vector<2000xf32> to vector<2000x1xf32>
    %div3A_25 = arith.constant 6.400000e+01 : f32
    %div3A_26 = vector.broadcast %div3A_25 : f32 to vector<2000x1xf32>
    %div3A_27 = arith.divf %broadcast_in_dim3A_24, %div3A_26 : vector<2000x1xf32>
    %sub3A_28 = vector.broadcast %div3A_18 : vector<2000x1xf32> to vector<2000x64xf32>
    %sub3A_29 = arith.subf %max3A_15, %sub3A_28 : vector<2000x64xf32>
    %add3A_30 = arith.constant 9.99999974E-6 : f32
    %add3A_31 = vector.broadcast %add3A_30 : f32 to vector<2000x1xf32>
    %add3A_32 = arith.addf %div3A_27, %add3A_31 : vector<2000x1xf32>
    %rsqrt3A = math.rsqrt %add3A_32 : vector<2000x1xf32>
    %mul3A_33 = vector.broadcast %rsqrt3A : vector<2000x1xf32> to vector<2000x64xf32>
    %mul3A_34 = arith.mulf %sub3A_29, %mul3A_33 : vector<2000x64xf32>
    %get3A_35 = arith.constant 0 : index
    %get3A_36 = arith.constant 0 : index
    %get3A_37 = vector.load %arg5[%get3A_35, %get3A_36] : memref<1x64xf32, #tpu.memory_space<vmem>>, vector<1x64xf32>
    %mul3A_38 = vector.broadcast %get3A_37 : vector<1x64xf32> to vector<2000x64xf32>
    %mul3A_39 = arith.mulf %mul3A_34, %mul3A_38 : vector<2000x64xf32>
    %get3A_40 = arith.constant 0 : index
    %get3A_41 = arith.constant 0 : index
    %get3A_42 = vector.load %arg6[%get3A_40, %get3A_41] : memref<1x64xf32, #tpu.memory_space<vmem>>, vector<1x64xf32>
    %add3A_43 = vector.broadcast %get3A_42 : vector<1x64xf32> to vector<2000x64xf32>
    %add3A_44 = arith.addf %mul3A_39, %add3A_43 : vector<2000x64xf32>
    %get3A_45 = arith.constant 0 : index
    %get3A_46 = arith.constant 0 : index
    %get3A_47 = vector.load %arg7[%get3A_45, %get3A_46] : memref<64x64xf32, #tpu.memory_space<vmem>>, vector<64x64xf32>
    %dot_general3A_48 = arith.constant dense<0.000000e+00> : vector<2000x64xf32>
    %dot_general3A_49 = tpu.matmul %add3A_44, %get3A_47, %dot_general3A_48 {dimension_numbers = #tpu.dot_dimension_numbers<[1], [0], [0], [1], [0, 0, 1, 1], [], []>, transpose_lhs_hint = false} : vector<2000x64xf32>, vector<64x64xf32>, vector<2000x64xf32> -> vector<2000x64xf32>
    %get3A_50 = arith.constant 0 : index
    %get3A_51 = arith.constant 0 : index
    %get3A_52 = vector.load %arg8[%get3A_50, %get3A_51] : memref<1x64xf32, #tpu.memory_space<vmem>>, vector<1x64xf32>
    %add3A_53 = vector.broadcast %get3A_52 : vector<1x64xf32> to vector<2000x64xf32>
    %add3A_54 = arith.addf %dot_general3A_49, %add3A_53 : vector<2000x64xf32>
    %slice3A_55 = vector.extract_strided_slice %add3A_54 {offsets = [0, 0], sizes = [1000, 64], strides = [1, 1]} : vector<2000x64xf32> to vector<1000x64xf32>
    %slice3A_56 = vector.extract_strided_slice %add3A_54 {offsets = [1000, 0], sizes = [1000, 64], strides = [1, 1]} : vector<2000x64xf32> to vector<1000x64xf32>
    %concatenate3A = tpu.concatenate %slice3A_55, %slice3A_56 in 1 : vector<1000x64xf32>, vector<1000x64xf32> -> vector<1000x128xf32>
    %swap3A = arith.constant 0 : index
    %swap3A_57 = arith.constant 0 : index
    %swap3A_58 = vector.load %arg9[%swap3A, %swap3A_57] : memref<1000x128xf32, #tpu.memory_space<vmem>>, vector<1000x128xf32>
    tpu.vector_store %arg9[%swap3A, %swap3A_57], %concatenate3A {strides = array<i32>} : memref<1000x128xf32, #tpu.memory_space<vmem>>, vector<1000x128xf32>,
    return
  }
  func.func @transform_0(%arg0: i32) -> (i32, i32) {
    %c0_i32 = arith.constant 0 : i32
    %c0_i32_0 = arith.constant 0 : i32
    return %arg0, %c0_i32 : i32, i32
  }
  func.func @transform_1(%arg0: i32) -> (i32, i32) {
    %add3A = arith.constant 80 : i32
    %add3A_0 = arith.addi %arg0, %add3A : i32
    %c0_i32 = arith.constant 0 : i32
    %c0_i32_1 = arith.constant 0 : i32
    return %add3A_0, %c0_i32 : i32, i32
  }
  func.func @transform_2(%arg0: i32) -> (i32, i32) {
    %c0_i32 = arith.constant 0 : i32
    %c0_i32_0 = arith.constant 0 : i32
    %c0_i32_1 = arith.constant 0 : i32
    return %c0_i32, %c0_i32_0 : i32, i32
  }
  func.func @transform_3(%arg0: i32) -> (i32, i32) {
    %c0_i32 = arith.constant 0 : i32
    %c0_i32_0 = arith.constant 0 : i32
    %c0_i32_1 = arith.constant 0 : i32
    return %c0_i32, %c0_i32_0 : i32, i32
  }
  func.func @transform_4(%arg0: i32) -> (i32, i32) {
    %c0_i32 = arith.constant 0 : i32
    %c0_i32_0 = arith.constant 0 : i32
    %c0_i32_1 = arith.constant 0 : i32
    return %c0_i32, %c0_i32_0 : i32, i32
  }
  func.func @transform_5(%arg0: i32) -> (i32, i32) {
    %c0_i32 = arith.constant 0 : i32
    %c0_i32_0 = arith.constant 0 : i32
    %c0_i32_1 = arith.constant 0 : i32
    return %c0_i32, %c0_i32_0 : i32, i32
  }
  func.func @transform_6(%arg0: i32) -> (i32, i32) {
    %c0_i32 = arith.constant 0 : i32
    %c0_i32_0 = arith.constant 0 : i32
    %c0_i32_1 = arith.constant 0 : i32
    return %c0_i32, %c0_i32_0 : i32, i32
  }
  func.func @transform_7(%arg0: i32) -> (i32, i32) {
    %c0_i32 = arith.constant 0 : i32
    %c0_i32_0 = arith.constant 0 : i32
    %c0_i32_1 = arith.constant 0 : i32
    return %c0_i32, %c0_i32_0 : i32, i32
  }
  func.func @transform_8(%arg0: i32) -> (i32, i32) {
    %c0_i32 = arith.constant 0 : i32
    %c0_i32_0 = arith.constant 0 : i32
    return %arg0, %c0_i32 : i32, i32
  }
}

module attributes {stable_mosaic.version = 14 : i64} {
  func.func @body(%arg0: i32, %arg1: memref<2000x128xf32, #tpu.memory_space<vmem>>, %arg2: memref<2000x64xf32, #tpu.memory_space<vmem>>, %arg3: memref<64x64xf32, #tpu.memory_space<vmem>>, %arg4: memref<1x64xf32, #tpu.memory_space<vmem>>, %arg5: memref<1x64xf32, #tpu.memory_space<vmem>>, %arg6: memref<1x64xf32, #tpu.memory_space<vmem>>, %arg7: memref<64x64xf32, #tpu.memory_space<vmem>>, %arg8: memref<1x64xf32, #tpu.memory_space<vmem>>, %arg9: memref<1000x128xf32, #tpu.memory_space<vmem>>) attributes {dimension_semantics = [#tpu.dimension_semantics<arbitrary>], iteration_bounds = array<i64: 80>, scalar_prefetch = 0 : i64, scratch_operands = 0 : i64, tpu.core_type = #tpu.core_type<tc>, window_params = [{transform_indices = @transform_0, window_bounds = array<i64: 2000, 128>}, {transform_indices = @transform_1, window_bounds = array<i64: 2000, 64>}, {pipeline_mode = #tpu.pipeline_mode<synchronous>, transform_indices = @transform_2, window_bounds = array<i64: 64, 64>}, {pipeline_mode = #tpu.pipeline_mode<synchronous>, transform_indices = @transform_3, window_bounds = array<i64: 1, 64>}, {pipeline_mode = #tpu.pipeline_mode<synchronous>, transform_indices = @transform_4, window_bounds = array<i64: 1, 64>}, {pipeline_mode = #tpu.pipeline_mode<synchronous>, transform_indices = @transform_5, window_bounds = array<i64: 1, 64>}, {pipeline_mode = #tpu.pipeline_mode<synchronous>, transform_indices = @transform_6, window_bounds = array<i64: 64, 64>}, {pipeline_mode = #tpu.pipeline_mode<synchronous>, transform_indices = @transform_7, window_bounds = array<i64: 1, 64>}, {transform_indices = @transform_8, window_bounds = array<i64: 1000, 128>}]} {
    %get3A = arith.constant 0 : index
    %get3A_0 = arith.constant 0 : index
    %get3A_1 = vector.load %arg2[%get3A, %get3A_0] : memref<2000x64xf32, #tpu.memory_space<vmem>>, vector<2000x64xf32>
    %get3A_2 = arith.constant 0 : index
    %get3A_3 = arith.constant 0 : index
    %get3A_4 = vector.load %arg3[%get3A_2, %get3A_3] : memref<64x64xf32, #tpu.memory_space<vmem>>, vector<64x64xf32>
    %dot_general3A = arith.constant dense<0.000000e+00> : vector<2000x64xf32>
    %dot_general3A_5 = tpu.matmul %get3A_1, %get3A_4, %dot_general3A {dimension_numbers = #tpu.dot_dimension_numbers<[1], [0], [0], [1], [0, 0, 1, 1], [], []>, transpose_lhs_hint = false} : vector<2000x64xf32>, vector<64x64xf32>, vector<2000x64xf32> -> vector<2000x64xf32>
    %get3A_6 = arith.constant 0 : index
    %get3A_7 = arith.constant 0 : index
    %get3A_8 = vector.load %arg1[%get3A_6, %get3A_7] : memref<2000x128xf32, #tpu.memory_space<vmem>>, vector<2000x128xf32>
    %slice3A = vector.extract_strided_slice %get3A_8 {offsets = [0, 0], sizes = [2000, 64], strides = [1, 1]} : vector<2000x128xf32> to vector<2000x64xf32>
    %add3A = arith.addf %dot_general3A_5, %slice3A : vector<2000x64xf32>
    %get3A_9 = arith.constant 0 : index
    %get3A_10 = arith.constant 0 : index
    %get3A_11 = vector.load %arg4[%get3A_9, %get3A_10] : memref<1x64xf32, #tpu.memory_space<vmem>>, vector<1x64xf32>
    %add3A_12 = vector.broadcast %get3A_11 : vector<1x64xf32> to vector<2000x64xf32>
    %add3A_13 = arith.addf %add3A, %add3A_12 : vector<2000x64xf32>
    %max3A = arith.constant 0.000000e+00 : f32
    %max3A_14 = vector.broadcast %max3A : f32 to vector<2000x64xf32>
    %max3A_15 = arith.maximumf %add3A_13, %max3A_14 : vector<2000x64xf32>
    %reduce_sum3A = arith.constant dense<0.000000e+00> : vector<2000xf32>
    %reduce_sum3A_16 = vector.multi_reduction <add>, %max3A_15, %reduce_sum3A [1] : vector<2000x64xf32> to vector<2000xf32>
    %broadcast_in_dim3A = vector.shape_cast %reduce_sum3A_16 : vector<2000xf32> to vector<2000x1xf32>
    %div3A = arith.constant 6.400000e+01 : f32
    %div3A_17 = vector.broadcast %div3A : f32 to vector<2000x1xf32>
    %div3A_18 = arith.divf %broadcast_in_dim3A, %div3A_17 : vector<2000x1xf32>
    %sub3A = vector.broadcast %div3A_18 : vector<2000x1xf32> to vector<2000x64xf32>
    %sub3A_19 = arith.subf %max3A_15, %sub3A : vector<2000x64xf32>
    %sub3A_20 = vector.broadcast %div3A_18 : vector<2000x1xf32> to vector<2000x64xf32>
    %sub3A_21 = arith.subf %max3A_15, %sub3A_20 : vector<2000x64xf32>
    %mul3A = arith.mulf %sub3A_19, %sub3A_21 : vector<2000x64xf32>
    %reduce_sum3A_22 = arith.constant dense<0.000000e+00> : vector<2000xf32>
    %reduce_sum3A_23 = vector.multi_reduction <add>, %mul3A, %reduce_sum3A_22 [1] : vector<2000x64xf32> to vector<2000xf32>
    %broadcast_in_dim3A_24 = vector.shape_cast %reduce_sum3A_23 : vector<2000xf32> to vector<2000x1xf32>
    %div3A_25 = arith.constant 6.400000e+01 : f32
    %div3A_26 = vector.broadcast %div3A_25 : f32 to vector<2000x1xf32>
    %div3A_27 = arith.divf %broadcast_in_dim3A_24, %div3A_26 : vector<2000x1xf32>
    %sub3A_28 = vector.broadcast %div3A_18 : vector<2000x1xf32> to vector<2000x64xf32>
    %sub3A_29 = arith.subf %max3A_15, %sub3A_28 : vector<2000x64xf32>
    %add3A_30 = arith.constant 9.99999974E-6 : f32
    %add3A_31 = vector.broadcast %add3A_30 : f32 to vector<2000x1xf32>
    %add3A_32 = arith.addf %div3A_27, %add3A_31 : vector<2000x1xf32>
    %rsqrt3A = math.rsqrt %add3A_32 : vector<2000x1xf32>
    %mul3A_33 = vector.broadcast %rsqrt3A : vector<2000x1xf32> to vector<2000x64xf32>
    %mul3A_34 = arith.mulf %sub3A_29, %mul3A_33 : vector<2000x64xf32>
    %get3A_35 = arith.constant 0 : index
    %get3A_36 = arith.constant 0 : index
    %get3A_37 = vector.load %arg5[%get3A_35, %get3A_36] : memref<1x64xf32, #tpu.memory_space<vmem>>, vector<1x64xf32>
    %mul3A_38 = vector.broadcast %get3A_37 : vector<1x64xf32> to vector<2000x64xf32>
    %mul3A_39 = arith.mulf %mul3A_34, %mul3A_38 : vector<2000x64xf32>
    %get3A_40 = arith.constant 0 : index
    %get3A_41 = arith.constant 0 : index
    %get3A_42 = vector.load %arg6[%get3A_40, %get3A_41] : memref<1x64xf32, #tpu.memory_space<vmem>>, vector<1x64xf32>
    %add3A_43 = vector.broadcast %get3A_42 : vector<1x64xf32> to vector<2000x64xf32>
    %add3A_44 = arith.addf %mul3A_39, %add3A_43 : vector<2000x64xf32>
    %get3A_45 = arith.constant 0 : index
    %get3A_46 = arith.constant 0 : index
    %get3A_47 = vector.load %arg7[%get3A_45, %get3A_46] : memref<64x64xf32, #tpu.memory_space<vmem>>, vector<64x64xf32>
    %dot_general3A_48 = arith.constant dense<0.000000e+00> : vector<2000x64xf32>
    %dot_general3A_49 = tpu.matmul %add3A_44, %get3A_47, %dot_general3A_48 {dimension_numbers = #tpu.dot_dimension_numbers<[1], [0], [0], [1], [0, 0, 1, 1], [], []>, transpose_lhs_hint = false} : vector<2000x64xf32>, vector<64x64xf32>, vector<2000x64xf32> -> vector<2000x64xf32>
    %get3A_50 = arith.constant 0 : index
    %get3A_51 = arith.constant 0 : index
    %get3A_52 = vector.load %arg8[%get3A_50, %get3A_51] : memref<1x64xf32, #tpu.memory_space<vmem>>, vector<1x64xf32>
    %add3A_53 = vector.broadcast %get3A_52 : vector<1x64xf32> to vector<2000x64xf32>
    %add3A_54 = arith.addf %dot_general3A_49, %add3A_53 : vector<2000x64xf32>
    %slice3A_55 = vector.extract_strided_slice %add3A_54 {offsets = [0, 0], sizes = [1000, 64], strides = [1, 1]} : vector<2000x64xf32> to vector<1000x64xf32>
    %slice3A_56 = vector.extract_strided_slice %add3A_54 {offsets = [1000, 0], sizes = [1000, 64], strides = [1, 1]} : vector<2000x64xf32> to vector<1000x64xf32>
    %concatenate3A = tpu.concatenate %slice3A_55, %slice3A_56 in 1 : vector<1000x64xf32>, vector<1000x64xf32> -> vector<1000x128xf32>
    %swap3A = arith.constant 0 : index
    %swap3A_57 = arith.constant 0 : index
    %swap3A_58 = vector.load %arg9[%swap3A, %swap3A_57] : memref<1000x128xf32, #tpu.memory_space<vmem>>, vector<1000x128xf32>
    tpu.vector_store %arg9[%swap3A, %swap3A_57], %concatenate3A {strides = array<i32>} : memref<1000x128xf32, #tpu.memory_space<vmem>>, vector<1000x128xf32>,
    return
  }
  func.func @transform_0(%arg0: i32) -> (i32, i32) {
    %c0_i32 = arith.constant 0 : i32
    %c0_i32_0 = arith.constant 0 : i32
    return %arg0, %c0_i32 : i32, i32
  }
  func.func @transform_1(%arg0: i32) -> (i32, i32) {
    %add3A = arith.constant 0 : i32
    %add3A_0 = arith.addi %arg0, %add3A : i32
    %c0_i32 = arith.constant 0 : i32
    %c0_i32_1 = arith.constant 0 : i32
    return %add3A_0, %c0_i32 : i32, i32
  }
  func.func @transform_2(%arg0: i32) -> (i32, i32) {
    %c0_i32 = arith.constant 0 : i32
    %c0_i32_0 = arith.constant 0 : i32
    %c0_i32_1 = arith.constant 0 : i32
    return %c0_i32, %c0_i32_0 : i32, i32
  }
  func.func @transform_3(%arg0: i32) -> (i32, i32) {
    %c0_i32 = arith.constant 0 : i32
    %c0_i32_0 = arith.constant 0 : i32
    %c0_i32_1 = arith.constant 0 : i32
    return %c0_i32, %c0_i32_0 : i32, i32
  }
  func.func @transform_4(%arg0: i32) -> (i32, i32) {
    %c0_i32 = arith.constant 0 : i32
    %c0_i32_0 = arith.constant 0 : i32
    %c0_i32_1 = arith.constant 0 : i32
    return %c0_i32, %c0_i32_0 : i32, i32
  }
  func.func @transform_5(%arg0: i32) -> (i32, i32) {
    %c0_i32 = arith.constant 0 : i32
    %c0_i32_0 = arith.constant 0 : i32
    %c0_i32_1 = arith.constant 0 : i32
    return %c0_i32, %c0_i32_0 : i32, i32
  }
  func.func @transform_6(%arg0: i32) -> (i32, i32) {
    %c0_i32 = arith.constant 0 : i32
    %c0_i32_0 = arith.constant 0 : i32
    %c0_i32_1 = arith.constant 0 : i32
    return %c0_i32, %c0_i32_0 : i32, i32
  }
  func.func @transform_7(%arg0: i32) -> (i32, i32) {
    %c0_i32 = arith.constant 0 : i32
    %c0_i32_0 = arith.constant 0 : i32
    %c0_i32_1 = arith.constant 0 : i32
    return %c0_i32, %c0_i32_0 : i32, i32
  }
  func.func @transform_8(%arg0: i32) -> (i32, i32) {
    %c0_i32 = arith.constant 0 : i32
    %c0_i32_0 = arith.constant 0 : i32
    return %arg0, %c0_i32 : i32, i32
  }
}

module attributes {stable_mosaic.version = 14 : i64} {
  func.func @body(%arg0: i32, %arg1: memref<1000x128xf32, #tpu.memory_space<vmem>>, %arg2: memref<1000x64xf32, #tpu.memory_space<vmem>>, %arg3: memref<1000x64xf32, #tpu.memory_space<vmem>>, %arg4: memref<1000x64xf32, #tpu.memory_space<vmem>>, %arg5: memref<1000x64xf32, #tpu.memory_space<vmem>>, %arg6: memref<1000x16xf32, #tpu.memory_space<vmem>>, %arg7: memref<1000x16xf32, #tpu.memory_space<vmem>>, %arg8: memref<1000x16xf32, #tpu.memory_space<vmem>>, %arg9: memref<1000x16xf32, #tpu.memory_space<vmem>>, %arg10: memref<128x64xf32, #tpu.memory_space<vmem>>, %arg11: memref<64x64xf32, #tpu.memory_space<vmem>>, %arg12: memref<1x64xf32, #tpu.memory_space<vmem>>, %arg13: memref<1x64xf32, #tpu.memory_space<vmem>>, %arg14: memref<1x64xf32, #tpu.memory_space<vmem>>, %arg15: memref<64x128xf32, #tpu.memory_space<vmem>>, %arg16: memref<1x128xf32, #tpu.memory_space<vmem>>, %arg17: memref<1000x128xf32, #tpu.memory_space<vmem>>) attributes {dimension_semantics = [#tpu.dimension_semantics<arbitrary>], iteration_bounds = array<i64: 10>, scalar_prefetch = 0 : i64, scratch_operands = 0 : i64, tpu.core_type = #tpu.core_type<tc>, window_params = [{transform_indices = @transform_0, window_bounds = array<i64: 1000, 128>}, {transform_indices = @transform_1, window_bounds = array<i64: 1000, 64>}, {transform_indices = @transform_2, window_bounds = array<i64: 1000, 64>}, {transform_indices = @transform_3, window_bounds = array<i64: 1000, 64>}, {transform_indices = @transform_4, window_bounds = array<i64: 1000, 64>}, {transform_indices = @transform_5, window_bounds = array<i64: 1000, 16>}, {transform_indices = @transform_6, window_bounds = array<i64: 1000, 16>}, {transform_indices = @transform_7, window_bounds = array<i64: 1000, 16>}, {transform_indices = @transform_8, window_bounds = array<i64: 1000, 16>}, {pipeline_mode = #tpu.pipeline_mode<synchronous>, transform_indices = @transform_9, window_bounds = array<i64: 128, 64>}, {pipeline_mode = #tpu.pipeline_mode<synchronous>, transform_indices = @transform_10, window_bounds = array<i64: 64, 64>}, {pipeline_mode = #tpu.pipeline_mode<synchronous>, transform_indices = @transform_11, window_bounds = array<i64: 1, 64>}, {pipeline_mode = #tpu.pipeline_mode<synchronous>, transform_indices = @transform_12, window_bounds = array<i64: 1, 64>}, {pipeline_mode = #tpu.pipeline_mode<synchronous>, transform_indices = @transform_13, window_bounds = array<i64: 1, 64>}, {pipeline_mode = #tpu.pipeline_mode<synchronous>, transform_indices = @transform_14, window_bounds = array<i64: 64, 128>}, {pipeline_mode = #tpu.pipeline_mode<synchronous>, transform_indices = @transform_15, window_bounds = array<i64: 1, 128>}, {transform_indices = @transform_16, window_bounds = array<i64: 1000, 128>}]} {
    %get3A = arith.constant 0 : index
    %get3A_0 = arith.constant 0 : index
    %get3A_1 = vector.load %arg6[%get3A, %get3A_0] : memref<1000x16xf32, #tpu.memory_space<vmem>>, vector<1000x16xf32>
    %slice3A = vector.extract_strided_slice %get3A_1 {offsets = [0, 0], sizes = [1000, 1], strides = [1, 1]} : vector<1000x16xf32> to vector<1000x1xf32>
    %get3A_2 = arith.constant 0 : index
    %get3A_3 = arith.constant 0 : index
    %get3A_4 = vector.load %arg7[%get3A_2, %get3A_3] : memref<1000x16xf32, #tpu.memory_space<vmem>>, vector<1000x16xf32>
    %slice3A_5 = vector.extract_strided_slice %get3A_4 {offsets = [0, 0], sizes = [1000, 1], strides = [1, 1]} : vector<1000x16xf32> to vector<1000x1xf32>
    %add3A = arith.addf %slice3A, %slice3A_5 : vector<1000x1xf32>
    %get3A_6 = arith.constant 0 : index
    %get3A_7 = arith.constant 0 : index
    %get3A_8 = vector.load %arg8[%get3A_6, %get3A_7] : memref<1000x16xf32, #tpu.memory_space<vmem>>, vector<1000x16xf32>
    %slice3A_9 = vector.extract_strided_slice %get3A_8 {offsets = [0, 0], sizes = [1000, 1], strides = [1, 1]} : vector<1000x16xf32> to vector<1000x1xf32>
    %add3A_10 = arith.addf %add3A, %slice3A_9 : vector<1000x1xf32>
    %get3A_11 = arith.constant 0 : index
    %get3A_12 = arith.constant 0 : index
    %get3A_13 = vector.load %arg9[%get3A_11, %get3A_12] : memref<1000x16xf32, #tpu.memory_space<vmem>>, vector<1000x16xf32>
    %slice3A_14 = vector.extract_strided_slice %get3A_13 {offsets = [0, 0], sizes = [1000, 1], strides = [1, 1]} : vector<1000x16xf32> to vector<1000x1xf32>
    %add3A_15 = arith.addf %add3A_10, %slice3A_14 : vector<1000x1xf32>
    %get3A_16 = arith.constant 0 : index
    %get3A_17 = arith.constant 0 : index
    %get3A_18 = vector.load %arg2[%get3A_16, %get3A_17] : memref<1000x64xf32, #tpu.memory_space<vmem>>, vector<1000x64xf32>
    %get3A_19 = arith.constant 0 : index
    %get3A_20 = arith.constant 0 : index
    %get3A_21 = vector.load %arg3[%get3A_19, %get3A_20] : memref<1000x64xf32, #tpu.memory_space<vmem>>, vector<1000x64xf32>
    %add3A_22 = arith.addf %get3A_18, %get3A_21 : vector<1000x64xf32>
    %get3A_23 = arith.constant 0 : index
    %get3A_24 = arith.constant 0 : index
    %get3A_25 = vector.load %arg4[%get3A_23, %get3A_24] : memref<1000x64xf32, #tpu.memory_space<vmem>>, vector<1000x64xf32>
    %add3A_26 = arith.addf %add3A_22, %get3A_25 : vector<1000x64xf32>
    %get3A_27 = arith.constant 0 : index
    %get3A_28 = arith.constant 0 : index
    %get3A_29 = vector.load %arg5[%get3A_27, %get3A_28] : memref<1000x64xf32, #tpu.memory_space<vmem>>, vector<1000x64xf32>
    %add3A_30 = arith.addf %add3A_26, %get3A_29 : vector<1000x64xf32>
    %max3A = arith.constant 1.000000e+00 : f32
    %max3A_31 = vector.broadcast %max3A : f32 to vector<1000x1xf32>
    %max3A_32 = arith.maximumf %add3A_15, %max3A_31 : vector<1000x1xf32>
    %div3A = vector.broadcast %max3A_32 : vector<1000x1xf32> to vector<1000x64xf32>
    %div3A_33 = arith.divf %add3A_30, %div3A : vector<1000x64xf32>
    %get3A_34 = arith.constant 0 : index
    %get3A_35 = arith.constant 0 : index
    %get3A_36 = vector.load %arg1[%get3A_34, %get3A_35] : memref<1000x128xf32, #tpu.memory_space<vmem>>, vector<1000x128xf32>
    %get3A_37 = arith.constant 0 : index
    %get3A_38 = arith.constant 0 : index
    %get3A_39 = vector.load %arg10[%get3A_37, %get3A_38] : memref<128x64xf32, #tpu.memory_space<vmem>>, vector<128x64xf32>
    %dot_general3A = arith.constant dense<0.000000e+00> : vector<1000x64xf32>
    %dot_general3A_40 = tpu.matmul %get3A_36, %get3A_39, %dot_general3A {dimension_numbers = #tpu.dot_dimension_numbers<[1], [0], [0], [1], [0, 0, 1, 1], [], []>, transpose_lhs_hint = false} : vector<1000x128xf32>, vector<128x64xf32>, vector<1000x64xf32> -> vector<1000x64xf32>
    %get3A_41 = arith.constant 0 : index
    %get3A_42 = arith.constant 0 : index
    %get3A_43 = vector.load %arg11[%get3A_41, %get3A_42] : memref<64x64xf32, #tpu.memory_space<vmem>>, vector<64x64xf32>
    %dot_general3A_44 = arith.constant dense<0.000000e+00> : vector<1000x64xf32>
    %dot_general3A_45 = tpu.matmul %div3A_33, %get3A_43, %dot_general3A_44 {dimension_numbers = #tpu.dot_dimension_numbers<[1], [0], [0], [1], [0, 0, 1, 1], [], []>, transpose_lhs_hint = false} : vector<1000x64xf32>, vector<64x64xf32>, vector<1000x64xf32> -> vector<1000x64xf32>
    %add3A_46 = arith.addf %dot_general3A_40, %dot_general3A_45 : vector<1000x64xf32>
    %get3A_47 = arith.constant 0 : index
    %get3A_48 = arith.constant 0 : index
    %get3A_49 = vector.load %arg12[%get3A_47, %get3A_48] : memref<1x64xf32, #tpu.memory_space<vmem>>, vector<1x64xf32>
    %add3A_50 = vector.broadcast %get3A_49 : vector<1x64xf32> to vector<1000x64xf32>
    %add3A_51 = arith.addf %add3A_46, %add3A_50 : vector<1000x64xf32>
    %max3A_52 = arith.constant 0.000000e+00 : f32
    %max3A_53 = vector.broadcast %max3A_52 : f32 to vector<1000x64xf32>
    %max3A_54 = arith.maximumf %add3A_51, %max3A_53 : vector<1000x64xf32>
    %reduce_sum3A = arith.constant dense<0.000000e+00> : vector<1000xf32>
    %reduce_sum3A_55 = vector.multi_reduction <add>, %max3A_54, %reduce_sum3A [1] : vector<1000x64xf32> to vector<1000xf32>
    %broadcast_in_dim3A = vector.shape_cast %reduce_sum3A_55 : vector<1000xf32> to vector<1000x1xf32>
    %div3A_56 = arith.constant 6.400000e+01 : f32
    %div3A_57 = vector.broadcast %div3A_56 : f32 to vector<1000x1xf32>
    %div3A_58 = arith.divf %broadcast_in_dim3A, %div3A_57 : vector<1000x1xf32>
    %sub3A = vector.broadcast %div3A_58 : vector<1000x1xf32> to vector<1000x64xf32>
    %sub3A_59 = arith.subf %max3A_54, %sub3A : vector<1000x64xf32>
    %sub3A_60 = vector.broadcast %div3A_58 : vector<1000x1xf32> to vector<1000x64xf32>
    %sub3A_61 = arith.subf %max3A_54, %sub3A_60 : vector<1000x64xf32>
    %mul3A = arith.mulf %sub3A_59, %sub3A_61 : vector<1000x64xf32>
    %reduce_sum3A_62 = arith.constant dense<0.000000e+00> : vector<1000xf32>
    %reduce_sum3A_63 = vector.multi_reduction <add>, %mul3A, %reduce_sum3A_62 [1] : vector<1000x64xf32> to vector<1000xf32>
    %broadcast_in_dim3A_64 = vector.shape_cast %reduce_sum3A_63 : vector<1000xf32> to vector<1000x1xf32>
    %div3A_65 = arith.constant 6.400000e+01 : f32
    %div3A_66 = vector.broadcast %div3A_65 : f32 to vector<1000x1xf32>
    %div3A_67 = arith.divf %broadcast_in_dim3A_64, %div3A_66 : vector<1000x1xf32>
    %sub3A_68 = vector.broadcast %div3A_58 : vector<1000x1xf32> to vector<1000x64xf32>
    %sub3A_69 = arith.subf %max3A_54, %sub3A_68 : vector<1000x64xf32>
    %add3A_70 = arith.constant 9.99999974E-6 : f32
    %add3A_71 = vector.broadcast %add3A_70 : f32 to vector<1000x1xf32>
    %add3A_72 = arith.addf %div3A_67, %add3A_71 : vector<1000x1xf32>
    %rsqrt3A = math.rsqrt %add3A_72 : vector<1000x1xf32>
    %mul3A_73 = vector.broadcast %rsqrt3A : vector<1000x1xf32> to vector<1000x64xf32>
    %mul3A_74 = arith.mulf %sub3A_69, %mul3A_73 : vector<1000x64xf32>
    %get3A_75 = arith.constant 0 : index
    %get3A_76 = arith.constant 0 : index
    %get3A_77 = vector.load %arg13[%get3A_75, %get3A_76] : memref<1x64xf32, #tpu.memory_space<vmem>>, vector<1x64xf32>
    %mul3A_78 = vector.broadcast %get3A_77 : vector<1x64xf32> to vector<1000x64xf32>
    %mul3A_79 = arith.mulf %mul3A_74, %mul3A_78 : vector<1000x64xf32>
    %get3A_80 = arith.constant 0 : index
    %get3A_81 = arith.constant 0 : index
    %get3A_82 = vector.load %arg14[%get3A_80, %get3A_81] : memref<1x64xf32, #tpu.memory_space<vmem>>, vector<1x64xf32>
    %add3A_83 = vector.broadcast %get3A_82 : vector<1x64xf32> to vector<1000x64xf32>
    %add3A_84 = arith.addf %mul3A_79, %add3A_83 : vector<1000x64xf32>
    %get3A_85 = arith.constant 0 : index
    %get3A_86 = arith.constant 0 : index
    %get3A_87 = vector.load %arg15[%get3A_85, %get3A_86] : memref<64x128xf32, #tpu.memory_space<vmem>>, vector<64x128xf32>
    %dot_general3A_88 = arith.constant dense<0.000000e+00> : vector<1000x128xf32>
    %dot_general3A_89 = tpu.matmul %add3A_84, %get3A_87, %dot_general3A_88 {dimension_numbers = #tpu.dot_dimension_numbers<[1], [0], [0], [1], [0, 0, 1, 1], [], []>, transpose_lhs_hint = false} : vector<1000x64xf32>, vector<64x128xf32>, vector<1000x128xf32> -> vector<1000x128xf32>
    %get3A_90 = arith.constant 0 : index
    %get3A_91 = arith.constant 0 : index
    %get3A_92 = vector.load %arg16[%get3A_90, %get3A_91] : memref<1x128xf32, #tpu.memory_space<vmem>>, vector<1x128xf32>
    %add3A_93 = vector.broadcast %get3A_92 : vector<1x128xf32> to vector<1000x128xf32>
    %add3A_94 = arith.addf %dot_general3A_89, %add3A_93 : vector<1000x128xf32>
    %swap3A = arith.constant 0 : index
    %swap3A_95 = arith.constant 0 : index
    %swap3A_96 = vector.load %arg17[%swap3A, %swap3A_95] : memref<1000x128xf32, #tpu.memory_space<vmem>>, vector<1000x128xf32>
    tpu.vector_store %arg17[%swap3A, %swap3A_95], %add3A_94 {strides = array<i32>} : memref<1000x128xf32, #tpu.memory_space<vmem>>, vector<1000x128xf32>,
    return
  }
  func.func @transform_0(%arg0: i32) -> (i32, i32) {
    %c0_i32 = arith.constant 0 : i32
    %c0_i32_0 = arith.constant 0 : i32
    return %arg0, %c0_i32 : i32, i32
  }
  func.func @transform_1(%arg0: i32) -> (i32, i32) {
    %c0_i32 = arith.constant 0 : i32
    %c0_i32_0 = arith.constant 0 : i32
    return %arg0, %c0_i32 : i32, i32
  }
  func.func @transform_2(%arg0: i32) -> (i32, i32) {
    %c0_i32 = arith.constant 0 : i32
    %c0_i32_0 = arith.constant 0 : i32
    return %arg0, %c0_i32 : i32, i32
  }
  func.func @transform_3(%arg0: i32) -> (i32, i32) {
    %c0_i32 = arith.constant 0 : i32
    %c0_i32_0 = arith.constant 0 : i32
    return %arg0, %c0_i32 : i32, i32
  }
  func.func @transform_4(%arg0: i32) -> (i32, i32) {
    %c0_i32 = arith.constant 0 : i32
    %c0_i32_0 = arith.constant 0 : i32
    return %arg0, %c0_i32 : i32, i32
  }
  func.func @transform_5(%arg0: i32) -> (i32, i32) {
    %c0_i32 = arith.constant 0 : i32
    %c0_i32_0 = arith.constant 0 : i32
    return %arg0, %c0_i32 : i32, i32
  }
  func.func @transform_6(%arg0: i32) -> (i32, i32) {
    %c0_i32 = arith.constant 0 : i32
    %c0_i32_0 = arith.constant 0 : i32
    return %arg0, %c0_i32 : i32, i32
  }
  func.func @transform_7(%arg0: i32) -> (i32, i32) {
    %c0_i32 = arith.constant 0 : i32
    %c0_i32_0 = arith.constant 0 : i32
    return %arg0, %c0_i32 : i32, i32
  }
  func.func @transform_8(%arg0: i32) -> (i32, i32) {
    %c0_i32 = arith.constant 0 : i32
    %c0_i32_0 = arith.constant 0 : i32
    return %arg0, %c0_i32 : i32, i32
  }
  func.func @transform_9(%arg0: i32) -> (i32, i32) {
    %c0_i32 = arith.constant 0 : i32
    %c0_i32_0 = arith.constant 0 : i32
    %c0_i32_1 = arith.constant 0 : i32
    return %c0_i32, %c0_i32_0 : i32, i32
  }
  func.func @transform_10(%arg0: i32) -> (i32, i32) {
    %c0_i32 = arith.constant 0 : i32
    %c0_i32_0 = arith.constant 0 : i32
    %c0_i32_1 = arith.constant 0 : i32
    return %c0_i32, %c0_i32_0 : i32, i32
  }
  func.func @transform_11(%arg0: i32) -> (i32, i32) {
    %c0_i32 = arith.constant 0 : i32
    %c0_i32_0 = arith.constant 0 : i32
    %c0_i32_1 = arith.constant 0 : i32
    return %c0_i32, %c0_i32_0 : i32, i32
  }
  func.func @transform_12(%arg0: i32) -> (i32, i32) {
    %c0_i32 = arith.constant 0 : i32
    %c0_i32_0 = arith.constant 0 : i32
    %c0_i32_1 = arith.constant 0 : i32
    return %c0_i32, %c0_i32_0 : i32, i32
  }
  func.func @transform_13(%arg0: i32) -> (i32, i32) {
    %c0_i32 = arith.constant 0 : i32
    %c0_i32_0 = arith.constant 0 : i32
    %c0_i32_1 = arith.constant 0 : i32
    return %c0_i32, %c0_i32_0 : i32, i32
  }
  func.func @transform_14(%arg0: i32) -> (i32, i32) {
    %c0_i32 = arith.constant 0 : i32
    %c0_i32_0 = arith.constant 0 : i32
    %c0_i32_1 = arith.constant 0 : i32
    return %c0_i32, %c0_i32_0 : i32, i32
  }
  func.func @transform_15(%arg0: i32) -> (i32, i32) {
    %c0_i32 = arith.constant 0 : i32
    %c0_i32_0 = arith.constant 0 : i32
    %c0_i32_1 = arith.constant 0 : i32
    return %c0_i32, %c0_i32_0 : i32, i32
  }
  func.func @transform_16(%arg0: i32) -> (i32, i32) {
    %c0_i32 = arith.constant 0 : i32
    %c0_i32_0 = arith.constant 0 : i32
    return %arg0, %c0_i32 : i32, i32
  }
}

</mosaic_0001>

<sc_bundles>
// kernel: kernel.10.cloned.1.call-start
scs
__scs_entry_jumppad:
0x0: {  	(pc) =	sbr.rel $0x88, $3  }
0x1: {  	(tag) =	ssettag $0x0;
	lr =	simm.s32 $0x1  }
0x2: {  	[smem:$0x3F92] =	sst lr;
	_ =	strace $0xD0000000  }
0x3: {  	_ = 	snop  }
0x4: {  	_ = 	snop  }
0x5: {  	_ = 	snop  }
0x6: {  	_ = 	snop  }
0x7: {  	_ = 	snop  }
__scs_overlays_trampoline_lowered:
0x8: {  	[smem:$0x3FA1] =	sst s0  }
0x9: {  	[smem:$0x3FA2] =	sst s1  }
0xa: {  	[smem:$0x3FA3] =	sst s2  }
0xb: {  	[smem:$0x3FA4] =	sst s3  }
0xc: {  	[smem:$0x3FA5] =	sst s4  }
0xd: {  	[smem:$0x3FA6] =	sst s5  }
0xe: {  	[smem:$0x3FA7] =	sst s6  }
0xf: {  	[smem:$0x3FA8] =	sst s7  }
0x10: {  	[smem:$0x3FA9] =	sst s8  }
0x11: {  	[smem:$0x3FAA] =	sst s9;
	s0 =	simm.s32 @!p0 $0x0  }
0x12: {  	s1 =	sld [smem:$0x3F90];
	s0 =	simm.s32 @p0 $0x1  }
0x13: {  	[smem:$0x3FAB] =	sst s0;
	s0 =	simm.s32 @!p1 $0x0  }
0x14: {  	s2 =	sld [smem:$0x3F8F];
	s0 =	simm.s32 @p1 $0x1  }
0x15: {  	[smem:$0x3FAC] =	sst s0;
	s0 =	simm.s32 @!p2 $0x0  }
0x16: {  	s3 =	sld [smem:$0x3FDB];
	s0 =	simm.s32 @p2 $0x1  }
0x17: {  	s4 =	simm.s32 $0x1BF5;
	[smem:$0x3FAE] =	sst s0  }
0x18: {  	s0 =	sld [smem:$0x3F91];
	_ =	swait.ge [sflag:s4], $0x0  }
0x19: {  	s7 =	sld [smem:$0x3F92]  }
0x1a: {  	s8 =	sadd.s32 $0xFFFFE003, lr  }
0x1b: {  	s9 =	sadd.s32 $0xFFFFFEF7, lr;
	s5 =	simm.s32 $0xFFFFFFFF;
	p2 =	slt.u32 s8, $0xFFFFF086  }
0x1c: {  	p1 =	slt.u32 s9, $0xF7A;
	s5 =	simm.s32 @!p2 $0x0  }
0x1d: {  	s5 =	simm.s32 @p1 $0x1;
	p0 =	seq.s32 s7, s2  }
0x1e: {  	s7 =	smul.u32 @!p0 $0xF7A, s2;
	p2 =	seq.s32 @!p0 s5, $0x0  }
0x1f: {  	s9 =	smul.u32 $0xF7A, s1;
	s8 =	simm.s32 @!p0 $0x1BF5;
	p2 =	por !p2, p0  }
0x20: {  	[sflag:s8] =	ssyncset.s32 @!p0 $0xFFFFF086;
	s6 =	sadd.s32 @!p0 s3, s7;
	s7 =	simm.s32 @!p0 $0x108  }
0x21: {  	s3 =	sadd.s32 s3, s9;
	s6 =	sadd.s32 @!p0 $0x88, s6;
	s7 =	simm.s32 @p2 $0x1082  }
0x22: {  	[simem:s7], [sflag:s8] =	dma.local @!p0 [hbm:s6], $0xF7A  }
0x23: {  	s9 =	sor.u32 $0xD0000000, s2;
	s6 =	simm.s32 $0x108;
	_ =	swait.ge @!p0 [sflag:s8], $0x0  }
0x24: {  	s3 =	sadd.s32 $0x88, s3;
	s6 =	simm.s32 @!p1 $0x1082;
	[sflag:s4] =	ssyncset.s32 $0xFFFFF086  }
0x25: {  	[simem:s6], [sflag:s4] =	dma.local [hbm:s3], $0xF7A  }
0x26: {  	[smem:$0x3F92] =	sst s1;
	(tag) =	ssettag s2;
	_ =	strace s9  }
0x27: {  	s1 =	sld [smem:$0x3FA2]  }
0x28: {  	s2 =	sld [smem:$0x3FA3]  }
0x29: {  	s4 =	sld [smem:$0x3FA5]  }
0x2a: {  	p0 =	seq.s32 s5, $0x0;
	s5 =	sld [smem:$0x3FA6]  }
0x2b: {  	s6 =	sld [smem:$0x3FA7]  }
0x2c: {  	s7 =	sld [smem:$0x3FA8]  }
0x2d: {  	s3 =	simm.s32 $0x108;
	s8 =	sld [smem:$0x3FA9]  }
0x2e: {  	s3 =	simm.s32 @!p0 $0x1082;
	s9 =	sld [smem:$0x3FAA]  }
0x2f: {  	lr =	sadd.s32 s0, s3;
	s0 =	sld [smem:$0x3FA1]  }
0x30: {  	s3 =	sld [smem:$0x3FA4]  }
0x31: {  	[smem:$0x3FAD] =	sst s10  }
0x32: {  	s10 =	sld [smem:$0x3FAB];
	_ =	sdelay $0x3  }
0x33: {  	p0 =	seq.s32 s10, $0x1;
	s10 =	sld [smem:$0x3FAD];
	_ =	sdelay $0x3  }
0x34: {  	[smem:$0x3FAD] =	sst s10  }
0x35: {  	s10 =	sld [smem:$0x3FAC];
	_ =	sdelay $0x3  }
0x36: {  	p1 =	seq.s32 s10, $0x1;
	s10 =	sld [smem:$0x3FAD];
	_ =	sdelay $0x3  }
0x37: {  	[smem:$0x3FAD] =	sst s10  }
0x38: {  	s10 =	sld [smem:$0x3FAE]  }
0x39: {  	_ = 	snop;
	(pc) =	sbr.ind lr, $3  }
0x3a: {  	_ = 	snop  }
0x3b: {  	_ = 	snop  }
0x3c: {  	p2 =	seq.s32 s10, $0x1;
	s10 =	sld [smem:$0x3FAD]  }
0x3d: {  	_ =	shalt  }
0x3e: {  	_ =	shalt  }
0x3f: {  	_ =	shalt  }
0x40: {  	_ =	shalt  }
0x41: {  	_ =	shalt  }
0x42: {  	_ =	shalt  }
0x43: {  	_ =	shalt  }
0x44: {  	_ =	shalt  }
0x45: {  	_ =	shalt  }
0x46: {  	_ =	shalt  }
0x47: {  	_ =	shalt  }
0x48: {  	_ =	shalt  }
0x49: {  	_ =	shalt  }
0x4a: {  	_ =	shalt  }
0x4b: {  	_ =	shalt  }
0x4c: {  	_ =	shalt  }
0x4d: {  	_ =	shalt  }
0x4e: {  	_ =	shalt  }
0x4f: {  	_ =	shalt  }
0x50: {  	_ =	shalt  }
0x51: {  	_ =	shalt  }
0x52: {  	_ =	shalt  }
0x53: {  	_ =	shalt  }
0x54: {  	_ =	shalt  }
0x55: {  	_ =	shalt  }
0x56: {  	_ =	shalt  }
0x57: {  	_ =	shalt  }
0x58: {  	_ =	shalt  }
0x59: {  	_ =	shalt  }
0x5a: {  	_ =	shalt  }
0x5b: {  	_ =	shalt  }
0x5c: {  	_ =	shalt  }
0x5d: {  	_ =	shalt  }
0x5e: {  	_ =	shalt  }
0x5f: {  	_ =	shalt  }
0x60: {  	_ =	shalt  }
0x61: {  	_ =	shalt  }
0x62: {  	_ =	shalt  }
0x63: {  	_ =	shalt  }
0x64: {  	_ =	shalt  }
0x65: {  	_ =	shalt  }
0x66: {  	_ =	shalt  }
0x67: {  	_ =	shalt  }
0x68: {  	_ =	shalt  }
0x69: {  	_ =	shalt  }
0x6a: {  	_ =	shalt  }
0x6b: {  	_ =	shalt  }
0x6c: {  	_ =	shalt  }
0x6d: {  	_ =	shalt  }
0x6e: {  	_ =	shalt  }
0x6f: {  	_ =	shalt  }
0x70: {  	_ =	shalt  }
0x71: {  	_ =	shalt  }
0x72: {  	_ =	shalt  }
0x73: {  	_ =	shalt  }
0x74: {  	_ =	shalt  }
0x75: {  	_ =	shalt  }
0x76: {  	_ =	shalt  }
0x77: {  	_ =	shalt  }
0x78: {  	_ =	shalt  }
0x79: {  	_ =	shalt  }
0x7a: {  	_ =	shalt  }
0x7b: {  	_ =	shalt  }
0x7c: {  	_ =	shalt  }
0x7d: {  	_ =	shalt  }
0x7e: {  	_ =	shalt  }
0x7f: {  	_ =	shalt  }
0x80: {  	_ =	shalt  }
0x81: {  	_ =	shalt  }
0x82: {  	_ =	shalt  }
0x83: {  	_ =	shalt  }
0x84: {  	_ =	shalt  }
0x85: {  	_ =	shalt  }
0x86: {  	_ =	shalt  }
0x87: {  	_ =	shalt  }
.Lfunc_end0:
.L_simem_size_0:
called_computation_lowered:
.L_overlay_start_0:
0x88: {  	s2 =	sld [smem:$0x3FD9]  }
0x89: {  	s3 =	sld [smem:$0x3FFE];
	_ =	sdelay $0x1  }
0x8a: {  	s1 =	srdreg.scid  }
0x8b: {  	s0 =	sand.u32 $0x1, s1  }
0x8c: {  	s17 =	sshll.u32 s0, $0xA;
	s2 =	sadd.s32 s3, s2  }
0x8d: {  	s2 =	sadd.s32 s2, s17  }
0x8e: {  	[smem:$0x3FB9] =	sst s2  }
0x8f: {  	_ = 	snop  }
0x90: {  	s18 =	sld [smem:$0x3FD0];
	(tm) =	ssettm $0x1  }
0x91: {  	s19 =	sld [smem:$0x3FFB];
	_ =	sdelay $0x3  }
0x92: {  	_ =	strace s19  }
0x93: {  	s2 =	sld [smem:$0x3FFC];
	_ =	sdelay $0x3  }
0x94: {  	_ =	strace s2  }
0x95: {  	s2 =	sld [smem:$0x3FFD];
	_ =	sdelay $0x3  }
0x96: {  	_ =	strace s2  }
0x97: {  	_ =	strace $0x8FFFFFFF  }
0x98: {  	s20 =	sld [smem:$0x3FDB];
	_ =	sdelay $0x1  }
0x99: {  	s4 =	simm.s32 $_scs_section_size  }
0x9a: {  	s5 =	simm.s32 $_size__tile_overlayer_lowered;
	s6 =	simm.s32 $_tile_overlayer_lowered  }
0x9b: {  	s7 =	simm.s32 $0x1BFF;
	s21 =	sshll.u32 s6, $0x1;
	s4 =	sadd.s32 s4, s20  }
0x9c: {  	s22 =	simm.s32 $0x0;
	s5 =	sshll.u32 s5, $0x1;
	s6 =	sadd.s32 s21, s4  }
0x9d: {  	[timem:s22], [sflag:s7] =	dma.local [hbm:s6], s5  }
0x9e: {  	_ =	swait.ge [sflag:s7], s5  }
0x9f: {  	s5 =	ssub.s32 $0x0, s5;
	[sflag:s7] =	ssyncset.done $0x0  }
0xa0: {  	[sflag:s7] =	ssyncadd.s32 s5;
	_ =	sdelay $0x1  }
0xa1: {  	s23 =	simm.s32 $0x1B8B  }
0xa2: {  	_ =	swait.ge [sflag:s23], $0x1  }
0xa3: {  	[sflag:s23] =	ssyncset.done $0x0  }
0xa4: {  	[sflag:s23] =	ssyncadd.s32 $0xFFFFFFFF  }
0xa5: {  	s5 =	sld [smem:$0x0]  }
0xa6: {  	s6 =	sand.u32 $0xFFFFFFFE, s1  }
0xa7: {  	p0 =	sne.s32 s1, s6  }
0xa8: {  	s6 =	sshll.u32 @p0 s6, $0xE  }
0xa9: {  	s6 =	sadd.s32 @p0 $0x11B8D, s6;
	s7 =	sshll.u32 @p0 s5, $0x11  }
0xaa: {  	s6 =	sor.u32 @p0 s7, s6  }
0xab: {  	[sflag:s6] =	ssyncadd.remote.s32 @p0 $0x1;
	_ =	sdelay $0x1  }
0xac: {  	s6 =	simm.s32 @p0 $0x1B8D  }
0xad: {  	_ =	swait.eq @p0 [sflag:s6], $0x1  }
0xae: {  	[sflag:s6] =	ssyncadd.s32 @p0 $0xFFFFFFFF  }
0xaf: {  	s7 =	sshll.u32 @!p0 s1, $0xE  }
0xb0: {  	s7 =	sor.u32 @!p0 $0x4000, s7;
	s6 =	simm.s32 @!p0 $0x1B8D  }
0xb1: {  	s5 =	sshll.u32 @!p0 s5, $0x11;
	s7 =	sadd.s32 @!p0 $0x11B8D, s7;
	_ =	swait.eq @!p0 [sflag:s6], $0x1  }
0xb2: {  	s5 =	sor.u32 @!p0 s5, s7;
	[sflag:s6] =	ssyncadd.s32 @!p0 $0xFFFFFFFF  }
0xb3: {  	s25 =	simm.s32 $0x1B8E;
	s24 =	sld [smem:$0x3FFE];
	[sflag:s5] =	ssyncadd.remote.s32 @!p0 $0x1  }
0xb4: {  	s26 =	simm.s32 $execute0_lowered;
	[smem:$0x3FD2] =	sst s25  }
0xb5: {  	s6 =	sshll.u32 s26, $0x1;
	_ =	strace $0x80000049;
	[dreg:$0x1] =	wrdreg $0xFFFFFFFF  }
0xb6: {  	s28 =	simm.s32 $_size_execute0_lowered;
	s4 =	sadd.s32 s4, s6;
	[dreg:$0x0] =	wrdreg $0x0  }
0xb7: {  	s6 =	sshll.u32 s28, $0x1;
	[dreg:$0x2] =	wrdreg s4  }
0xb8: {  	[dreg:$0x3] =	wrdreg s6  }
0xb9: {  	[dreg:$0x4] =	wrdreg $0xC0  }
0xba: {  	_ =	task [dreg:s22], $0x5FFFF  }
0xbb: {  	[dreg:$0x1] =	wrdreg $0xFFFFFFFF  }
0xbc: {  	[dreg:$0x0] =	wrdreg $0x60  }
0xbd: {  	[dreg:$0x2] =	wrdreg s18  }
0xbe: {  	[dreg:$0x3] =	wrdreg s24  }
0xbf: {  	[dreg:$0x4] =	wrdreg $0x7B600  }
0xc0: {  	[dreg:$0x5] =	wrdreg $0x9  }
0xc1: {  	_ =	task.clear_ibuf [dreg:s22], $0x6FFFF;
	_ =	strace $0x90000049  }
0xc2: {  	s29 =	simm.s32 $0x9;
	_ =	strace $0x8000004B  }
0xc3: {  	_ =	swait.ge [sflag:s29], $0x1  }
0xc4: {  	[sflag:s29] =	ssyncadd.s32 $0xFFFFFFFF  }
0xc5: {  	_ =	strace $0x9000004B  }
0xc6: {  	_ =	sfence  }
0xc7: {  	s30 =	sld [smem:$0x0];
	_ =	sdelay $0x2  }
0xc8: {  	s31 =	sshll.u32 s1, $0xD;
	s1 =	sshrl.u32 s1, $0x2  }
0xc9: {  	s4 =	sand.u32 $0x4000, s31;
	s1 =	sadd.s32 s1, s30  }
0xca: {  	s0 =	sor.u32 s4, s0;
	s1 =	sshll.u32 s1, $0x11  }
0xcb: {  	s0 =	sor.u32 s1, s0  }
0xcc: {  	s0 =	sadd.s32 $0x8F2B, s0  }
0xcd: {  	[sflag:s0] =	ssyncadd.remote.s32 $0x1  }
0xce: {  	_ =	sfence.sel $0xFFFF  }
0xcf: {  	[dreg:$0x0] =	wrdreg $0xFFFFFFFF;
	(pc) =	sbr.abs _section_cstart, $3  }
0xd0: {  	[dreg:$0x1] =	wrdreg $0xFFFFFFFF  }
0xd1: {  	_ =	task.clear_ibuf [dreg:s22], $0x2FFFF;
	_ =	strace $0x9FFFFFFF  }
0xd2: {  	(tm) =	ssettm $0x7FFFFFFF  }
0xd3: {  	_ =	shalt  }
tec
execute0_lowered:
.L_overlay_start_1:
0x0: {  	(tag) =	ssettag $0x1  }
0x1: {  	s1 =	rddreg [dreg:$0x0];
	s2 =	srdreg.scid  }
0x2: {  	s0 =	stileid.u32;
	s6 =	rddreg [dreg:$0x1]  }
0x3: {  	s3 =	rddreg [dreg:$0x2];
	s5 =	simm.s32 $0x0;
	s8 =	smul.u32 $0xA00, s0  }
0x4: {  	s17 =	simm.s32 $0x0;
	s9 =	sand.u32 $0x1, s2;
	s11 =	smul.u32 $0x4E0, s0  }
0x5: {  	s23 =	sshll.u32 s0, $0x1;
	s2 =	rddreg [dreg:$0x3];
	s25 =	smul.u32 $0x9C00, s0  }
0x6: {  	[smem:$0x7FF] =	sst s5;
	s12 =	sadd.s32 $0x509800, s6;
	s14 =	smul.u32 $0x4E20, s9  }
0x7: {  	p0 =	sne.s32 s0, $0xF;
	s4 =	sor.u32 s9, s23;
	s16 =	smul.u32 $0x27100, s9  }
0x8: {  	_ =	strace $0x8000004A;
	s24 =	ssub.s32 $0x2, s9;
	s30 =	smul.u32 $0x500, s9  }
0x9: {  	s7 =	smul.u32 $0x276, s4;
	s13 =	sadd.s32 s8, s6;
	s26 =	sshrl.u32 s24, $0x1  }
0xa: {  	s28 =	sshrl.u32 s25, $0x2;
	s15 =	ssub.s32 s24, s26;
	s11 =	sadd.s32 s11, s14  }
0xb: {  	s29 =	sshrl.u32 s16, $0x3;
	s13 =	sadd.s32 s30, s13;
	s14 =	simm.s32 $0x5460  }
0xc: {  	s16 =	simm.s32 $0x13B0;
	s10 =	sadd.s32 s7, s6;
	s6 =	sadd.s32 s28, s3  }
0xd: {  	s7 =	sadd.s32 $0x27000, s3;
	s31 =	sadd.s32 s12, s29;
	s13 =	sadd.s32 $0x298800, s13  }
0xe: {  	s8 =	sadd.s32 $0x293800, s10;
	s9 =	sadd.s32 $0x28E800, s10;
	s10 =	sadd.s32 s12, s11  }
0xf: {  	v0 =	vimm.f32 $0.0e+00;
	v1 =	vimm.f32 $1.000000000e+00;
	s11 =	sadd.s32 $0x4E00, s31;
	s12 =	smax.u32 s15, $0x1;
	s15 =	simm.s32 $0x2  }
.LBB2_1:
0x10: {  	s18 =	simm.s32 $0x0  }
.LBB2_2:
0x11: {  	p1 =	sne.s32 s18, $0x9BC0  }
.Ltmp0:
0x12: {  	_ = 	snop;
	(pc) =	sbr.rel @p1 .LBB2_2-.Ltmp0, $3  }
0x13: {  	_ =	sdelay $0x1  }
0x14: {  	s19 =	sshra.s32 s18, $0x2  }
0x15: {  	s18 =	sadd.s32 $0x40, s18;
	[tilespmem:s19+$0x5460] =	vst v0  }
0x16: {  	s18 =	simm.s32 $0x40;
	s19 =	simm.s32 $0x0  }
.LBB2_4:
0x17: {  	p1 =	sne.s32 s18, $0x13C0;
	[tilespmem:s19+$0x4F60] =	vst v1;
	s19 =	smov.u32 s18;
	s18 =	sadd.s32 $0x40, s18  }
.Ltmp1:
0x18: {  	(pc) =	sbr.rel @p1 .LBB2_4-.Ltmp1, $2  }
0x19: {  	_ =	sdelay $0x2  }
0x1a: {  	s19 =	sshra.s32 s19, $0x2  }
0x1b: {  	[tilespmem:s19+$0x4F60] =	vst v1  }
0x1c: {  	[spmem:s6] =	stream.linear.scatter [tilespmem:s14], [sflag:$0x2], $0x2700, $0x38;
	[tilespmem:$0xA270] =	vst v63  }
0x1d: {  	_ =	swait.ge [sflag:s15], $0x2700  }
0x1e: {  	[sflag:s15] =	ssyncset.done $0x0  }
0x1f: {  	s18 =	simm.s32 @!p0 $0x5460;
	[sflag:s15] =	ssyncadd.s32 $0xFFFFD900  }
0x20: {  	[spmem:s7] =	stream.linear.scatter @!p0 [tilespmem:s18], [sflag:$0x2], $0x100, $0x38;
	[tilespmem:$0xA270] =	vst v63  }
0x21: {  	s18 =	simm.s32 @!p0 $0x2  }
0x22: {  	_ =	swait.ge @!p0 [sflag:s18], $0x100  }
0x23: {  	[sflag:s18] =	ssyncset.done @!p0 $0x0  }
0x24: {  	s31 =	simm.s32 $0x0;
	[sflag:s18] =	ssyncadd.s32 @!p0 $0xFFFFFF00  }
0x25: {  	[tilespmem:s31], [sflag:$0x2] =	stream.linear.gather [hbm4b:s8+s31], $0x13B0, $0x38;
	[tilespmem:$0xA270] =	vst v63  }
0x26: {  	_ =	swait.ge [sflag:s15], $0x13B0  }
0x27: {  	[sflag:s15] =	ssyncset.done $0x0  }
0x28: {  	[sflag:s15] =	ssyncadd.s32 $0xFFFFEC50  }
0x29: {  	[tilespmem:s16], [sflag:$0x2] =	stream.linear.gather [hbm4b:s9+s31], $0x13B0, $0x38;
	[tilespmem:$0xA270] =	vst v63  }
0x2a: {  	_ =	swait.ge [sflag:s15], $0x13B0  }
0x2b: {  	p2 =	sgt.u32 s4, $0x7CF;
	[sflag:s15] =	ssyncset.done $0x0  }
0x2c: {  	s20 =	simm.s32 @!p2 $0x50;
	s19 =	simm.s32 @!p2 $0x2760;
	[sflag:s15] =	ssyncadd.s32 $0xFFFFEC50  }
0x2d: {  	s21 =	simm.s32 @!p2 $0x1;
	s18 =	simm.s32 @!p2 $0x0;
	[bflag:$0x0] =	sbarrier.arrive $0xFFFF  }
0x2e: {  	[tilespmem:s19], [sflag:$0x1] =	stream.indirect.gather @!p2 [hbm4b:s1+s20], $0x80, s18, s20, $0xb8;
	[tilespmem:$0xA270] =	vst v63  }
0x2f: {  	_ =	swait.ge @!p2 [sflag:s21], $0x2800  }
0x30: {  	p1 =	por p2, p2;
	[sflag:s21] =	ssyncset.done @!p2 $0x0  }
0x31: {  	s18 =	simm.s32 @!p2 $0x0;
	[sflag:s21] =	ssyncadd.s32 @!p2 $0xFFFFD800;
	s21 =	simm.s32 @!p2 $0x3  }
0x32: {  	[hbm4b:s13+s18] =	stream.linear.scatter @!p1 [tilespmem:s19], [sflag:$0x3], $0x2800, $0x38;
	[tilespmem:$0xA270] =	vst v63  }
0x33: {  	_ =	swait.ge @!p1 [sflag:s21], $0x2800  }
0x34: {  	s22 =	simm.s32 @!p1 $0x4F60;
	[sflag:s21] =	ssyncset.done @!p1 $0x0  }
0x35: {  	s19 =	simm.s32 $0x140;
	s18 =	simm.s32 @!p2 $0x13B0;
	[sflag:s21] =	ssyncadd.s32 @!p1 $0xFFFFD800  }
0x36: {  	[spmem:s3] =	stream.indirect.scatter.add.f32 @!p1 [tilespmem:s22], [sflag:$0x2], $0x10, s18, s20, $0xb8;
	[tilespmem:$0xA270] =	vst v63  }
0x37: {  	s21 =	sadd.s32 $0x20, s4;
	s20 =	simm.s32 $0x280;
	s22 =	simm.s32 @!p1 $0x2  }
0x38: {  	p2 =	sgt.u32 s21, $0x7CF;
	s18 =	sadd.s32 $0xA000, s13;
	_ =	swait.ge @!p1 [sflag:s22], $0x500  }
.LBB2_6:
0x39: {  	s23 =	sshra.s32 @!p2 s19, $0x2  }
0x3a: {  	s24 =	simm.s32 @!p2 $0x50;
	[sflag:s22] =	ssyncset.done @!p1 $0x0;
	s19 =	smov.u32 s20  }
0x3b: {  	s25 =	simm.s32 @!p2 $0x2760;
	s26 =	simm.s32 @!p2 $0x1;
	[sflag:s22] =	ssyncadd.s32 @!p1 $0xFFFFFB00  }
0x3c: {  	[tilespmem:s25], [sflag:$0x1] =	stream.indirect.gather @!p2 [hbm4b:s1+s24], $0x80, s23, s24, $0xb8;
	[tilespmem:$0xA270] =	vst v63  }
0x3d: {  	s20 =	sadd.s32 $0x140, s20;
	s23 =	sadd.s32 @!p2 $0x13B0, s23;
	_ =	swait.ge @!p2 [sflag:s26], $0x2800  }
0x3e: {  	p3 =	sne.s32 s20, $0x4EC0;
	s22 =	simm.s32 @!p2 $0x0;
	[sflag:s26] =	ssyncset.done @!p2 $0x0  }
0x3f: {  	p1 =	por p2, p2;
	[sflag:s26] =	ssyncadd.s32 @!p2 $0xFFFFD800;
	s26 =	simm.s32 @!p2 $0x3  }
0x40: {  	[hbm4b:s18+s22] =	stream.linear.scatter @!p1 [tilespmem:s25], [sflag:$0x3], $0x2800, $0x38;
	[tilespmem:$0xA270] =	vst v63  }
.Ltmp2:
0x41: {  	_ =	swait.ge @!p1 [sflag:s26], $0x2800;
	(pc) =	sbr.rel @p3 .LBB2_6-.Ltmp2, $4  }
0x42: {  	s25 =	simm.s32 @!p1 $0x4F60;
	[sflag:s26] =	ssyncset.done @!p1 $0x0  }
0x43: {  	s21 =	sadd.s32 $0x20, s21;
	s22 =	simm.s32 @!p1 $0x2;
	[sflag:s26] =	ssyncadd.s32 @!p1 $0xFFFFD800  }
0x44: {  	[spmem:s3] =	stream.indirect.scatter.add.f32 @!p1 [tilespmem:s25], [sflag:$0x2], $0x10, s23, s24, $0xb8;
	[tilespmem:$0xA270] =	vst v63  }
0x45: {  	p2 =	sgt.u32 s21, $0x7CF;
	s18 =	sadd.s32 $0xA000, s18;
	_ =	swait.ge @!p1 [sflag:s22], $0x500  }
0x46: {  	s19 =	sshra.s32 @!p2 s19, $0x2;
	s20 =	simm.s32 @!p2 $0x50;
	[sflag:s22] =	ssyncset.done @!p1 $0x0  }
0x47: {  	s21 =	simm.s32 @!p2 $0x2760;
	s23 =	simm.s32 @!p2 $0x1;
	[sflag:s22] =	ssyncadd.s32 @!p1 $0xFFFFFB00  }
0x48: {  	[tilespmem:s21], [sflag:$0x1] =	stream.indirect.gather @!p2 [hbm4b:s1+s20], $0x80, s19, s20, $0xb8;
	[tilespmem:$0xA270] =	vst v63  }
0x49: {  	_ =	swait.ge @!p2 [sflag:s23], $0x2800  }
0x4a: {  	s22 =	simm.s32 @!p2 $0x0;
	[sflag:s23] =	ssyncset.done @!p2 $0x0  }
0x4b: {  	p1 =	por p2, p2;
	[sflag:s23] =	ssyncadd.s32 @!p2 $0xFFFFD800;
	s23 =	simm.s32 @!p2 $0x3  }
0x4c: {  	[hbm4b:s18+s22] =	stream.linear.scatter @!p1 [tilespmem:s21], [sflag:$0x3], $0x2800, $0x38;
	[tilespmem:$0xA270] =	vst v63  }
0x4d: {  	_ =	swait.ge @!p1 [sflag:s23], $0x2800  }
0x4e: {  	s18 =	sadd.s32 @!p2 $0x13B0, s19;
	[sflag:s23] =	ssyncset.done @!p1 $0x0  }
0x4f: {  	s19 =	simm.s32 @!p1 $0x4F60;
	s21 =	simm.s32 @!p1 $0x2;
	[sflag:s23] =	ssyncadd.s32 @!p1 $0xFFFFD800  }
0x50: {  	[spmem:s3] =	stream.indirect.scatter.add.f32 @!p1 [tilespmem:s19], [sflag:$0x2], $0x10, s18, s20, $0xb8;
	[tilespmem:$0xA270] =	vst v63  }
0x51: {  	_ =	swait.ge @!p1 [sflag:s21], $0x500  }
0x52: {  	[sflag:s21] =	ssyncset.done @!p1 $0x0  }
0x53: {  	[sflag:s21] =	ssyncadd.s32 @!p1 $0xFFFFFB00  }
0x54: {  	[bflag:$0x0] =	sbarrier.arrive $0xFFFF  }
0x55: {  	[tilespmem:s14], [sflag:$0x2] =	stream.linear.gather [spmem:s6], $0x2700, $0x38;
	[tilespmem:$0xA270] =	vst v63  }
0x56: {  	_ =	swait.ge [sflag:s15], $0x2700  }
0x57: {  	[sflag:s15] =	ssyncset.done $0x0  }
0x58: {  	[sflag:s15] =	ssyncadd.s32 $0xFFFFD900  }
0x59: {  	[hbm4b:s10+s5] =	stream.linear.scatter [tilespmem:s14], [sflag:$0x2], $0x2700, $0x38;
	[tilespmem:$0xA270] =	vst v63  }
0x5a: {  	_ =	swait.ge [sflag:s15], $0x2700  }
0x5b: {  	[sflag:s15] =	ssyncset.done $0x0  }
0x5c: {  	s18 =	simm.s32 @!p0 $0x5460;
	s19 =	simm.s32 @!p0 $0x2;
	[sflag:s15] =	ssyncadd.s32 $0xFFFFD900  }
0x5d: {  	[tilespmem:s18], [sflag:$0x2] =	stream.linear.gather @!p0 [spmem:s7], $0x100, $0x38;
	[tilespmem:$0xA270] =	vst v63  }
0x5e: {  	s17 =	sadd.s32 $0x1, s17;
	_ =	swait.ge @!p0 [sflag:s19], $0x100  }
0x5f: {  	p1 =	sne.s32 s17, s12;
	[sflag:s19] =	ssyncset.done @!p0 $0x0  }
.Ltmp3:
0x60: {  	s20 =	simm.s32 @!p0 $0x0;
	[sflag:s19] =	ssyncadd.s32 @!p0 $0xFFFFFF00;
	(pc) =	sbr.rel @p1 .LBB2_1-.Ltmp3, $4  }
0x61: {  	[hbm4b:s11+s20] =	stream.linear.scatter @!p0 [tilespmem:s18], [sflag:$0x2], $0x100, $0x38;
	[tilespmem:$0xA270] =	vst v63  }
0x62: {  	_ =	swait.ge @!p0 [sflag:s19], $0x100  }
0x63: {  	[sflag:s19] =	ssyncset.done @!p0 $0x0  }
0x64: {  	[sflag:s19] =	ssyncadd.s32 @!p0 $0xFFFFFF00  }
0x65: {  	_ =	sfence.sel $0x180000  }
0x66: {  	[bflag:$0x0] =	sbarrier.arrive $0xFFFF  }
0x67: {  	p0 =	sne.s32 s0, $0x0;
	_ =	strace $0x9000004A  }
0x68: {  	s0 =	sadd.s32 @!p0 $0x100000, s2;
	[bflag:$0x2] =	sbarrier.arrive $0xFFFF  }
0x69: {  	[sflag:s0] =	ssyncadd.tile.s32 @!p0 $0x1;
	_ =	shalt  }
.Lfunc_end2:
_tile_overlayer_lowered:
.L_overlay_start_2:
0x6a: {  	(tag) =	ssettag $0x2  }
0x6b: {  	s0 =	rddreg [dreg:$0x0];
	s2 =	stileid.u32  }
0x6c: {  	s1 =	rddreg [dreg:$0x1];
	p0 =	sne.s32 s2, $0x0  }
0x6d: {  	s3 =	rddreg [dreg:$0x2];
	[bflag:$0x3] =	sbarrier.arrive $0xFFFF;
	s2 =	simm.s32 @!p0 $0x1C02  }
0x6e: {  	[timem:s3], [sflag:s2] =	dma.local @!p0 [hbm:s0], s1  }
0x6f: {  	s0 =	simm.s32 @!p0 $0x2  }
0x70: {  	_ =	swait.ge @!p0 [sflag:s0], s1  }
0x71: {  	s1 =	ssub.s32 @!p0 $0x0, s1;
	[sflag:s0] =	ssyncset.done @!p0 $0x0  }
0x72: {  	[sflag:s0] =	ssyncadd.s32 @!p0 s1  }
0x73: {  	[bflag:$0x3] =	sbarrier.arrive $0xFFFF  }
0x74: {  	_ =	shalt  }

// kernel: kernel.13.cloned.1.call-start
scs
__scs_entry_jumppad:
0x0: {  	(pc) =	sbr.rel $0x88, $3  }
0x1: {  	(tag) =	ssettag $0x0;
	lr =	simm.s32 $0x1  }
0x2: {  	[smem:$0x3F92] =	sst lr;
	_ =	strace $0xD0000000  }
0x3: {  	_ = 	snop  }
0x4: {  	_ = 	snop  }
0x5: {  	_ = 	snop  }
0x6: {  	_ = 	snop  }
0x7: {  	_ = 	snop  }
__scs_overlays_trampoline_lowered:
0x8: {  	[smem:$0x3FA1] =	sst s0  }
0x9: {  	[smem:$0x3FA2] =	sst s1  }
0xa: {  	[smem:$0x3FA3] =	sst s2  }
0xb: {  	[smem:$0x3FA4] =	sst s3  }
0xc: {  	[smem:$0x3FA5] =	sst s4  }
0xd: {  	[smem:$0x3FA6] =	sst s5  }
0xe: {  	[smem:$0x3FA7] =	sst s6  }
0xf: {  	[smem:$0x3FA8] =	sst s7  }
0x10: {  	[smem:$0x3FA9] =	sst s8  }
0x11: {  	[smem:$0x3FAA] =	sst s9;
	s0 =	simm.s32 @!p0 $0x0  }
0x12: {  	s1 =	sld [smem:$0x3F90];
	s0 =	simm.s32 @p0 $0x1  }
0x13: {  	[smem:$0x3FAB] =	sst s0;
	s0 =	simm.s32 @!p1 $0x0  }
0x14: {  	s2 =	sld [smem:$0x3F8F];
	s0 =	simm.s32 @p1 $0x1  }
0x15: {  	[smem:$0x3FAC] =	sst s0;
	s0 =	simm.s32 @!p2 $0x0  }
0x16: {  	s3 =	sld [smem:$0x3FDB];
	s0 =	simm.s32 @p2 $0x1  }
0x17: {  	s4 =	simm.s32 $0x1BF5;
	[smem:$0x3FAE] =	sst s0  }
0x18: {  	s0 =	sld [smem:$0x3F91];
	_ =	swait.ge [sflag:s4], $0x0  }
0x19: {  	s7 =	sld [smem:$0x3F92]  }
0x1a: {  	s8 =	sadd.s32 $0xFFFFE003, lr  }
0x1b: {  	s9 =	sadd.s32 $0xFFFFFEF7, lr;
	s5 =	simm.s32 $0xFFFFFFFF;
	p2 =	slt.u32 s8, $0xFFFFF086  }
0x1c: {  	p1 =	slt.u32 s9, $0xF7A;
	s5 =	simm.s32 @!p2 $0x0  }
0x1d: {  	s5 =	simm.s32 @p1 $0x1;
	p0 =	seq.s32 s7, s2  }
0x1e: {  	s7 =	smul.u32 @!p0 $0xF7A, s2;
	p2 =	seq.s32 @!p0 s5, $0x0  }
0x1f: {  	s9 =	smul.u32 $0xF7A, s1;
	s8 =	simm.s32 @!p0 $0x1BF5;
	p2 =	por !p2, p0  }
0x20: {  	[sflag:s8] =	ssyncset.s32 @!p0 $0xFFFFF086;
	s6 =	sadd.s32 @!p0 s3, s7;
	s7 =	simm.s32 @!p0 $0x108  }
0x21: {  	s3 =	sadd.s32 s3, s9;
	s6 =	sadd.s32 @!p0 $0x88, s6;
	s7 =	simm.s32 @p2 $0x1082  }
0x22: {  	[simem:s7], [sflag:s8] =	dma.local @!p0 [hbm:s6], $0xF7A  }
0x23: {  	s9 =	sor.u32 $0xD0000000, s2;
	s6 =	simm.s32 $0x108;
	_ =	swait.ge @!p0 [sflag:s8], $0x0  }
0x24: {  	s3 =	sadd.s32 $0x88, s3;
	s6 =	simm.s32 @!p1 $0x1082;
	[sflag:s4] =	ssyncset.s32 $0xFFFFF086  }
0x25: {  	[simem:s6], [sflag:s4] =	dma.local [hbm:s3], $0xF7A  }
0x26: {  	[smem:$0x3F92] =	sst s1;
	(tag) =	ssettag s2;
	_ =	strace s9  }
0x27: {  	s1 =	sld [smem:$0x3FA2]  }
0x28: {  	s2 =	sld [smem:$0x3FA3]  }
0x29: {  	s4 =	sld [smem:$0x3FA5]  }
0x2a: {  	p0 =	seq.s32 s5, $0x0;
	s5 =	sld [smem:$0x3FA6]  }
0x2b: {  	s6 =	sld [smem:$0x3FA7]  }
0x2c: {  	s7 =	sld [smem:$0x3FA8]  }
0x2d: {  	s3 =	simm.s32 $0x108;
	s8 =	sld [smem:$0x3FA9]  }
0x2e: {  	s3 =	simm.s32 @!p0 $0x1082;
	s9 =	sld [smem:$0x3FAA]  }
0x2f: {  	lr =	sadd.s32 s0, s3;
	s0 =	sld [smem:$0x3FA1]  }
0x30: {  	s3 =	sld [smem:$0x3FA4]  }
0x31: {  	[smem:$0x3FAD] =	sst s10  }
0x32: {  	s10 =	sld [smem:$0x3FAB];
	_ =	sdelay $0x3  }
0x33: {  	p0 =	seq.s32 s10, $0x1;
	s10 =	sld [smem:$0x3FAD];
	_ =	sdelay $0x3  }
0x34: {  	[smem:$0x3FAD] =	sst s10  }
0x35: {  	s10 =	sld [smem:$0x3FAC];
	_ =	sdelay $0x3  }
0x36: {  	p1 =	seq.s32 s10, $0x1;
	s10 =	sld [smem:$0x3FAD];
	_ =	sdelay $0x3  }
0x37: {  	[smem:$0x3FAD] =	sst s10  }
0x38: {  	s10 =	sld [smem:$0x3FAE]  }
0x39: {  	_ = 	snop;
	(pc) =	sbr.ind lr, $3  }
0x3a: {  	_ = 	snop  }
0x3b: {  	_ = 	snop  }
0x3c: {  	p2 =	seq.s32 s10, $0x1;
	s10 =	sld [smem:$0x3FAD]  }
0x3d: {  	_ =	shalt  }
0x3e: {  	_ =	shalt  }
0x3f: {  	_ =	shalt  }
0x40: {  	_ =	shalt  }
0x41: {  	_ =	shalt  }
0x42: {  	_ =	shalt  }
0x43: {  	_ =	shalt  }
0x44: {  	_ =	shalt  }
0x45: {  	_ =	shalt  }
0x46: {  	_ =	shalt  }
0x47: {  	_ =	shalt  }
0x48: {  	_ =	shalt  }
0x49: {  	_ =	shalt  }
0x4a: {  	_ =	shalt  }
0x4b: {  	_ =	shalt  }
0x4c: {  	_ =	shalt  }
0x4d: {  	_ =	shalt  }
0x4e: {  	_ =	shalt  }
0x4f: {  	_ =	shalt  }
0x50: {  	_ =	shalt  }
0x51: {  	_ =	shalt  }
0x52: {  	_ =	shalt  }
0x53: {  	_ =	shalt  }
0x54: {  	_ =	shalt  }
0x55: {  	_ =	shalt  }
0x56: {  	_ =	shalt  }
0x57: {  	_ =	shalt  }
0x58: {  	_ =	shalt  }
0x59: {  	_ =	shalt  }
0x5a: {  	_ =	shalt  }
0x5b: {  	_ =	shalt  }
0x5c: {  	_ =	shalt  }
0x5d: {  	_ =	shalt  }
0x5e: {  	_ =	shalt  }
0x5f: {  	_ =	shalt  }
0x60: {  	_ =	shalt  }
0x61: {  	_ =	shalt  }
0x62: {  	_ =	shalt  }
0x63: {  	_ =	shalt  }
0x64: {  	_ =	shalt  }
0x65: {  	_ =	shalt  }
0x66: {  	_ =	shalt  }
0x67: {  	_ =	shalt  }
0x68: {  	_ =	shalt  }
0x69: {  	_ =	shalt  }
0x6a: {  	_ =	shalt  }
0x6b: {  	_ =	shalt  }
0x6c: {  	_ =	shalt  }
0x6d: {  	_ =	shalt  }
0x6e: {  	_ =	shalt  }
0x6f: {  	_ =	shalt  }
0x70: {  	_ =	shalt  }
0x71: {  	_ =	shalt  }
0x72: {  	_ =	shalt  }
0x73: {  	_ =	shalt  }
0x74: {  	_ =	shalt  }
0x75: {  	_ =	shalt  }
0x76: {  	_ =	shalt  }
0x77: {  	_ =	shalt  }
0x78: {  	_ =	shalt  }
0x79: {  	_ =	shalt  }
0x7a: {  	_ =	shalt  }
0x7b: {  	_ =	shalt  }
0x7c: {  	_ =	shalt  }
0x7d: {  	_ =	shalt  }
0x7e: {  	_ =	shalt  }
0x7f: {  	_ =	shalt  }
0x80: {  	_ =	shalt  }
0x81: {  	_ =	shalt  }
0x82: {  	_ =	shalt  }
0x83: {  	_ =	shalt  }
0x84: {  	_ =	shalt  }
0x85: {  	_ =	shalt  }
0x86: {  	_ =	shalt  }
0x87: {  	_ =	shalt  }
.Lfunc_end0:
.L_simem_size_0:
called_computation.1_lowered:
.L_overlay_start_0:
0x88: {  	s2 =	sld [smem:$0x3FD9]  }
0x89: {  	s3 =	sld [smem:$0x3FFE];
	_ =	sdelay $0x1  }
0x8a: {  	s1 =	srdreg.scid  }
0x8b: {  	s0 =	sand.u32 $0x1, s1  }
0x8c: {  	s17 =	sshll.u32 s0, $0xA;
	s2 =	sadd.s32 s3, s2  }
0x8d: {  	s2 =	sadd.s32 s2, s17  }
0x8e: {  	[smem:$0x3FB9] =	sst s2  }
0x8f: {  	_ = 	snop  }
0x90: {  	s2 =	sld [smem:$0x3FD0];
	(tm) =	ssettm $0x1  }
0x91: {  	s18 =	sld [smem:$0x3FFB];
	_ =	sdelay $0x3  }
0x92: {  	_ =	strace s18  }
0x93: {  	s3 =	sld [smem:$0x3FFC];
	_ =	sdelay $0x3  }
0x94: {  	_ =	strace s3  }
0x95: {  	s3 =	sld [smem:$0x3FFD];
	_ =	sdelay $0x3  }
0x96: {  	_ =	strace s3  }
0x97: {  	_ =	strace $0x8FFFFFFF  }
0x98: {  	s19 =	sld [smem:$0x3FDB];
	_ =	sdelay $0x1  }
0x99: {  	s4 =	simm.s32 $_scs_section_size  }
0x9a: {  	s5 =	simm.s32 $_size__tile_overlayer_lowered;
	s6 =	simm.s32 $_tile_overlayer_lowered  }
0x9b: {  	s22 =	simm.s32 $0x1BFF;
	s21 =	sshll.u32 s6, $0x1;
	s3 =	sadd.s32 s4, s19  }
0x9c: {  	s7 =	simm.s32 $0x0;
	s20 =	sshll.u32 s5, $0x1;
	s5 =	sadd.s32 s21, s3  }
0x9d: {  	[timem:s7], [sflag:s22] =	dma.local [hbm:s5], s20  }
0x9e: {  	_ =	swait.ge [sflag:s22], s20  }
0x9f: {  	s4 =	ssub.s32 $0x0, s20;
	[sflag:s22] =	ssyncset.done $0x0  }
0xa0: {  	[sflag:s22] =	ssyncadd.s32 s4;
	_ =	sdelay $0x1  }
0xa1: {  	s23 =	simm.s32 $0x1B8B  }
0xa2: {  	_ =	swait.ge [sflag:s23], $0x1  }
0xa3: {  	[sflag:s23] =	ssyncset.done $0x0  }
0xa4: {  	s25 =	simm.s32 $0x1B8E;
	s24 =	sld [smem:$0x3FFE];
	[sflag:s23] =	ssyncadd.s32 $0xFFFFFFFF  }
0xa5: {  	s26 =	simm.s32 $execute0_lowered;
	[smem:$0x3FD2] =	sst s25  }
0xa6: {  	s5 =	sshll.u32 s26, $0x1;
	_ =	strace $0x80000046;
	[dreg:$0x1] =	wrdreg $0xFFFFFFFF  }
0xa7: {  	s28 =	simm.s32 $_size_execute0_lowered;
	s3 =	sadd.s32 s3, s5;
	[dreg:$0x0] =	wrdreg $0x0  }
0xa8: {  	s5 =	sshll.u32 s28, $0x1;
	[dreg:$0x2] =	wrdreg s3  }
0xa9: {  	[dreg:$0x3] =	wrdreg s5  }
0xaa: {  	[dreg:$0x4] =	wrdreg $0xC0  }
0xab: {  	_ =	task [dreg:s7], $0x5FFFF  }
0xac: {  	[dreg:$0x1] =	wrdreg $0xFFFFFFFF  }
0xad: {  	[dreg:$0x0] =	wrdreg $0x60  }
0xae: {  	[dreg:$0x2] =	wrdreg s2  }
0xaf: {  	[dreg:$0x3] =	wrdreg s24  }
0xb0: {  	[dreg:$0x4] =	wrdreg $0x7B600  }
0xb1: {  	[dreg:$0x5] =	wrdreg $0xA  }
0xb2: {  	_ =	task.clear_ibuf [dreg:s7], $0x6FFFF;
	_ =	strace $0x90000046  }
0xb3: {  	s29 =	simm.s32 $0xA;
	_ =	strace $0x80000048  }
0xb4: {  	_ =	swait.ge [sflag:s29], $0x1  }
0xb5: {  	[sflag:s29] =	ssyncadd.s32 $0xFFFFFFFF  }
0xb6: {  	_ =	strace $0x90000048  }
0xb7: {  	_ =	sfence  }
0xb8: {  	s30 =	sld [smem:$0x0];
	_ =	sdelay $0x2  }
0xb9: {  	s31 =	sshll.u32 s1, $0xD;
	s1 =	sshrl.u32 s1, $0x2  }
0xba: {  	s3 =	sand.u32 $0x4000, s31;
	s1 =	sadd.s32 s1, s30  }
0xbb: {  	s0 =	sor.u32 s3, s0;
	s1 =	sshll.u32 s1, $0x11  }
0xbc: {  	s0 =	sor.u32 s1, s0  }
0xbd: {  	s0 =	sadd.s32 $0x8F2B, s0  }
0xbe: {  	[sflag:s0] =	ssyncadd.remote.s32 $0x1  }
0xbf: {  	_ =	sfence.sel $0xFFFF  }
0xc0: {  	[dreg:$0x0] =	wrdreg $0xFFFFFFFF;
	(pc) =	sbr.abs _section_cstart, $3  }
0xc1: {  	[dreg:$0x1] =	wrdreg $0xFFFFFFFF  }
0xc2: {  	_ =	task.clear_ibuf [dreg:s7], $0x2FFFF;
	_ =	strace $0x9FFFFFFF  }
0xc3: {  	(tm) =	ssettm $0x7FFFFFFF  }
tec
execute0_lowered:
.L_overlay_start_1:
0x0: {  	(tag) =	ssettag $0x1  }
0x1: {  	s1 =	rddreg [dreg:$0x0];
	s2 =	srdreg.scid  }
0x2: {  	s0 =	stileid.u32;
	s6 =	rddreg [dreg:$0x1]  }
0x3: {  	s3 =	rddreg [dreg:$0x2];
	s5 =	simm.s32 $0x0;
	s8 =	smul.u32 $0xA00, s0  }
0x4: {  	s17 =	simm.s32 $0x0;
	s9 =	sand.u32 $0x1, s2;
	s11 =	smul.u32 $0x4E0, s0  }
0x5: {  	s23 =	sshll.u32 s0, $0x1;
	s2 =	rddreg [dreg:$0x3];
	s25 =	smul.u32 $0x9C00, s0  }
0x6: {  	[smem:$0x7FF] =	sst s5;
	s12 =	sadd.s32 $0x27FA00, s6;
	s14 =	smul.u32 $0x4E20, s9  }
0x7: {  	p0 =	sne.s32 s0, $0xF;
	s4 =	sor.u32 s9, s23;
	s16 =	smul.u32 $0x27100, s9  }
0x8: {  	_ =	strace $0x80000047;
	s24 =	ssub.s32 $0x2, s9;
	s30 =	smul.u32 $0x500, s9  }
0x9: {  	s7 =	smul.u32 $0x276, s4;
	s13 =	sadd.s32 s8, s6;
	s26 =	sshrl.u32 s24, $0x1  }
0xa: {  	s28 =	sshrl.u32 s25, $0x2;
	s15 =	ssub.s32 s24, s26;
	s11 =	sadd.s32 s11, s14  }
0xb: {  	s29 =	sshrl.u32 s16, $0x3;
	s13 =	sadd.s32 s30, s13;
	s14 =	simm.s32 $0x5460  }
0xc: {  	s16 =	simm.s32 $0x13B0;
	s10 =	sadd.s32 s7, s6;
	s6 =	sadd.s32 s28, s3  }
0xd: {  	s7 =	sadd.s32 $0x27000, s3;
	s31 =	sadd.s32 s12, s29;
	s13 =	sadd.s32 $0xEA00, s13  }
0xe: {  	s8 =	sadd.s32 $0x9A00, s10;
	s9 =	sadd.s32 $0x4A00, s10;
	s10 =	sadd.s32 s12, s11  }
0xf: {  	v0 =	vimm.f32 $0.0e+00;
	v1 =	vimm.f32 $1.000000000e+00;
	s11 =	sadd.s32 $0x4E00, s31;
	s12 =	smax.u32 s15, $0x1;
	s15 =	simm.s32 $0x2  }
.LBB2_1:
0x10: {  	s18 =	simm.s32 $0x0  }
.LBB2_2:
0x11: {  	p1 =	sne.s32 s18, $0x9BC0  }
.Ltmp0:
0x12: {  	_ = 	snop;
	(pc) =	sbr.rel @p1 .LBB2_2-.Ltmp0, $3  }
0x13: {  	_ =	sdelay $0x1  }
0x14: {  	s19 =	sshra.s32 s18, $0x2  }
0x15: {  	s18 =	sadd.s32 $0x40, s18;
	[tilespmem:s19+$0x5460] =	vst v0  }
0x16: {  	s18 =	simm.s32 $0x40;
	s19 =	simm.s32 $0x0  }
.LBB2_4:
0x17: {  	p1 =	sne.s32 s18, $0x13C0;
	[tilespmem:s19+$0x4F60] =	vst v1;
	s19 =	smov.u32 s18;
	s18 =	sadd.s32 $0x40, s18  }
.Ltmp1:
0x18: {  	(pc) =	sbr.rel @p1 .LBB2_4-.Ltmp1, $2  }
0x19: {  	_ =	sdelay $0x2  }
0x1a: {  	s19 =	sshra.s32 s19, $0x2  }
0x1b: {  	[tilespmem:s19+$0x4F60] =	vst v1  }
0x1c: {  	[spmem:s6] =	stream.linear.scatter [tilespmem:s14], [sflag:$0x2], $0x2700, $0x38;
	[tilespmem:$0xA270] =	vst v63  }
0x1d: {  	_ =	swait.ge [sflag:s15], $0x2700  }
0x1e: {  	[sflag:s15] =	ssyncset.done $0x0  }
0x1f: {  	s18 =	simm.s32 @!p0 $0x5460;
	[sflag:s15] =	ssyncadd.s32 $0xFFFFD900  }
0x20: {  	[spmem:s7] =	stream.linear.scatter @!p0 [tilespmem:s18], [sflag:$0x2], $0x100, $0x38;
	[tilespmem:$0xA270] =	vst v63  }
0x21: {  	s18 =	simm.s32 @!p0 $0x2  }
0x22: {  	_ =	swait.ge @!p0 [sflag:s18], $0x100  }
0x23: {  	[sflag:s18] =	ssyncset.done @!p0 $0x0  }
0x24: {  	s31 =	simm.s32 $0x0;
	[sflag:s18] =	ssyncadd.s32 @!p0 $0xFFFFFF00  }
0x25: {  	[tilespmem:s31], [sflag:$0x2] =	stream.linear.gather [hbm4b:s8+s31], $0x13B0, $0x38;
	[tilespmem:$0xA270] =	vst v63  }
0x26: {  	_ =	swait.ge [sflag:s15], $0x13B0  }
0x27: {  	[sflag:s15] =	ssyncset.done $0x0  }
0x28: {  	[sflag:s15] =	ssyncadd.s32 $0xFFFFEC50  }
0x29: {  	[tilespmem:s16], [sflag:$0x2] =	stream.linear.gather [hbm4b:s9+s31], $0x13B0, $0x38;
	[tilespmem:$0xA270] =	vst v63  }
0x2a: {  	_ =	swait.ge [sflag:s15], $0x13B0  }
0x2b: {  	p2 =	sgt.u32 s4, $0x7CF;
	[sflag:s15] =	ssyncset.done $0x0  }
0x2c: {  	s20 =	simm.s32 @!p2 $0x50;
	s19 =	simm.s32 @!p2 $0x2760;
	[sflag:s15] =	ssyncadd.s32 $0xFFFFEC50  }
0x2d: {  	s21 =	simm.s32 @!p2 $0x1;
	s18 =	simm.s32 @!p2 $0x0;
	[bflag:$0x0] =	sbarrier.arrive $0xFFFF  }
0x2e: {  	[tilespmem:s19], [sflag:$0x1] =	stream.indirect.gather @!p2 [hbm4b:s1+s20], $0x80, s18, s20, $0xb8;
	[tilespmem:$0xA270] =	vst v63  }
0x2f: {  	_ =	swait.ge @!p2 [sflag:s21], $0x2800  }
0x30: {  	p1 =	por p2, p2;
	[sflag:s21] =	ssyncset.done @!p2 $0x0  }
0x31: {  	s18 =	simm.s32 @!p2 $0x0;
	[sflag:s21] =	ssyncadd.s32 @!p2 $0xFFFFD800;
	s21 =	simm.s32 @!p2 $0x3  }
0x32: {  	[hbm4b:s13+s18] =	stream.linear.scatter @!p1 [tilespmem:s19], [sflag:$0x3], $0x2800, $0x38;
	[tilespmem:$0xA270] =	vst v63  }
0x33: {  	_ =	swait.ge @!p1 [sflag:s21], $0x2800  }
0x34: {  	s22 =	simm.s32 @!p1 $0x4F60;
	[sflag:s21] =	ssyncset.done @!p1 $0x0  }
0x35: {  	s19 =	simm.s32 $0x140;
	s18 =	simm.s32 @!p2 $0x13B0;
	[sflag:s21] =	ssyncadd.s32 @!p1 $0xFFFFD800  }
0x36: {  	[spmem:s3] =	stream.indirect.scatter.add.f32 @!p1 [tilespmem:s22], [sflag:$0x2], $0x10, s18, s20, $0xb8;
	[tilespmem:$0xA270] =	vst v63  }
0x37: {  	s21 =	sadd.s32 $0x20, s4;
	s20 =	simm.s32 $0x280;
	s22 =	simm.s32 @!p1 $0x2  }
0x38: {  	p2 =	sgt.u32 s21, $0x7CF;
	s18 =	sadd.s32 $0xA000, s13;
	_ =	swait.ge @!p1 [sflag:s22], $0x500  }
.LBB2_6:
0x39: {  	s23 =	sshra.s32 @!p2 s19, $0x2  }
0x3a: {  	s24 =	simm.s32 @!p2 $0x50;
	[sflag:s22] =	ssyncset.done @!p1 $0x0;
	s19 =	smov.u32 s20  }
0x3b: {  	s25 =	simm.s32 @!p2 $0x2760;
	s26 =	simm.s32 @!p2 $0x1;
	[sflag:s22] =	ssyncadd.s32 @!p1 $0xFFFFFB00  }
0x3c: {  	[tilespmem:s25], [sflag:$0x1] =	stream.indirect.gather @!p2 [hbm4b:s1+s24], $0x80, s23, s24, $0xb8;
	[tilespmem:$0xA270] =	vst v63  }
0x3d: {  	s20 =	sadd.s32 $0x140, s20;
	s23 =	sadd.s32 @!p2 $0x13B0, s23;
	_ =	swait.ge @!p2 [sflag:s26], $0x2800  }
0x3e: {  	p3 =	sne.s32 s20, $0x4EC0;
	s22 =	simm.s32 @!p2 $0x0;
	[sflag:s26] =	ssyncset.done @!p2 $0x0  }
0x3f: {  	p1 =	por p2, p2;
	[sflag:s26] =	ssyncadd.s32 @!p2 $0xFFFFD800;
	s26 =	simm.s32 @!p2 $0x3  }
0x40: {  	[hbm4b:s18+s22] =	stream.linear.scatter @!p1 [tilespmem:s25], [sflag:$0x3], $0x2800, $0x38;
	[tilespmem:$0xA270] =	vst v63  }
.Ltmp2:
0x41: {  	_ =	swait.ge @!p1 [sflag:s26], $0x2800;
	(pc) =	sbr.rel @p3 .LBB2_6-.Ltmp2, $4  }
0x42: {  	s25 =	simm.s32 @!p1 $0x4F60;
	[sflag:s26] =	ssyncset.done @!p1 $0x0  }
0x43: {  	s21 =	sadd.s32 $0x20, s21;
	s22 =	simm.s32 @!p1 $0x2;
	[sflag:s26] =	ssyncadd.s32 @!p1 $0xFFFFD800  }
0x44: {  	[spmem:s3] =	stream.indirect.scatter.add.f32 @!p1 [tilespmem:s25], [sflag:$0x2], $0x10, s23, s24, $0xb8;
	[tilespmem:$0xA270] =	vst v63  }
0x45: {  	p2 =	sgt.u32 s21, $0x7CF;
	s18 =	sadd.s32 $0xA000, s18;
	_ =	swait.ge @!p1 [sflag:s22], $0x500  }
0x46: {  	s19 =	sshra.s32 @!p2 s19, $0x2;
	s20 =	simm.s32 @!p2 $0x50;
	[sflag:s22] =	ssyncset.done @!p1 $0x0  }
0x47: {  	s21 =	simm.s32 @!p2 $0x2760;
	s23 =	simm.s32 @!p2 $0x1;
	[sflag:s22] =	ssyncadd.s32 @!p1 $0xFFFFFB00  }
0x48: {  	[tilespmem:s21], [sflag:$0x1] =	stream.indirect.gather @!p2 [hbm4b:s1+s20], $0x80, s19, s20, $0xb8;
	[tilespmem:$0xA270] =	vst v63  }
0x49: {  	_ =	swait.ge @!p2 [sflag:s23], $0x2800  }
0x4a: {  	s22 =	simm.s32 @!p2 $0x0;
	[sflag:s23] =	ssyncset.done @!p2 $0x0  }
0x4b: {  	p1 =	por p2, p2;
	[sflag:s23] =	ssyncadd.s32 @!p2 $0xFFFFD800;
	s23 =	simm.s32 @!p2 $0x3  }
0x4c: {  	[hbm4b:s18+s22] =	stream.linear.scatter @!p1 [tilespmem:s21], [sflag:$0x3], $0x2800, $0x38;
	[tilespmem:$0xA270] =	vst v63  }
0x4d: {  	_ =	swait.ge @!p1 [sflag:s23], $0x2800  }
0x4e: {  	s18 =	sadd.s32 @!p2 $0x13B0, s19;
	[sflag:s23] =	ssyncset.done @!p1 $0x0  }
0x4f: {  	s19 =	simm.s32 @!p1 $0x4F60;
	s21 =	simm.s32 @!p1 $0x2;
	[sflag:s23] =	ssyncadd.s32 @!p1 $0xFFFFD800  }
0x50: {  	[spmem:s3] =	stream.indirect.scatter.add.f32 @!p1 [tilespmem:s19], [sflag:$0x2], $0x10, s18, s20, $0xb8;
	[tilespmem:$0xA270] =	vst v63  }
0x51: {  	_ =	swait.ge @!p1 [sflag:s21], $0x500  }
0x52: {  	[sflag:s21] =	ssyncset.done @!p1 $0x0  }
0x53: {  	[sflag:s21] =	ssyncadd.s32 @!p1 $0xFFFFFB00  }
0x54: {  	[bflag:$0x0] =	sbarrier.arrive $0xFFFF  }
0x55: {  	[tilespmem:s14], [sflag:$0x2] =	stream.linear.gather [spmem:s6], $0x2700, $0x38;
	[tilespmem:$0xA270] =	vst v63  }
0x56: {  	_ =	swait.ge [sflag:s15], $0x2700  }
0x57: {  	[sflag:s15] =	ssyncset.done $0x0  }
0x58: {  	[sflag:s15] =	ssyncadd.s32 $0xFFFFD900  }
0x59: {  	[hbm4b:s10+s5] =	stream.linear.scatter [tilespmem:s14], [sflag:$0x2], $0x2700, $0x38;
	[tilespmem:$0xA270] =	vst v63  }
0x5a: {  	_ =	swait.ge [sflag:s15], $0x2700  }
0x5b: {  	[sflag:s15] =	ssyncset.done $0x0  }
0x5c: {  	s18 =	simm.s32 @!p0 $0x5460;
	s19 =	simm.s32 @!p0 $0x2;
	[sflag:s15] =	ssyncadd.s32 $0xFFFFD900  }
0x5d: {  	[tilespmem:s18], [sflag:$0x2] =	stream.linear.gather @!p0 [spmem:s7], $0x100, $0x38;
	[tilespmem:$0xA270] =	vst v63  }
0x5e: {  	s17 =	sadd.s32 $0x1, s17;
	_ =	swait.ge @!p0 [sflag:s19], $0x100  }
0x5f: {  	p1 =	sne.s32 s17, s12;
	[sflag:s19] =	ssyncset.done @!p0 $0x0  }
.Ltmp3:
0x60: {  	s20 =	simm.s32 @!p0 $0x0;
	[sflag:s19] =	ssyncadd.s32 @!p0 $0xFFFFFF00;
	(pc) =	sbr.rel @p1 .LBB2_1-.Ltmp3, $4  }
0x61: {  	[hbm4b:s11+s20] =	stream.linear.scatter @!p0 [tilespmem:s18], [sflag:$0x2], $0x100, $0x38;
	[tilespmem:$0xA270] =	vst v63  }
0x62: {  	_ =	swait.ge @!p0 [sflag:s19], $0x100  }
0x63: {  	[sflag:s19] =	ssyncset.done @!p0 $0x0  }
0x64: {  	[sflag:s19] =	ssyncadd.s32 @!p0 $0xFFFFFF00  }
0x65: {  	_ =	sfence.sel $0x180000  }
0x66: {  	[bflag:$0x0] =	sbarrier.arrive $0xFFFF  }
0x67: {  	p0 =	sne.s32 s0, $0x0;
	_ =	strace $0x90000047  }
0x68: {  	s0 =	sadd.s32 @!p0 $0x100000, s2;
	[bflag:$0x2] =	sbarrier.arrive $0xFFFF  }
0x69: {  	[sflag:s0] =	ssyncadd.tile.s32 @!p0 $0x1;
	_ =	shalt  }
.Lfunc_end2:
_tile_overlayer_lowered:
.L_overlay_start_2:
0x6a: {  	(tag) =	ssettag $0x2  }
0x6b: {  	s0 =	rddreg [dreg:$0x0];
	s2 =	stileid.u32  }
0x6c: {  	s1 =	rddreg [dreg:$0x1];
	p0 =	sne.s32 s2, $0x0  }
0x6d: {  	s3 =	rddreg [dreg:$0x2];
	[bflag:$0x3] =	sbarrier.arrive $0xFFFF;
	s2 =	simm.s32 @!p0 $0x1C02  }
0x6e: {  	[timem:s3], [sflag:s2] =	dma.local @!p0 [hbm:s0], s1  }
0x6f: {  	s0 =	simm.s32 @!p0 $0x2  }
0x70: {  	_ =	swait.ge @!p0 [sflag:s0], s1  }
0x71: {  	s1 =	ssub.s32 @!p0 $0x0, s1;
	[sflag:s0] =	ssyncset.done @!p0 $0x0  }
0x72: {  	[sflag:s0] =	ssyncadd.s32 @!p0 s1  }
0x73: {  	[bflag:$0x3] =	sbarrier.arrive $0xFFFF  }
0x74: {  	_ =	shalt  }

// kernel: kernel.16.cloned.1.call-start
scs
__scs_entry_jumppad:
0x0: {  	(pc) =	sbr.rel $0x88, $3  }
0x1: {  	(tag) =	ssettag $0x0;
	lr =	simm.s32 $0x1  }
0x2: {  	[smem:$0x3F92] =	sst lr;
	_ =	strace $0xD0000000  }
0x3: {  	_ = 	snop  }
0x4: {  	_ = 	snop  }
0x5: {  	_ = 	snop  }
0x6: {  	_ = 	snop  }
0x7: {  	_ = 	snop  }
__scs_overlays_trampoline_lowered:
0x8: {  	[smem:$0x3FA1] =	sst s0  }
0x9: {  	[smem:$0x3FA2] =	sst s1  }
0xa: {  	[smem:$0x3FA3] =	sst s2  }
0xb: {  	[smem:$0x3FA4] =	sst s3  }
0xc: {  	[smem:$0x3FA5] =	sst s4  }
0xd: {  	[smem:$0x3FA6] =	sst s5  }
0xe: {  	[smem:$0x3FA7] =	sst s6  }
0xf: {  	[smem:$0x3FA8] =	sst s7  }
0x10: {  	[smem:$0x3FA9] =	sst s8  }
0x11: {  	[smem:$0x3FAA] =	sst s9;
	s0 =	simm.s32 @!p0 $0x0  }
0x12: {  	s1 =	sld [smem:$0x3F90];
	s0 =	simm.s32 @p0 $0x1  }
0x13: {  	[smem:$0x3FAB] =	sst s0;
	s0 =	simm.s32 @!p1 $0x0  }
0x14: {  	s2 =	sld [smem:$0x3F8F];
	s0 =	simm.s32 @p1 $0x1  }
0x15: {  	[smem:$0x3FAC] =	sst s0;
	s0 =	simm.s32 @!p2 $0x0  }
0x16: {  	s3 =	sld [smem:$0x3FDB];
	s0 =	simm.s32 @p2 $0x1  }
0x17: {  	s4 =	simm.s32 $0x1BF5;
	[smem:$0x3FAE] =	sst s0  }
0x18: {  	s0 =	sld [smem:$0x3F91];
	_ =	swait.ge [sflag:s4], $0x0  }
0x19: {  	s7 =	sld [smem:$0x3F92]  }
0x1a: {  	s8 =	sadd.s32 $0xFFFFE003, lr  }
0x1b: {  	s9 =	sadd.s32 $0xFFFFFEF7, lr;
	s5 =	simm.s32 $0xFFFFFFFF;
	p2 =	slt.u32 s8, $0xFFFFF086  }
0x1c: {  	p1 =	slt.u32 s9, $0xF7A;
	s5 =	simm.s32 @!p2 $0x0  }
0x1d: {  	s5 =	simm.s32 @p1 $0x1;
	p0 =	seq.s32 s7, s2  }
0x1e: {  	s7 =	smul.u32 @!p0 $0xF7A, s2;
	p2 =	seq.s32 @!p0 s5, $0x0  }
0x1f: {  	s9 =	smul.u32 $0xF7A, s1;
	s8 =	simm.s32 @!p0 $0x1BF5;
	p2 =	por !p2, p0  }
0x20: {  	[sflag:s8] =	ssyncset.s32 @!p0 $0xFFFFF086;
	s6 =	sadd.s32 @!p0 s3, s7;
	s7 =	simm.s32 @!p0 $0x108  }
0x21: {  	s3 =	sadd.s32 s3, s9;
	s6 =	sadd.s32 @!p0 $0x88, s6;
	s7 =	simm.s32 @p2 $0x1082  }
0x22: {  	[simem:s7], [sflag:s8] =	dma.local @!p0 [hbm:s6], $0xF7A  }
0x23: {  	s9 =	sor.u32 $0xD0000000, s2;
	s6 =	simm.s32 $0x108;
	_ =	swait.ge @!p0 [sflag:s8], $0x0  }
0x24: {  	s3 =	sadd.s32 $0x88, s3;
	s6 =	simm.s32 @!p1 $0x1082;
	[sflag:s4] =	ssyncset.s32 $0xFFFFF086  }
0x25: {  	[simem:s6], [sflag:s4] =	dma.local [hbm:s3], $0xF7A  }
0x26: {  	[smem:$0x3F92] =	sst s1;
	(tag) =	ssettag s2;
	_ =	strace s9  }
0x27: {  	s1 =	sld [smem:$0x3FA2]  }
0x28: {  	s2 =	sld [smem:$0x3FA3]  }
0x29: {  	s4 =	sld [smem:$0x3FA5]  }
0x2a: {  	p0 =	seq.s32 s5, $0x0;
	s5 =	sld [smem:$0x3FA6]  }
0x2b: {  	s6 =	sld [smem:$0x3FA7]  }
0x2c: {  	s7 =	sld [smem:$0x3FA8]  }
0x2d: {  	s3 =	simm.s32 $0x108;
	s8 =	sld [smem:$0x3FA9]  }
0x2e: {  	s3 =	simm.s32 @!p0 $0x1082;
	s9 =	sld [smem:$0x3FAA]  }
0x2f: {  	lr =	sadd.s32 s0, s3;
	s0 =	sld [smem:$0x3FA1]  }
0x30: {  	s3 =	sld [smem:$0x3FA4]  }
0x31: {  	[smem:$0x3FAD] =	sst s10  }
0x32: {  	s10 =	sld [smem:$0x3FAB];
	_ =	sdelay $0x3  }
0x33: {  	p0 =	seq.s32 s10, $0x1;
	s10 =	sld [smem:$0x3FAD];
	_ =	sdelay $0x3  }
0x34: {  	[smem:$0x3FAD] =	sst s10  }
0x35: {  	s10 =	sld [smem:$0x3FAC];
	_ =	sdelay $0x3  }
0x36: {  	p1 =	seq.s32 s10, $0x1;
	s10 =	sld [smem:$0x3FAD];
	_ =	sdelay $0x3  }
0x37: {  	[smem:$0x3FAD] =	sst s10  }
0x38: {  	s10 =	sld [smem:$0x3FAE]  }
0x39: {  	_ = 	snop;
	(pc) =	sbr.ind lr, $3  }
0x3a: {  	_ = 	snop  }
0x3b: {  	_ = 	snop  }
0x3c: {  	p2 =	seq.s32 s10, $0x1;
	s10 =	sld [smem:$0x3FAD]  }
0x3d: {  	_ =	shalt  }
0x3e: {  	_ =	shalt  }
0x3f: {  	_ =	shalt  }
0x40: {  	_ =	shalt  }
0x41: {  	_ =	shalt  }
0x42: {  	_ =	shalt  }
0x43: {  	_ =	shalt  }
0x44: {  	_ =	shalt  }
0x45: {  	_ =	shalt  }
0x46: {  	_ =	shalt  }
0x47: {  	_ =	shalt  }
0x48: {  	_ =	shalt  }
0x49: {  	_ =	shalt  }
0x4a: {  	_ =	shalt  }
0x4b: {  	_ =	shalt  }
0x4c: {  	_ =	shalt  }
0x4d: {  	_ =	shalt  }
0x4e: {  	_ =	shalt  }
0x4f: {  	_ =	shalt  }
0x50: {  	_ =	shalt  }
0x51: {  	_ =	shalt  }
0x52: {  	_ =	shalt  }
0x53: {  	_ =	shalt  }
0x54: {  	_ =	shalt  }
0x55: {  	_ =	shalt  }
0x56: {  	_ =	shalt  }
0x57: {  	_ =	shalt  }
0x58: {  	_ =	shalt  }
0x59: {  	_ =	shalt  }
0x5a: {  	_ =	shalt  }
0x5b: {  	_ =	shalt  }
0x5c: {  	_ =	shalt  }
0x5d: {  	_ =	shalt  }
0x5e: {  	_ =	shalt  }
0x5f: {  	_ =	shalt  }
0x60: {  	_ =	shalt  }
0x61: {  	_ =	shalt  }
0x62: {  	_ =	shalt  }
0x63: {  	_ =	shalt  }
0x64: {  	_ =	shalt  }
0x65: {  	_ =	shalt  }
0x66: {  	_ =	shalt  }
0x67: {  	_ =	shalt  }
0x68: {  	_ =	shalt  }
0x69: {  	_ =	shalt  }
0x6a: {  	_ =	shalt  }
0x6b: {  	_ =	shalt  }
0x6c: {  	_ =	shalt  }
0x6d: {  	_ =	shalt  }
0x6e: {  	_ =	shalt  }
0x6f: {  	_ =	shalt  }
0x70: {  	_ =	shalt  }
0x71: {  	_ =	shalt  }
0x72: {  	_ =	shalt  }
0x73: {  	_ =	shalt  }
0x74: {  	_ =	shalt  }
0x75: {  	_ =	shalt  }
0x76: {  	_ =	shalt  }
0x77: {  	_ =	shalt  }
0x78: {  	_ =	shalt  }
0x79: {  	_ =	shalt  }
0x7a: {  	_ =	shalt  }
0x7b: {  	_ =	shalt  }
0x7c: {  	_ =	shalt  }
0x7d: {  	_ =	shalt  }
0x7e: {  	_ =	shalt  }
0x7f: {  	_ =	shalt  }
0x80: {  	_ =	shalt  }
0x81: {  	_ =	shalt  }
0x82: {  	_ =	shalt  }
0x83: {  	_ =	shalt  }
0x84: {  	_ =	shalt  }
0x85: {  	_ =	shalt  }
0x86: {  	_ =	shalt  }
0x87: {  	_ =	shalt  }
.Lfunc_end0:
.L_simem_size_0:
called_computation.2_lowered:
.L_overlay_start_0:
0x88: {  	s2 =	sld [smem:$0x3FD9]  }
0x89: {  	s3 =	sld [smem:$0x3FFE];
	_ =	sdelay $0x1  }
0x8a: {  	s1 =	srdreg.scid  }
0x8b: {  	s0 =	sand.u32 $0x1, s1  }
0x8c: {  	s17 =	sshll.u32 s0, $0xA;
	s2 =	sadd.s32 s3, s2  }
0x8d: {  	s2 =	sadd.s32 s2, s17  }
0x8e: {  	[smem:$0x3FB9] =	sst s2  }
0x8f: {  	_ = 	snop  }
0x90: {  	s18 =	sld [smem:$0x3FD0];
	(tm) =	ssettm $0x1  }
0x91: {  	s19 =	sld [smem:$0x3FFB];
	_ =	sdelay $0x3  }
0x92: {  	_ =	strace s19  }
0x93: {  	s2 =	sld [smem:$0x3FFC];
	_ =	sdelay $0x3  }
0x94: {  	_ =	strace s2  }
0x95: {  	s2 =	sld [smem:$0x3FFD];
	_ =	sdelay $0x3  }
0x96: {  	_ =	strace s2  }
0x97: {  	_ =	strace $0x8FFFFFFF  }
0x98: {  	s20 =	sld [smem:$0x3FDB];
	_ =	sdelay $0x1  }
0x99: {  	s4 =	simm.s32 $_scs_section_size  }
0x9a: {  	s5 =	simm.s32 $_size__tile_overlayer_lowered;
	s6 =	simm.s32 $_tile_overlayer_lowered  }
0x9b: {  	s7 =	simm.s32 $0x1BFF;
	s21 =	sshll.u32 s6, $0x1;
	s4 =	sadd.s32 s4, s20  }
0x9c: {  	s22 =	simm.s32 $0x0;
	s5 =	sshll.u32 s5, $0x1;
	s6 =	sadd.s32 s21, s4  }
0x9d: {  	[timem:s22], [sflag:s7] =	dma.local [hbm:s6], s5  }
0x9e: {  	_ =	swait.ge [sflag:s7], s5  }
0x9f: {  	s5 =	ssub.s32 $0x0, s5;
	[sflag:s7] =	ssyncset.done $0x0  }
0xa0: {  	[sflag:s7] =	ssyncadd.s32 s5;
	_ =	sdelay $0x1  }
0xa1: {  	s23 =	simm.s32 $0x1B8B  }
0xa2: {  	_ =	swait.ge [sflag:s23], $0x1  }
0xa3: {  	[sflag:s23] =	ssyncset.done $0x0  }
0xa4: {  	[sflag:s23] =	ssyncadd.s32 $0xFFFFFFFF  }
0xa5: {  	s5 =	sld [smem:$0x0]  }
0xa6: {  	s6 =	sand.u32 $0xFFFFFFFE, s1  }
0xa7: {  	p0 =	sne.s32 s1, s6  }
0xa8: {  	s6 =	sshll.u32 @p0 s6, $0xE  }
0xa9: {  	s6 =	sadd.s32 @p0 $0x11B8D, s6;
	s7 =	sshll.u32 @p0 s5, $0x11  }
0xaa: {  	s6 =	sor.u32 @p0 s7, s6  }
0xab: {  	[sflag:s6] =	ssyncadd.remote.s32 @p0 $0x1;
	_ =	sdelay $0x1  }
0xac: {  	s6 =	simm.s32 @p0 $0x1B8D  }
0xad: {  	_ =	swait.eq @p0 [sflag:s6], $0x1  }
0xae: {  	[sflag:s6] =	ssyncadd.s32 @p0 $0xFFFFFFFF  }
0xaf: {  	s7 =	sshll.u32 @!p0 s1, $0xE  }
0xb0: {  	s7 =	sor.u32 @!p0 $0x4000, s7;
	s6 =	simm.s32 @!p0 $0x1B8D  }
0xb1: {  	s5 =	sshll.u32 @!p0 s5, $0x11;
	s7 =	sadd.s32 @!p0 $0x11B8D, s7;
	_ =	swait.eq @!p0 [sflag:s6], $0x1  }
0xb2: {  	s5 =	sor.u32 @!p0 s5, s7;
	[sflag:s6] =	ssyncadd.s32 @!p0 $0xFFFFFFFF  }
0xb3: {  	s25 =	simm.s32 $0x1B8E;
	s24 =	sld [smem:$0x3FFE];
	[sflag:s5] =	ssyncadd.remote.s32 @!p0 $0x1  }
0xb4: {  	s26 =	simm.s32 $execute0_lowered;
	[smem:$0x3FD2] =	sst s25  }
0xb5: {  	s6 =	sshll.u32 s26, $0x1;
	_ =	strace $0x8000004F;
	[dreg:$0x1] =	wrdreg $0xFFFFFFFF  }
0xb6: {  	s28 =	simm.s32 $_size_execute0_lowered;
	s4 =	sadd.s32 s4, s6;
	[dreg:$0x0] =	wrdreg $0x0  }
0xb7: {  	s6 =	sshll.u32 s28, $0x1;
	[dreg:$0x2] =	wrdreg s4  }
0xb8: {  	[dreg:$0x3] =	wrdreg s6  }
0xb9: {  	[dreg:$0x4] =	wrdreg $0xC0  }
0xba: {  	_ =	task [dreg:s22], $0x5FFFF  }
0xbb: {  	[dreg:$0x1] =	wrdreg $0xFFFFFFFF  }
0xbc: {  	[dreg:$0x0] =	wrdreg $0x60  }
0xbd: {  	[dreg:$0x2] =	wrdreg s24  }
0xbe: {  	[dreg:$0x3] =	wrdreg s18  }
0xbf: {  	[dreg:$0x4] =	wrdreg $0x8FB00  }
0xc0: {  	[dreg:$0x5] =	wrdreg $0x9  }
0xc1: {  	_ =	task.clear_ibuf [dreg:s22], $0x6FFFF;
	_ =	strace $0x9000004F  }
0xc2: {  	s29 =	simm.s32 $0x9;
	_ =	strace $0x80000051  }
0xc3: {  	_ =	swait.ge [sflag:s29], $0x1  }
0xc4: {  	[sflag:s29] =	ssyncadd.s32 $0xFFFFFFFF  }
0xc5: {  	_ =	strace $0x90000051  }
0xc6: {  	_ =	sfence  }
0xc7: {  	s30 =	sld [smem:$0x0];
	_ =	sdelay $0x2  }
0xc8: {  	s31 =	sshll.u32 s1, $0xD;
	s1 =	sshrl.u32 s1, $0x2  }
0xc9: {  	s4 =	sand.u32 $0x4000, s31;
	s1 =	sadd.s32 s1, s30  }
0xca: {  	s0 =	sor.u32 s4, s0;
	s1 =	sshll.u32 s1, $0x11  }
0xcb: {  	s0 =	sor.u32 s1, s0  }
0xcc: {  	s0 =	sadd.s32 $0x8F2B, s0  }
0xcd: {  	[sflag:s0] =	ssyncadd.remote.s32 $0x1  }
0xce: {  	_ =	sfence.sel $0xFFFF  }
0xcf: {  	[dreg:$0x0] =	wrdreg $0xFFFFFFFF;
	(pc) =	sbr.abs _section_cstart, $3  }
0xd0: {  	[dreg:$0x1] =	wrdreg $0xFFFFFFFF  }
0xd1: {  	_ =	task.clear_ibuf [dreg:s22], $0x2FFFF;
	_ =	strace $0x9FFFFFFF  }
0xd2: {  	(tm) =	ssettm $0x7FFFFFFF  }
0xd3: {  	_ =	shalt  }
tec
execute0_lowered:
.L_overlay_start_1:
0x0: {  	(tag) =	ssettag $0x1  }
0x1: {  	s5 =	rddreg [dreg:$0x0]  }
0x2: {  	s13 =	rddreg [dreg:$0x1];
	s1 =	stileid.u32  }
0x3: {  	s2 =	rddreg [dreg:$0x2];
	s6 =	smul.u32 $0x500, s1  }
0x4: {  	s3 =	srdreg.scid;
	s30 =	smul.u32 $0x27000, s1  }
0x5: {  	s0 =	rddreg [dreg:$0x3];
	s11 =	sand.u32 $0x1, s3;
	s8 =	smul.u32 $0x270, s1  }
0x6: {  	s18 =	simm.s32 $0x5BB0;
	s19 =	simm.s32 $0x0;
	s10 =	smul.u32 $0x2710, s11  }
0x7: {  	s4 =	sshll.u32 s1, $0x1;
	s3 =	simm.s32 $0x0;
	s12 =	smul.u32 $0x9C400, s11  }
0x8: {  	p0 =	sne.s32 s1, $0xF;
	s4 =	sor.u32 s11, s4;
	s17 =	smul.u32 $0x280, s11  }
0x9: {  	[smem:$0x7FF] =	sst s3;
	s31 =	ssub.s32 $0x2, s11;
	s7 =	smul.u32 $0x276, s4  }
0xa: {  	s15 =	sadd.s32 s6, s5;
	s9 =	sshrl.u32 s31, $0x1;
	s6 =	sshrl.u32 s30, $0x2  }
0xb: {  	_ =	strace $0x80000050;
	s14 =	ssub.s32 s31, s9;
	s6 =	sadd.s32 s6, s2  }
0xc: {  	s10 =	sadd.s32 s8, s10;
	s9 =	sadd.s32 $0x9C000, s2;
	s16 =	sshrl.u32 s12, $0x3  }
0xd: {  	s15 =	sadd.s32 s17, s15;
	s17 =	simm.s32 $0x27B0;
	s5 =	sadd.s32 s7, s5  }
0xe: {  	s7 =	sadd.s32 $0x3400, s6;
	s8 =	sadd.s32 $0x6800, s6;
	s10 =	sshll.u32 s10, $0x3  }
0xf: {  	s14 =	smax.u32 s14, $0x1;
	s15 =	sadd.s32 $0x30C08, s15;
	s5 =	sadd.s32 $0x2BC00, s5  }
0x10: {  	s10 =	sadd.s32 s13, s10;
	s13 =	sadd.s32 s13, s16;
	s16 =	simm.s32 $0x1  }
0x11: {  	v0 =	vimm.f32 $0.0e+00;
	s11 =	sadd.s32 $0x680, s10;
	s12 =	sadd.s32 $0xD00, s10;
	s13 =	sadd.s32 $0x13800, s13  }
.LBB2_1:
0x12: {  	s20 =	sand.u32 $0xFF00, s3  }
0x13: {  	s21 =	sand.u32 $0x30, s3;
	s22 =	sshrl.u32 s20, $0x2  }
0x14: {  	s20 =	simm.s32 $0x40;
	s22 =	sor.u32 s21, s22;
	s21 =	simm.s32 $0x0  }
.LBB2_2:
0x15: {  	p1 =	sne.s32 s20, $0xCFC0  }
0x16: {  	[tilespmem:s22+$0x27B0] =	vst v0;
	s21 =	sadd.s32 $0x10, s21;
	s22 =	smov.u32 s20;
	s20 =	sadd.s32 $0x40, s20  }
.Ltmp0:
0x17: {  	(pc) =	sbr.rel @p1 .LBB2_2-.Ltmp0, $4  }
0x18: {  	_ = 	snop  }
0x19: {  	s22 =	sand.u32 $0xFF00, s22  }
0x1a: {  	s23 =	sand.u32 $0x30, s21;
	s22 =	sshrl.u32 s22, $0x2  }
0x1b: {  	s22 =	sor.u32 s23, s22  }
0x1c: {  	[tilespmem:s22+$0x27B0] =	vst v0  }
0x1d: {  	[tilespmem:s3], [sflag:$0x1] =	stream.linear.gather [hbm4b:s5+s3], $0x13B0, $0x38;
	[tilespmem:$0x12BF0] =	vst v63  }
0x1e: {  	_ =	swait.ge [sflag:s16], $0x13B0  }
0x1f: {  	[sflag:s16] =	ssyncset.done $0x0  }
0x20: {  	[sflag:s16] =	ssyncadd.s32 $0xFFFFEC50  }
0x21: {  	[spmem:s6] =	stream.linear.scatter [tilespmem:s17], [sflag:$0x1], $0x3400, $0x38;
	[tilespmem:$0x12BF0] =	vst v63  }
0x22: {  	_ =	swait.ge [sflag:s16], $0x3400  }
0x23: {  	[sflag:s16] =	ssyncset.done $0x0  }
0x24: {  	[sflag:s16] =	ssyncadd.s32 $0xFFFFCC00  }
0x25: {  	[spmem:s7] =	stream.linear.scatter [tilespmem:s17], [sflag:$0x1], $0x3400, $0x38;
	[tilespmem:$0x12BF0] =	vst v63  }
0x26: {  	_ =	swait.ge [sflag:s16], $0x3400  }
0x27: {  	[sflag:s16] =	ssyncset.done $0x0  }
0x28: {  	[sflag:s16] =	ssyncadd.s32 $0xFFFFCC00  }
0x29: {  	[spmem:s8] =	stream.linear.scatter [tilespmem:s17], [sflag:$0x1], $0x3400, $0x38;
	[tilespmem:$0x12BF0] =	vst v63  }
0x2a: {  	_ =	swait.ge [sflag:s16], $0x3400  }
0x2b: {  	[sflag:s16] =	ssyncset.done $0x0  }
0x2c: {  	s20 =	simm.s32 @!p0 $0x27B0;
	[sflag:s16] =	ssyncadd.s32 $0xFFFFCC00  }
0x2d: {  	[spmem:s9] =	stream.linear.scatter @!p0 [tilespmem:s20], [sflag:$0x1], $0x400, $0x38;
	[tilespmem:$0x12BF0] =	vst v63  }
0x2e: {  	s20 =	simm.s32 @!p0 $0x1  }
0x2f: {  	p1 =	sgt.u32 s4, $0x7CF;
	_ =	swait.ge @!p0 [sflag:s20], $0x400  }
0x30: {  	s21 =	simm.s32 @!p1 $0x40;
	[sflag:s20] =	ssyncset.done @!p0 $0x0  }
0x31: {  	s22 =	simm.s32 @!p1 $0x80;
	s23 =	simm.s32 @!p1 $0x13B0;
	[sflag:s20] =	ssyncadd.s32 @!p0 $0xFFFFFC00  }
0x32: {  	s24 =	simm.s32 @!p1 $0x2;
	s20 =	sadd.s32 @!p1 $0xFFFFFFF8, s15;
	[bflag:$0x0] =	sbarrier.arrive $0xFFFF  }
0x33: {  	[tilespmem:s23], [sflag:$0x2] =	stream.strided.gather @!p1 [hbm4b:s20+s21], $0xA00, s22, s21, $0x38;
	[tilespmem:$0x12BF0] =	vst v63  }
0x34: {  	_ =	swait.ge @!p1 [sflag:s24], $0xA00;
	p1 =	por p1, p1  }
0x35: {  	[sflag:s24] =	ssyncset.done @!p1 $0x0  }
0x36: {  	s20 =	simm.s32 @!p1 $0x1DB0;
	[sflag:s24] =	ssyncadd.s32 @!p1 $0xFFFFF600  }
0x37: {  	[tilespmem:s20], [sflag:$0x2] =	stream.strided.gather @!p1 [hbm4b:s15+s21], $0xA00, s22, s21, $0x38;
	[tilespmem:$0x12BF0] =	vst v63  }
0x38: {  	_ =	swait.ge @!p1 [sflag:s24], $0xA00  }
0x39: {  	[sflag:s24] =	ssyncset.done @!p1 $0x0  }
0x3a: {  	s21 =	simm.s32 @!p1 $0x0;
	s22 =	simm.s32 @!p1 $0x28;
	[sflag:s24] =	ssyncadd.s32 @!p1 $0xFFFFF600  }
0x3b: {  	[spmem:s2] =	stream.indirect.scatter.add.f32 @!p1 [tilespmem:s23], [sflag:$0x2], $0x40, s21, s22, $0xb8;
	[tilespmem:$0x12BF0] =	vst v63  }
0x3c: {  	_ =	swait.ge @!p1 [sflag:s24], $0xA00  }
0x3d: {  	[sflag:s24] =	ssyncset.done @!p1 $0x0  }
0x3e: {  	s21 =	simm.s32 @!p1 $0x28;
	[sflag:s24] =	ssyncadd.s32 @!p1 $0xFFFFF600  }
0x3f: {  	[spmem:s2] =	stream.indirect.scatter.add.f32 @!p1 [tilespmem:s20], [sflag:$0x1], $0x40, s21, s22, $0xb8;
	[tilespmem:$0x12BF0] =	vst v63  }
0x40: {  	s23 =	sadd.s32 $0x20, s4;
	s24 =	simm.s32 @!p1 $0x1;
	s20 =	simm.s32 $0x140  }
0x41: {  	s22 =	simm.s32 $0x280;
	s21 =	sadd.s32 $0x5000, s15;
	_ =	swait.ge @!p1 [sflag:s24], $0xA00  }
.LBB2_4:
0x42: {  	p3 =	sgt.u32 s23, $0x7CF  }
0x43: {  	[sflag:s24] =	ssyncset.done @!p1 $0x0;
	s25 =	smov.u32 s22;
	s22 =	sadd.s32 $0x140, s22  }
0x44: {  	s26 =	sadd.s32 @!p3 $0xFFFFFFF8, s21;
	s28 =	simm.s32 @!p3 $0x40;
	[sflag:s24] =	ssyncadd.s32 @!p1 $0xFFFFF600  }
0x45: {  	s24 =	simm.s32 @!p3 $0x80;
	s29 =	simm.s32 @!p3 $0x13B0;
	s30 =	simm.s32 @!p3 $0x2  }
0x46: {  	[tilespmem:s29], [sflag:$0x2] =	stream.strided.gather @!p3 [hbm4b:s26+s28], $0xA00, s24, s28, $0x38;
	[tilespmem:$0x12BF0] =	vst v63  }
0x47: {  	p2 =	sne.s32 s22, $0x4EC0;
	p1 =	por p3, p3;
	_ =	swait.ge @!p3 [sflag:s30], $0xA00  }
0x48: {  	s26 =	simm.s32 @!p1 $0x1DB0;
	[sflag:s30] =	ssyncset.done @!p1 $0x0  }
0x49: {  	[sflag:s30] =	ssyncadd.s32 @!p1 $0xFFFFF600  }
0x4a: {  	[tilespmem:s26], [sflag:$0x2] =	stream.strided.gather @!p1 [hbm4b:s21+s28], $0xA00, s24, s28, $0x38;
	[tilespmem:$0x12BF0] =	vst v63  }
0x4b: {  	_ =	swait.ge @!p1 [sflag:s30], $0xA00  }
0x4c: {  	s24 =	sshra.s32 @!p1 s20, $0x2;
	s28 =	simm.s32 @!p1 $0x28;
	[sflag:s30] =	ssyncset.done @!p1 $0x0  }
0x4d: {  	s20 =	smov.u32 s25;
	s31 =	sadd.s32 @!p1 $0x28, s24;
	[sflag:s30] =	ssyncadd.s32 @!p1 $0xFFFFF600  }
0x4e: {  	[spmem:s2] =	stream.indirect.scatter.add.f32 @!p1 [tilespmem:s29], [sflag:$0x2], $0x40, s24, s28, $0xb8;
	[tilespmem:$0x12BF0] =	vst v63  }
.Ltmp1:
0x4f: {  	_ =	swait.ge @!p1 [sflag:s30], $0xA00;
	(pc) =	sbr.rel @p2 .LBB2_4-.Ltmp1, $4  }
0x50: {  	[sflag:s30] =	ssyncset.done @!p1 $0x0  }
0x51: {  	s24 =	simm.s32 @!p1 $0x1;
	[sflag:s30] =	ssyncadd.s32 @!p1 $0xFFFFF600  }
0x52: {  	[spmem:s2] =	stream.indirect.scatter.add.f32 @!p1 [tilespmem:s26], [sflag:$0x1], $0x40, s31, s28, $0xb8;
	[tilespmem:$0x12BF0] =	vst v63  }
0x53: {  	s23 =	sadd.s32 $0x20, s23;
	s21 =	sadd.s32 $0x5000, s21;
	_ =	swait.ge @!p1 [sflag:s24], $0xA00  }
0x54: {  	p2 =	sgt.u32 s23, $0x7CF;
	[sflag:s24] =	ssyncset.done @!p1 $0x0  }
0x55: {  	s22 =	sadd.s32 @!p2 $0xFFFFFFF8, s21;
	s23 =	simm.s32 @!p2 $0x40;
	[sflag:s24] =	ssyncadd.s32 @!p1 $0xFFFFF600  }
0x56: {  	s24 =	simm.s32 @!p2 $0x80;
	s25 =	simm.s32 @!p2 $0x13B0;
	s26 =	simm.s32 @!p2 $0x2  }
0x57: {  	[tilespmem:s25], [sflag:$0x2] =	stream.strided.gather @!p2 [hbm4b:s22+s23], $0xA00, s24, s23, $0x38;
	[tilespmem:$0x12BF0] =	vst v63  }
0x58: {  	p1 =	por p2, p2;
	_ =	swait.ge @!p2 [sflag:s26], $0xA00  }
0x59: {  	[sflag:s26] =	ssyncset.done @!p1 $0x0  }
0x5a: {  	s22 =	simm.s32 @!p1 $0x1DB0;
	[sflag:s26] =	ssyncadd.s32 @!p1 $0xFFFFF600  }
0x5b: {  	[tilespmem:s22], [sflag:$0x2] =	stream.strided.gather @!p1 [hbm4b:s21+s23], $0xA00, s24, s23, $0x38;
	[tilespmem:$0x12BF0] =	vst v63  }
0x5c: {  	_ =	swait.ge @!p1 [sflag:s26], $0xA00  }
0x5d: {  	[sflag:s26] =	ssyncset.done @!p1 $0x0  }
0x5e: {  	s20 =	sshra.s32 @!p1 s20, $0x2;
	s21 =	simm.s32 @!p1 $0x28;
	[sflag:s26] =	ssyncadd.s32 @!p1 $0xFFFFF600  }
0x5f: {  	[spmem:s2] =	stream.indirect.scatter.add.f32 @!p1 [tilespmem:s25], [sflag:$0x2], $0x40, s20, s21, $0xb8;
	[tilespmem:$0x12BF0] =	vst v63  }
0x60: {  	_ =	swait.ge @!p1 [sflag:s26], $0xA00  }
0x61: {  	[sflag:s26] =	ssyncset.done @!p1 $0x0  }
0x62: {  	s23 =	simm.s32 @!p1 $0x1;
	s20 =	sadd.s32 @!p1 $0x28, s20;
	[sflag:s26] =	ssyncadd.s32 @!p1 $0xFFFFF600  }
0x63: {  	[spmem:s2] =	stream.indirect.scatter.add.f32 @!p1 [tilespmem:s22], [sflag:$0x1], $0x40, s20, s21, $0xb8;
	[tilespmem:$0x12BF0] =	vst v63  }
0x64: {  	_ =	swait.ge @!p1 [sflag:s23], $0xA00  }
0x65: {  	[sflag:s23] =	ssyncset.done @!p1 $0x0  }
0x66: {  	[sflag:s23] =	ssyncadd.s32 @!p1 $0xFFFFF600  }
0x67: {  	[bflag:$0x0] =	sbarrier.arrive $0xFFFF  }
0x68: {  	[tilespmem:s18], [sflag:$0x1] =	stream.linear.gather [spmem:s6], $0x3400, $0x38;
	[tilespmem:$0x12BF0] =	vst v63  }
0x69: {  	_ =	swait.ge [sflag:s16], $0x3400  }
0x6a: {  	[sflag:s16] =	ssyncset.done $0x0  }
0x6b: {  	[sflag:s16] =	ssyncadd.s32 $0xFFFFCC00  }
0x6c: {  	[hbm4b:s10+s3] =	stream.linear.scatter [tilespmem:s18], [sflag:$0x1], $0x3400, $0x38;
	[tilespmem:$0x12BF0] =	vst v63  }
0x6d: {  	_ =	swait.ge [sflag:s16], $0x3400  }
0x6e: {  	[sflag:s16] =	ssyncset.done $0x0  }
0x6f: {  	[sflag:s16] =	ssyncadd.s32 $0xFFFFCC00  }
0x70: {  	[tilespmem:s18], [sflag:$0x1] =	stream.linear.gather [spmem:s7], $0x3400, $0x38;
	[tilespmem:$0x12BF0] =	vst v63  }
0x71: {  	_ =	swait.ge [sflag:s16], $0x3400  }
0x72: {  	[sflag:s16] =	ssyncset.done $0x0  }
0x73: {  	[sflag:s16] =	ssyncadd.s32 $0xFFFFCC00  }
0x74: {  	[hbm4b:s11+s3] =	stream.linear.scatter [tilespmem:s18], [sflag:$0x1], $0x3400, $0x38;
	[tilespmem:$0x12BF0] =	vst v63  }
0x75: {  	_ =	swait.ge [sflag:s16], $0x3400  }
0x76: {  	[sflag:s16] =	ssyncset.done $0x0  }
0x77: {  	[sflag:s16] =	ssyncadd.s32 $0xFFFFCC00  }
0x78: {  	[tilespmem:s18], [sflag:$0x1] =	stream.linear.gather [spmem:s8], $0x3400, $0x38;
	[tilespmem:$0x12BF0] =	vst v63  }
0x79: {  	_ =	swait.ge [sflag:s16], $0x3400  }
0x7a: {  	[sflag:s16] =	ssyncset.done $0x0  }
0x7b: {  	[sflag:s16] =	ssyncadd.s32 $0xFFFFCC00  }
0x7c: {  	[hbm4b:s12+s3] =	stream.linear.scatter [tilespmem:s18], [sflag:$0x1], $0x3400, $0x38;
	[tilespmem:$0x12BF0] =	vst v63  }
0x7d: {  	_ =	swait.ge [sflag:s16], $0x3400  }
0x7e: {  	[sflag:s16] =	ssyncset.done $0x0  }
0x7f: {  	s20 =	simm.s32 @!p0 $0x5BB0;
	s21 =	simm.s32 @!p0 $0x1;
	[sflag:s16] =	ssyncadd.s32 $0xFFFFCC00  }
0x80: {  	[tilespmem:s20], [sflag:$0x1] =	stream.linear.gather @!p0 [spmem:s9], $0x400, $0x38;
	[tilespmem:$0x12BF0] =	vst v63  }
0x81: {  	s19 =	sadd.s32 $0x1, s19;
	_ =	swait.ge @!p0 [sflag:s21], $0x400  }
0x82: {  	p1 =	sne.s32 s19, s14;
	[sflag:s21] =	ssyncset.done @!p0 $0x0  }
.Ltmp2:
0x83: {  	s22 =	simm.s32 @!p0 $0x0;
	[sflag:s21] =	ssyncadd.s32 @!p0 $0xFFFFFC00;
	(pc) =	sbr.rel @p1 .LBB2_1-.Ltmp2, $4  }
0x84: {  	[hbm4b:s13+s22] =	stream.linear.scatter @!p0 [tilespmem:s20], [sflag:$0x1], $0x400, $0x38;
	[tilespmem:$0x12BF0] =	vst v63  }
0x85: {  	_ =	swait.ge @!p0 [sflag:s21], $0x400  }
0x86: {  	[sflag:s21] =	ssyncset.done @!p0 $0x0  }
0x87: {  	[sflag:s21] =	ssyncadd.s32 @!p0 $0xFFFFFC00  }
0x88: {  	_ =	sfence.sel $0x180000  }
0x89: {  	[bflag:$0x0] =	sbarrier.arrive $0xFFFF  }
0x8a: {  	p0 =	sne.s32 s1, $0x0;
	_ =	strace $0x90000050  }
0x8b: {  	s0 =	sadd.s32 @!p0 $0x100000, s0;
	[bflag:$0x2] =	sbarrier.arrive $0xFFFF  }
0x8c: {  	[sflag:s0] =	ssyncadd.tile.s32 @!p0 $0x1;
	_ =	shalt  }
.Lfunc_end2:
_tile_overlayer_lowered:
.L_overlay_start_2:
0x8d: {  	(tag) =	ssettag $0x2  }
0x8e: {  	s0 =	rddreg [dreg:$0x0];
	s2 =	stileid.u32  }
0x8f: {  	s1 =	rddreg [dreg:$0x1];
	p0 =	sne.s32 s2, $0x0  }
0x90: {  	s3 =	rddreg [dreg:$0x2];
	[bflag:$0x3] =	sbarrier.arrive $0xFFFF;
	s2 =	simm.s32 @!p0 $0x1C01  }
0x91: {  	[timem:s3], [sflag:s2] =	dma.local @!p0 [hbm:s0], s1  }
0x92: {  	s0 =	simm.s32 @!p0 $0x1  }
0x93: {  	_ =	swait.ge @!p0 [sflag:s0], s1  }
0x94: {  	s1 =	ssub.s32 @!p0 $0x0, s1;
	[sflag:s0] =	ssyncset.done @!p0 $0x0  }
0x95: {  	[sflag:s0] =	ssyncadd.s32 @!p0 s1  }
0x96: {  	[bflag:$0x3] =	sbarrier.arrive $0xFFFF  }
0x97: {  	_ =	shalt  }

// kernel: kernel.19.cloned.1.call-start
scs
__scs_entry_jumppad:
0x0: {  	(pc) =	sbr.rel $0x88, $3  }
0x1: {  	(tag) =	ssettag $0x0;
	lr =	simm.s32 $0x1  }
0x2: {  	[smem:$0x3F92] =	sst lr;
	_ =	strace $0xD0000000  }
0x3: {  	_ = 	snop  }
0x4: {  	_ = 	snop  }
0x5: {  	_ = 	snop  }
0x6: {  	_ = 	snop  }
0x7: {  	_ = 	snop  }
__scs_overlays_trampoline_lowered:
0x8: {  	[smem:$0x3FA1] =	sst s0  }
0x9: {  	[smem:$0x3FA2] =	sst s1  }
0xa: {  	[smem:$0x3FA3] =	sst s2  }
0xb: {  	[smem:$0x3FA4] =	sst s3  }
0xc: {  	[smem:$0x3FA5] =	sst s4  }
0xd: {  	[smem:$0x3FA6] =	sst s5  }
0xe: {  	[smem:$0x3FA7] =	sst s6  }
0xf: {  	[smem:$0x3FA8] =	sst s7  }
0x10: {  	[smem:$0x3FA9] =	sst s8  }
0x11: {  	[smem:$0x3FAA] =	sst s9;
	s0 =	simm.s32 @!p0 $0x0  }
0x12: {  	s1 =	sld [smem:$0x3F90];
	s0 =	simm.s32 @p0 $0x1  }
0x13: {  	[smem:$0x3FAB] =	sst s0;
	s0 =	simm.s32 @!p1 $0x0  }
0x14: {  	s2 =	sld [smem:$0x3F8F];
	s0 =	simm.s32 @p1 $0x1  }
0x15: {  	[smem:$0x3FAC] =	sst s0;
	s0 =	simm.s32 @!p2 $0x0  }
0x16: {  	s3 =	sld [smem:$0x3FDB];
	s0 =	simm.s32 @p2 $0x1  }
0x17: {  	s4 =	simm.s32 $0x1BF5;
	[smem:$0x3FAE] =	sst s0  }
0x18: {  	s0 =	sld [smem:$0x3F91];
	_ =	swait.ge [sflag:s4], $0x0  }
0x19: {  	s7 =	sld [smem:$0x3F92]  }
0x1a: {  	s8 =	sadd.s32 $0xFFFFE003, lr  }
0x1b: {  	s9 =	sadd.s32 $0xFFFFFEF7, lr;
	s5 =	simm.s32 $0xFFFFFFFF;
	p2 =	slt.u32 s8, $0xFFFFF086  }
0x1c: {  	p1 =	slt.u32 s9, $0xF7A;
	s5 =	simm.s32 @!p2 $0x0  }
0x1d: {  	s5 =	simm.s32 @p1 $0x1;
	p0 =	seq.s32 s7, s2  }
0x1e: {  	s7 =	smul.u32 @!p0 $0xF7A, s2;
	p2 =	seq.s32 @!p0 s5, $0x0  }
0x1f: {  	s9 =	smul.u32 $0xF7A, s1;
	s8 =	simm.s32 @!p0 $0x1BF5;
	p2 =	por !p2, p0  }
0x20: {  	[sflag:s8] =	ssyncset.s32 @!p0 $0xFFFFF086;
	s6 =	sadd.s32 @!p0 s3, s7;
	s7 =	simm.s32 @!p0 $0x108  }
0x21: {  	s3 =	sadd.s32 s3, s9;
	s6 =	sadd.s32 @!p0 $0x88, s6;
	s7 =	simm.s32 @p2 $0x1082  }
0x22: {  	[simem:s7], [sflag:s8] =	dma.local @!p0 [hbm:s6], $0xF7A  }
0x23: {  	s9 =	sor.u32 $0xD0000000, s2;
	s6 =	simm.s32 $0x108;
	_ =	swait.ge @!p0 [sflag:s8], $0x0  }
0x24: {  	s3 =	sadd.s32 $0x88, s3;
	s6 =	simm.s32 @!p1 $0x1082;
	[sflag:s4] =	ssyncset.s32 $0xFFFFF086  }
0x25: {  	[simem:s6], [sflag:s4] =	dma.local [hbm:s3], $0xF7A  }
0x26: {  	[smem:$0x3F92] =	sst s1;
	(tag) =	ssettag s2;
	_ =	strace s9  }
0x27: {  	s1 =	sld [smem:$0x3FA2]  }
0x28: {  	s2 =	sld [smem:$0x3FA3]  }
0x29: {  	s4 =	sld [smem:$0x3FA5]  }
0x2a: {  	p0 =	seq.s32 s5, $0x0;
	s5 =	sld [smem:$0x3FA6]  }
0x2b: {  	s6 =	sld [smem:$0x3FA7]  }
0x2c: {  	s7 =	sld [smem:$0x3FA8]  }
0x2d: {  	s3 =	simm.s32 $0x108;
	s8 =	sld [smem:$0x3FA9]  }
0x2e: {  	s3 =	simm.s32 @!p0 $0x1082;
	s9 =	sld [smem:$0x3FAA]  }
0x2f: {  	lr =	sadd.s32 s0, s3;
	s0 =	sld [smem:$0x3FA1]  }
0x30: {  	s3 =	sld [smem:$0x3FA4]  }
0x31: {  	[smem:$0x3FAD] =	sst s10  }
0x32: {  	s10 =	sld [smem:$0x3FAB];
	_ =	sdelay $0x3  }
0x33: {  	p0 =	seq.s32 s10, $0x1;
	s10 =	sld [smem:$0x3FAD];
	_ =	sdelay $0x3  }
0x34: {  	[smem:$0x3FAD] =	sst s10  }
0x35: {  	s10 =	sld [smem:$0x3FAC];
	_ =	sdelay $0x3  }
0x36: {  	p1 =	seq.s32 s10, $0x1;
	s10 =	sld [smem:$0x3FAD];
	_ =	sdelay $0x3  }
0x37: {  	[smem:$0x3FAD] =	sst s10  }
0x38: {  	s10 =	sld [smem:$0x3FAE]  }
0x39: {  	_ = 	snop;
	(pc) =	sbr.ind lr, $3  }
0x3a: {  	_ = 	snop  }
0x3b: {  	_ = 	snop  }
0x3c: {  	p2 =	seq.s32 s10, $0x1;
	s10 =	sld [smem:$0x3FAD]  }
0x3d: {  	_ =	shalt  }
0x3e: {  	_ =	shalt  }
0x3f: {  	_ =	shalt  }
0x40: {  	_ =	shalt  }
0x41: {  	_ =	shalt  }
0x42: {  	_ =	shalt  }
0x43: {  	_ =	shalt  }
0x44: {  	_ =	shalt  }
0x45: {  	_ =	shalt  }
0x46: {  	_ =	shalt  }
0x47: {  	_ =	shalt  }
0x48: {  	_ =	shalt  }
0x49: {  	_ =	shalt  }
0x4a: {  	_ =	shalt  }
0x4b: {  	_ =	shalt  }
0x4c: {  	_ =	shalt  }
0x4d: {  	_ =	shalt  }
0x4e: {  	_ =	shalt  }
0x4f: {  	_ =	shalt  }
0x50: {  	_ =	shalt  }
0x51: {  	_ =	shalt  }
0x52: {  	_ =	shalt  }
0x53: {  	_ =	shalt  }
0x54: {  	_ =	shalt  }
0x55: {  	_ =	shalt  }
0x56: {  	_ =	shalt  }
0x57: {  	_ =	shalt  }
0x58: {  	_ =	shalt  }
0x59: {  	_ =	shalt  }
0x5a: {  	_ =	shalt  }
0x5b: {  	_ =	shalt  }
0x5c: {  	_ =	shalt  }
0x5d: {  	_ =	shalt  }
0x5e: {  	_ =	shalt  }
0x5f: {  	_ =	shalt  }
0x60: {  	_ =	shalt  }
0x61: {  	_ =	shalt  }
0x62: {  	_ =	shalt  }
0x63: {  	_ =	shalt  }
0x64: {  	_ =	shalt  }
0x65: {  	_ =	shalt  }
0x66: {  	_ =	shalt  }
0x67: {  	_ =	shalt  }
0x68: {  	_ =	shalt  }
0x69: {  	_ =	shalt  }
0x6a: {  	_ =	shalt  }
0x6b: {  	_ =	shalt  }
0x6c: {  	_ =	shalt  }
0x6d: {  	_ =	shalt  }
0x6e: {  	_ =	shalt  }
0x6f: {  	_ =	shalt  }
0x70: {  	_ =	shalt  }
0x71: {  	_ =	shalt  }
0x72: {  	_ =	shalt  }
0x73: {  	_ =	shalt  }
0x74: {  	_ =	shalt  }
0x75: {  	_ =	shalt  }
0x76: {  	_ =	shalt  }
0x77: {  	_ =	shalt  }
0x78: {  	_ =	shalt  }
0x79: {  	_ =	shalt  }
0x7a: {  	_ =	shalt  }
0x7b: {  	_ =	shalt  }
0x7c: {  	_ =	shalt  }
0x7d: {  	_ =	shalt  }
0x7e: {  	_ =	shalt  }
0x7f: {  	_ =	shalt  }
0x80: {  	_ =	shalt  }
0x81: {  	_ =	shalt  }
0x82: {  	_ =	shalt  }
0x83: {  	_ =	shalt  }
0x84: {  	_ =	shalt  }
0x85: {  	_ =	shalt  }
0x86: {  	_ =	shalt  }
0x87: {  	_ =	shalt  }
.Lfunc_end0:
.L_simem_size_0:
called_computation.3_lowered:
.L_overlay_start_0:
0x88: {  	s2 =	sld [smem:$0x3FD9]  }
0x89: {  	s3 =	sld [smem:$0x3FFE];
	_ =	sdelay $0x1  }
0x8a: {  	s1 =	srdreg.scid  }
0x8b: {  	s0 =	sand.u32 $0x1, s1  }
0x8c: {  	s17 =	sshll.u32 s0, $0xA;
	s2 =	sadd.s32 s3, s2  }
0x8d: {  	s2 =	sadd.s32 s2, s17  }
0x8e: {  	[smem:$0x3FB9] =	sst s2  }
0x8f: {  	_ = 	snop  }
0x90: {  	(tm) =	ssettm $0x1  }
0x91: {  	s18 =	sld [smem:$0x3FFB];
	_ =	sdelay $0x3  }
0x92: {  	_ =	strace s18  }
0x93: {  	s2 =	sld [smem:$0x3FFC];
	_ =	sdelay $0x3  }
0x94: {  	_ =	strace s2  }
0x95: {  	s2 =	sld [smem:$0x3FFD];
	_ =	sdelay $0x3  }
0x96: {  	_ =	strace s2  }
0x97: {  	_ =	strace $0x8FFFFFFF  }
0x98: {  	s19 =	sld [smem:$0x3FDB];
	_ =	sdelay $0x1  }
0x99: {  	s20 =	simm.s32 $_scs_section_size  }
0x9a: {  	s4 =	simm.s32 $_size__tile_overlayer_lowered;
	s5 =	simm.s32 $_tile_overlayer_lowered  }
0x9b: {  	s6 =	simm.s32 $0x1BFF;
	s21 =	sshll.u32 s5, $0x1;
	s3 =	sadd.s32 s20, s19  }
0x9c: {  	s22 =	simm.s32 $0x0;
	s4 =	sshll.u32 s4, $0x1;
	s5 =	sadd.s32 s21, s3  }
0x9d: {  	[timem:s22], [sflag:s6] =	dma.local [hbm:s5], s4  }
0x9e: {  	_ =	swait.ge [sflag:s6], s4  }
0x9f: {  	s4 =	ssub.s32 $0x0, s4;
	[sflag:s6] =	ssyncset.done $0x0  }
0xa0: {  	[sflag:s6] =	ssyncadd.s32 s4;
	_ =	sdelay $0x1  }
0xa1: {  	s23 =	simm.s32 $0x1B8B  }
0xa2: {  	_ =	swait.ge [sflag:s23], $0x1  }
0xa3: {  	[sflag:s23] =	ssyncset.done $0x0  }
0xa4: {  	[sflag:s23] =	ssyncadd.s32 $0xFFFFFFFF  }
0xa5: {  	s4 =	sld [smem:$0x0]  }
0xa6: {  	s5 =	sand.u32 $0xFFFFFFFE, s1  }
0xa7: {  	p0 =	sne.s32 s1, s5  }
0xa8: {  	s5 =	sshll.u32 @p0 s5, $0xE  }
0xa9: {  	s5 =	sadd.s32 @p0 $0x11B8D, s5;
	s6 =	sshll.u32 @p0 s4, $0x11  }
0xaa: {  	s5 =	sor.u32 @p0 s6, s5  }
0xab: {  	[sflag:s5] =	ssyncadd.remote.s32 @p0 $0x1;
	_ =	sdelay $0x1  }
0xac: {  	s5 =	simm.s32 @p0 $0x1B8D  }
0xad: {  	_ =	swait.eq @p0 [sflag:s5], $0x1  }
0xae: {  	[sflag:s5] =	ssyncadd.s32 @p0 $0xFFFFFFFF  }
0xaf: {  	s6 =	sshll.u32 @!p0 s1, $0xE  }
0xb0: {  	s6 =	sor.u32 @!p0 $0x4000, s6;
	s5 =	simm.s32 @!p0 $0x1B8D  }
0xb1: {  	s4 =	sshll.u32 @!p0 s4, $0x11;
	s6 =	sadd.s32 @!p0 $0x11B8D, s6;
	_ =	swait.eq @!p0 [sflag:s5], $0x1  }
0xb2: {  	s4 =	sor.u32 @!p0 s4, s6;
	[sflag:s5] =	ssyncadd.s32 @!p0 $0xFFFFFFFF  }
0xb3: {  	s25 =	simm.s32 $0x1B8E;
	s24 =	sld [smem:$0x3FFE];
	[sflag:s4] =	ssyncadd.remote.s32 @!p0 $0x1  }
0xb4: {  	s26 =	simm.s32 $execute0_lowered;
	[smem:$0x3FD2] =	sst s25  }
0xb5: {  	s5 =	sshll.u32 s26, $0x1;
	_ =	strace $0x8000004C;
	[dreg:$0x1] =	wrdreg $0xFFFFFFFF  }
0xb6: {  	s28 =	simm.s32 $_size_execute0_lowered;
	s3 =	sadd.s32 s3, s5;
	[dreg:$0x0] =	wrdreg $0x0  }
0xb7: {  	s5 =	sshll.u32 s28, $0x1;
	[dreg:$0x2] =	wrdreg s3  }
0xb8: {  	[dreg:$0x3] =	wrdreg s5  }
0xb9: {  	[dreg:$0x4] =	wrdreg $0xC0  }
0xba: {  	_ =	task [dreg:s22], $0x5FFFF  }
0xbb: {  	[dreg:$0x1] =	wrdreg $0xFFFFFFFF  }
0xbc: {  	[dreg:$0x0] =	wrdreg $0x60  }
0xbd: {  	[dreg:$0x2] =	wrdreg s24  }
0xbe: {  	[dreg:$0x3] =	wrdreg $0x8FB00  }
0xbf: {  	[dreg:$0x4] =	wrdreg $0xA  }
0xc0: {  	_ =	task.clear_ibuf [dreg:s22], $0x5FFFF;
	_ =	strace $0x9000004C  }
0xc1: {  	s29 =	simm.s32 $0xA;
	_ =	strace $0x8000004E  }
0xc2: {  	_ =	swait.ge [sflag:s29], $0x1  }
0xc3: {  	[sflag:s29] =	ssyncadd.s32 $0xFFFFFFFF  }
0xc4: {  	_ =	strace $0x9000004E  }
0xc5: {  	_ =	sfence  }
0xc6: {  	s30 =	sld [smem:$0x0];
	_ =	sdelay $0x2  }
0xc7: {  	s31 =	sshll.u32 s1, $0xD;
	s1 =	sshrl.u32 s1, $0x2  }
0xc8: {  	s4 =	sand.u32 $0x4000, s31;
	s1 =	sadd.s32 s1, s30  }
0xc9: {  	s0 =	sor.u32 s4, s0;
	s1 =	sshll.u32 s1, $0x11  }
0xca: {  	s0 =	sor.u32 s1, s0  }
0xcb: {  	s0 =	sadd.s32 $0x8F2B, s0  }
0xcc: {  	[sflag:s0] =	ssyncadd.remote.s32 $0x1  }
0xcd: {  	_ =	sfence.sel $0xFFFF  }
0xce: {  	[dreg:$0x0] =	wrdreg $0xFFFFFFFF;
	(pc) =	sbr.abs _section_cstart, $3  }
0xcf: {  	[dreg:$0x1] =	wrdreg $0xFFFFFFFF  }
0xd0: {  	_ =	task.clear_ibuf [dreg:s22], $0x2FFFF;
	_ =	strace $0x9FFFFFFF  }
0xd1: {  	(tm) =	ssettm $0x7FFFFFFF  }
tec
execute0_lowered:
.L_overlay_start_1:
0x0: {  	(tag) =	ssettag $0x1  }
0x1: {  	s5 =	rddreg [dreg:$0x0]  }
0x2: {  	s2 =	rddreg [dreg:$0x1];
	s1 =	stileid.u32  }
0x3: {  	s3 =	srdreg.scid;
	s6 =	smul.u32 $0x500, s1  }
0x4: {  	s0 =	rddreg [dreg:$0x2];
	s30 =	smul.u32 $0x27000, s1  }
0x5: {  	s18 =	simm.s32 $0x5BB0;
	s11 =	sand.u32 $0x1, s3;
	s8 =	smul.u32 $0x270, s1  }
0x6: {  	s19 =	simm.s32 $0x0;
	s4 =	sshll.u32 s1, $0x1;
	s10 =	smul.u32 $0x2710, s11  }
0x7: {  	s3 =	simm.s32 $0x0;
	s13 =	sadd.s32 $0x4A00, s5;
	s12 =	smul.u32 $0x9C400, s11  }
0x8: {  	p0 =	sne.s32 s1, $0xF;
	s4 =	sor.u32 s11, s4;
	s17 =	smul.u32 $0x280, s11  }
0x9: {  	[smem:$0x7FF] =	sst s3;
	s31 =	ssub.s32 $0x2, s11;
	s7 =	smul.u32 $0x276, s4  }
0xa: {  	_ =	strace $0x8000004D;
	s15 =	sadd.s32 s6, s5;
	s9 =	sshrl.u32 s31, $0x1  }
0xb: {  	s14 =	ssub.s32 s31, s9;
	s10 =	sadd.s32 s8, s10;
	s9 =	sadd.s32 $0x9C000, s2  }
0xc: {  	s16 =	sshrl.u32 s12, $0x3;
	s15 =	sadd.s32 s17, s15;
	s17 =	simm.s32 $0x27B0  }
0xd: {  	s29 =	sadd.s32 s7, s5;
	s7 =	sshrl.u32 s30, $0x2;
	s10 =	sshll.u32 s10, $0x3  }
0xe: {  	s14 =	smax.u32 s14, $0x1;
	s15 =	sadd.s32 $0x9FA608, s15;
	s5 =	sadd.s32 $0x9F5600, s29  }
0xf: {  	s6 =	sadd.s32 s7, s2;
	s10 =	sadd.s32 s13, s10;
	s13 =	sadd.s32 s13, s16  }
0x10: {  	s16 =	simm.s32 $0x1;
	s7 =	sadd.s32 $0x3400, s6;
	s8 =	sadd.s32 $0x6800, s6  }
0x11: {  	v0 =	vimm.f32 $0.0e+00;
	s11 =	sadd.s32 $0x680, s10;
	s12 =	sadd.s32 $0xD00, s10;
	s13 =	sadd.s32 $0x13800, s13  }
.LBB2_1:
0x12: {  	s20 =	sand.u32 $0xFF00, s3  }
0x13: {  	s21 =	sand.u32 $0x30, s3;
	s22 =	sshrl.u32 s20, $0x2  }
0x14: {  	s20 =	simm.s32 $0x40;
	s22 =	sor.u32 s21, s22;
	s21 =	simm.s32 $0x0  }
.LBB2_2:
0x15: {  	p1 =	sne.s32 s20, $0xCFC0  }
0x16: {  	[tilespmem:s22+$0x27B0] =	vst v0;
	s21 =	sadd.s32 $0x10, s21;
	s22 =	smov.u32 s20;
	s20 =	sadd.s32 $0x40, s20  }
.Ltmp0:
0x17: {  	(pc) =	sbr.rel @p1 .LBB2_2-.Ltmp0, $4  }
0x18: {  	_ = 	snop  }
0x19: {  	s22 =	sand.u32 $0xFF00, s22  }
0x1a: {  	s23 =	sand.u32 $0x30, s21;
	s22 =	sshrl.u32 s22, $0x2  }
0x1b: {  	s22 =	sor.u32 s23, s22  }
0x1c: {  	[tilespmem:s22+$0x27B0] =	vst v0  }
0x1d: {  	[tilespmem:s3], [sflag:$0x1] =	stream.linear.gather [hbm4b:s5+s3], $0x13B0, $0x38;
	[tilespmem:$0x12BF0] =	vst v63  }
0x1e: {  	_ =	swait.ge [sflag:s16], $0x13B0  }
0x1f: {  	[sflag:s16] =	ssyncset.done $0x0  }
0x20: {  	[sflag:s16] =	ssyncadd.s32 $0xFFFFEC50  }
0x21: {  	[spmem:s6] =	stream.linear.scatter [tilespmem:s17], [sflag:$0x1], $0x3400, $0x38;
	[tilespmem:$0x12BF0] =	vst v63  }
0x22: {  	_ =	swait.ge [sflag:s16], $0x3400  }
0x23: {  	[sflag:s16] =	ssyncset.done $0x0  }
0x24: {  	[sflag:s16] =	ssyncadd.s32 $0xFFFFCC00  }
0x25: {  	[spmem:s7] =	stream.linear.scatter [tilespmem:s17], [sflag:$0x1], $0x3400, $0x38;
	[tilespmem:$0x12BF0] =	vst v63  }
0x26: {  	_ =	swait.ge [sflag:s16], $0x3400  }
0x27: {  	[sflag:s16] =	ssyncset.done $0x0  }
0x28: {  	[sflag:s16] =	ssyncadd.s32 $0xFFFFCC00  }
0x29: {  	[spmem:s8] =	stream.linear.scatter [tilespmem:s17], [sflag:$0x1], $0x3400, $0x38;
	[tilespmem:$0x12BF0] =	vst v63  }
0x2a: {  	_ =	swait.ge [sflag:s16], $0x3400  }
0x2b: {  	[sflag:s16] =	ssyncset.done $0x0  }
0x2c: {  	s20 =	simm.s32 @!p0 $0x27B0;
	[sflag:s16] =	ssyncadd.s32 $0xFFFFCC00  }
0x2d: {  	[spmem:s9] =	stream.linear.scatter @!p0 [tilespmem:s20], [sflag:$0x1], $0x400, $0x38;
	[tilespmem:$0x12BF0] =	vst v63  }
0x2e: {  	s20 =	simm.s32 @!p0 $0x1  }
0x2f: {  	p1 =	sgt.u32 s4, $0x7CF;
	_ =	swait.ge @!p0 [sflag:s20], $0x400  }
0x30: {  	s21 =	simm.s32 @!p1 $0x40;
	[sflag:s20] =	ssyncset.done @!p0 $0x0  }
0x31: {  	s22 =	simm.s32 @!p1 $0x80;
	s23 =	simm.s32 @!p1 $0x13B0;
	[sflag:s20] =	ssyncadd.s32 @!p0 $0xFFFFFC00  }
0x32: {  	s24 =	simm.s32 @!p1 $0x2;
	s20 =	sadd.s32 @!p1 $0xFFFFFFF8, s15;
	[bflag:$0x0] =	sbarrier.arrive $0xFFFF  }
0x33: {  	[tilespmem:s23], [sflag:$0x2] =	stream.strided.gather @!p1 [hbm4b:s20+s21], $0xA00, s22, s21, $0x38;
	[tilespmem:$0x12BF0] =	vst v63  }
0x34: {  	_ =	swait.ge @!p1 [sflag:s24], $0xA00;
	p1 =	por p1, p1  }
0x35: {  	[sflag:s24] =	ssyncset.done @!p1 $0x0  }
0x36: {  	s20 =	simm.s32 @!p1 $0x1DB0;
	[sflag:s24] =	ssyncadd.s32 @!p1 $0xFFFFF600  }
0x37: {  	[tilespmem:s20], [sflag:$0x2] =	stream.strided.gather @!p1 [hbm4b:s15+s21], $0xA00, s22, s21, $0x38;
	[tilespmem:$0x12BF0] =	vst v63  }
0x38: {  	_ =	swait.ge @!p1 [sflag:s24], $0xA00  }
0x39: {  	[sflag:s24] =	ssyncset.done @!p1 $0x0  }
0x3a: {  	s21 =	simm.s32 @!p1 $0x0;
	s22 =	simm.s32 @!p1 $0x28;
	[sflag:s24] =	ssyncadd.s32 @!p1 $0xFFFFF600  }
0x3b: {  	[spmem:s2] =	stream.indirect.scatter.add.f32 @!p1 [tilespmem:s23], [sflag:$0x2], $0x40, s21, s22, $0xb8;
	[tilespmem:$0x12BF0] =	vst v63  }
0x3c: {  	_ =	swait.ge @!p1 [sflag:s24], $0xA00  }
0x3d: {  	[sflag:s24] =	ssyncset.done @!p1 $0x0  }
0x3e: {  	s21 =	simm.s32 @!p1 $0x28;
	[sflag:s24] =	ssyncadd.s32 @!p1 $0xFFFFF600  }
0x3f: {  	[spmem:s2] =	stream.indirect.scatter.add.f32 @!p1 [tilespmem:s20], [sflag:$0x1], $0x40, s21, s22, $0xb8;
	[tilespmem:$0x12BF0] =	vst v63  }
0x40: {  	s23 =	sadd.s32 $0x20, s4;
	s24 =	simm.s32 @!p1 $0x1;
	s20 =	simm.s32 $0x140  }
0x41: {  	s22 =	simm.s32 $0x280;
	s21 =	sadd.s32 $0x5000, s15;
	_ =	swait.ge @!p1 [sflag:s24], $0xA00  }
.LBB2_4:
0x42: {  	p3 =	sgt.u32 s23, $0x7CF  }
0x43: {  	[sflag:s24] =	ssyncset.done @!p1 $0x0;
	s25 =	smov.u32 s22;
	s22 =	sadd.s32 $0x140, s22  }
0x44: {  	s26 =	sadd.s32 @!p3 $0xFFFFFFF8, s21;
	s28 =	simm.s32 @!p3 $0x40;
	[sflag:s24] =	ssyncadd.s32 @!p1 $0xFFFFF600  }
0x45: {  	s24 =	simm.s32 @!p3 $0x80;
	s29 =	simm.s32 @!p3 $0x13B0;
	s30 =	simm.s32 @!p3 $0x2  }
0x46: {  	[tilespmem:s29], [sflag:$0x2] =	stream.strided.gather @!p3 [hbm4b:s26+s28], $0xA00, s24, s28, $0x38;
	[tilespmem:$0x12BF0] =	vst v63  }
0x47: {  	p2 =	sne.s32 s22, $0x4EC0;
	p1 =	por p3, p3;
	_ =	swait.ge @!p3 [sflag:s30], $0xA00  }
0x48: {  	s26 =	simm.s32 @!p1 $0x1DB0;
	[sflag:s30] =	ssyncset.done @!p1 $0x0  }
0x49: {  	[sflag:s30] =	ssyncadd.s32 @!p1 $0xFFFFF600  }
0x4a: {  	[tilespmem:s26], [sflag:$0x2] =	stream.strided.gather @!p1 [hbm4b:s21+s28], $0xA00, s24, s28, $0x38;
	[tilespmem:$0x12BF0] =	vst v63  }
0x4b: {  	_ =	swait.ge @!p1 [sflag:s30], $0xA00  }
0x4c: {  	s24 =	sshra.s32 @!p1 s20, $0x2;
	s28 =	simm.s32 @!p1 $0x28;
	[sflag:s30] =	ssyncset.done @!p1 $0x0  }
0x4d: {  	s20 =	smov.u32 s25;
	s31 =	sadd.s32 @!p1 $0x28, s24;
	[sflag:s30] =	ssyncadd.s32 @!p1 $0xFFFFF600  }
0x4e: {  	[spmem:s2] =	stream.indirect.scatter.add.f32 @!p1 [tilespmem:s29], [sflag:$0x2], $0x40, s24, s28, $0xb8;
	[tilespmem:$0x12BF0] =	vst v63  }
.Ltmp1:
0x4f: {  	_ =	swait.ge @!p1 [sflag:s30], $0xA00;
	(pc) =	sbr.rel @p2 .LBB2_4-.Ltmp1, $4  }
0x50: {  	[sflag:s30] =	ssyncset.done @!p1 $0x0  }
0x51: {  	s24 =	simm.s32 @!p1 $0x1;
	[sflag:s30] =	ssyncadd.s32 @!p1 $0xFFFFF600  }
0x52: {  	[spmem:s2] =	stream.indirect.scatter.add.f32 @!p1 [tilespmem:s26], [sflag:$0x1], $0x40, s31, s28, $0xb8;
	[tilespmem:$0x12BF0] =	vst v63  }
0x53: {  	s23 =	sadd.s32 $0x20, s23;
	s21 =	sadd.s32 $0x5000, s21;
	_ =	swait.ge @!p1 [sflag:s24], $0xA00  }
0x54: {  	p2 =	sgt.u32 s23, $0x7CF;
	[sflag:s24] =	ssyncset.done @!p1 $0x0  }
0x55: {  	s22 =	sadd.s32 @!p2 $0xFFFFFFF8, s21;
	s23 =	simm.s32 @!p2 $0x40;
	[sflag:s24] =	ssyncadd.s32 @!p1 $0xFFFFF600  }
0x56: {  	s24 =	simm.s32 @!p2 $0x80;
	s25 =	simm.s32 @!p2 $0x13B0;
	s26 =	simm.s32 @!p2 $0x2  }
0x57: {  	[tilespmem:s25], [sflag:$0x2] =	stream.strided.gather @!p2 [hbm4b:s22+s23], $0xA00, s24, s23, $0x38;
	[tilespmem:$0x12BF0] =	vst v63  }
0x58: {  	p1 =	por p2, p2;
	_ =	swait.ge @!p2 [sflag:s26], $0xA00  }
0x59: {  	[sflag:s26] =	ssyncset.done @!p1 $0x0  }
0x5a: {  	s22 =	simm.s32 @!p1 $0x1DB0;
	[sflag:s26] =	ssyncadd.s32 @!p1 $0xFFFFF600  }
0x5b: {  	[tilespmem:s22], [sflag:$0x2] =	stream.strided.gather @!p1 [hbm4b:s21+s23], $0xA00, s24, s23, $0x38;
	[tilespmem:$0x12BF0] =	vst v63  }
0x5c: {  	_ =	swait.ge @!p1 [sflag:s26], $0xA00  }
0x5d: {  	[sflag:s26] =	ssyncset.done @!p1 $0x0  }
0x5e: {  	s20 =	sshra.s32 @!p1 s20, $0x2;
	s21 =	simm.s32 @!p1 $0x28;
	[sflag:s26] =	ssyncadd.s32 @!p1 $0xFFFFF600  }
0x5f: {  	[spmem:s2] =	stream.indirect.scatter.add.f32 @!p1 [tilespmem:s25], [sflag:$0x2], $0x40, s20, s21, $0xb8;
	[tilespmem:$0x12BF0] =	vst v63  }
0x60: {  	_ =	swait.ge @!p1 [sflag:s26], $0xA00  }
0x61: {  	[sflag:s26] =	ssyncset.done @!p1 $0x0  }
0x62: {  	s23 =	simm.s32 @!p1 $0x1;
	s20 =	sadd.s32 @!p1 $0x28, s20;
	[sflag:s26] =	ssyncadd.s32 @!p1 $0xFFFFF600  }
0x63: {  	[spmem:s2] =	stream.indirect.scatter.add.f32 @!p1 [tilespmem:s22], [sflag:$0x1], $0x40, s20, s21, $0xb8;
	[tilespmem:$0x12BF0] =	vst v63  }
0x64: {  	_ =	swait.ge @!p1 [sflag:s23], $0xA00  }
0x65: {  	[sflag:s23] =	ssyncset.done @!p1 $0x0  }
0x66: {  	[sflag:s23] =	ssyncadd.s32 @!p1 $0xFFFFF600  }
0x67: {  	[bflag:$0x0] =	sbarrier.arrive $0xFFFF  }
0x68: {  	[tilespmem:s18], [sflag:$0x1] =	stream.linear.gather [spmem:s6], $0x3400, $0x38;
	[tilespmem:$0x12BF0] =	vst v63  }
0x69: {  	_ =	swait.ge [sflag:s16], $0x3400  }
0x6a: {  	[sflag:s16] =	ssyncset.done $0x0  }
0x6b: {  	[sflag:s16] =	ssyncadd.s32 $0xFFFFCC00  }
0x6c: {  	[hbm4b:s10+s3] =	stream.linear.scatter [tilespmem:s18], [sflag:$0x1], $0x3400, $0x38;
	[tilespmem:$0x12BF0] =	vst v63  }
0x6d: {  	_ =	swait.ge [sflag:s16], $0x3400  }
0x6e: {  	[sflag:s16] =	ssyncset.done $0x0  }
0x6f: {  	[sflag:s16] =	ssyncadd.s32 $0xFFFFCC00  }
0x70: {  	[tilespmem:s18], [sflag:$0x1] =	stream.linear.gather [spmem:s7], $0x3400, $0x38;
	[tilespmem:$0x12BF0] =	vst v63  }
0x71: {  	_ =	swait.ge [sflag:s16], $0x3400  }
0x72: {  	[sflag:s16] =	ssyncset.done $0x0  }
0x73: {  	[sflag:s16] =	ssyncadd.s32 $0xFFFFCC00  }
0x74: {  	[hbm4b:s11+s3] =	stream.linear.scatter [tilespmem:s18], [sflag:$0x1], $0x3400, $0x38;
	[tilespmem:$0x12BF0] =	vst v63  }
0x75: {  	_ =	swait.ge [sflag:s16], $0x3400  }
0x76: {  	[sflag:s16] =	ssyncset.done $0x0  }
0x77: {  	[sflag:s16] =	ssyncadd.s32 $0xFFFFCC00  }
0x78: {  	[tilespmem:s18], [sflag:$0x1] =	stream.linear.gather [spmem:s8], $0x3400, $0x38;
	[tilespmem:$0x12BF0] =	vst v63  }
0x79: {  	_ =	swait.ge [sflag:s16], $0x3400  }
0x7a: {  	[sflag:s16] =	ssyncset.done $0x0  }
0x7b: {  	[sflag:s16] =	ssyncadd.s32 $0xFFFFCC00  }
0x7c: {  	[hbm4b:s12+s3] =	stream.linear.scatter [tilespmem:s18], [sflag:$0x1], $0x3400, $0x38;
	[tilespmem:$0x12BF0] =	vst v63  }
0x7d: {  	_ =	swait.ge [sflag:s16], $0x3400  }
0x7e: {  	[sflag:s16] =	ssyncset.done $0x0  }
0x7f: {  	s20 =	simm.s32 @!p0 $0x5BB0;
	s21 =	simm.s32 @!p0 $0x1;
	[sflag:s16] =	ssyncadd.s32 $0xFFFFCC00  }
0x80: {  	[tilespmem:s20], [sflag:$0x1] =	stream.linear.gather @!p0 [spmem:s9], $0x400, $0x38;
	[tilespmem:$0x12BF0] =	vst v63  }
0x81: {  	s19 =	sadd.s32 $0x1, s19;
	_ =	swait.ge @!p0 [sflag:s21], $0x400  }
0x82: {  	p1 =	sne.s32 s19, s14;
	[sflag:s21] =	ssyncset.done @!p0 $0x0  }
.Ltmp2:
0x83: {  	s22 =	simm.s32 @!p0 $0x0;
	[sflag:s21] =	ssyncadd.s32 @!p0 $0xFFFFFC00;
	(pc) =	sbr.rel @p1 .LBB2_1-.Ltmp2, $4  }
0x84: {  	[hbm4b:s13+s22] =	stream.linear.scatter @!p0 [tilespmem:s20], [sflag:$0x1], $0x400, $0x38;
	[tilespmem:$0x12BF0] =	vst v63  }
0x85: {  	_ =	swait.ge @!p0 [sflag:s21], $0x400  }
0x86: {  	[sflag:s21] =	ssyncset.done @!p0 $0x0  }
0x87: {  	[sflag:s21] =	ssyncadd.s32 @!p0 $0xFFFFFC00  }
0x88: {  	_ =	sfence.sel $0x180000  }
0x89: {  	[bflag:$0x0] =	sbarrier.arrive $0xFFFF  }
0x8a: {  	p0 =	sne.s32 s1, $0x0;
	_ =	strace $0x9000004D  }
0x8b: {  	s0 =	sadd.s32 @!p0 $0x100000, s0;
	[bflag:$0x2] =	sbarrier.arrive $0xFFFF  }
0x8c: {  	[sflag:s0] =	ssyncadd.tile.s32 @!p0 $0x1;
	_ =	shalt  }
.Lfunc_end2:
_tile_overlayer_lowered:
.L_overlay_start_2:
0x8d: {  	(tag) =	ssettag $0x2  }
0x8e: {  	s0 =	rddreg [dreg:$0x0];
	s2 =	stileid.u32  }
0x8f: {  	s1 =	rddreg [dreg:$0x1];
	p0 =	sne.s32 s2, $0x0  }
0x90: {  	s3 =	rddreg [dreg:$0x2];
	[bflag:$0x3] =	sbarrier.arrive $0xFFFF;
	s2 =	simm.s32 @!p0 $0x1C01  }
0x91: {  	[timem:s3], [sflag:s2] =	dma.local @!p0 [hbm:s0], s1  }
0x92: {  	s0 =	simm.s32 @!p0 $0x1  }
0x93: {  	_ =	swait.ge @!p0 [sflag:s0], s1  }
0x94: {  	s1 =	ssub.s32 @!p0 $0x0, s1;
	[sflag:s0] =	ssyncset.done @!p0 $0x0  }
0x95: {  	[sflag:s0] =	ssyncadd.s32 @!p0 s1  }
0x96: {  	[bflag:$0x3] =	sbarrier.arrive $0xFFFF  }
0x97: {  	_ =	shalt  }

</sc_bundles>
